<compile_context>
chip_gen: v7x
topology: tpu7x:2x2x1
jax: 0.10.2.dev20260603
libtpu: 0.0.44.dev20260713+nightly
codegen_flags: <defaults>
</compile_context>

<pallas_src>
import functools

import jax
import jax.numpy as jnp
from jax import lax
from jax.experimental import pallas as pl
from jax.experimental.pallas import tpu as pltpu
from jax.experimental.pallas import tpu_sc as plsc

N = 10000
E = 160000
D_IN = 256
D_H = 256
D_OUT = 128

N_PAD = 10240
SEG = E // 32
SEG_PAD = 5120
E_PAD = 32 * SEG_PAD
K = 128
K_E = 128
NBUF = 2
NT = 16
NC = 2
ROWS_PER_TILE = N_PAD // NT
RBLK = 256
GRID = N_PAD // RBLK

_mesh = plsc.VectorSubcoreMesh(
    core_axis_name="c", subcore_axis_name="s", num_cores=NC, num_subcores=NT)



_DEG_NB = E_PAD // NT // K


@functools.partial(
    pl.kernel,
    out_type=jax.ShapeDtypeStruct((4 * N_PAD,), jnp.float32),
    mesh=_mesh,
    scratch_types=[
        pltpu.VMEM_SHARED((N_PAD,), jnp.float32),
        pltpu.VMEM_SHARED((N_PAD,), jnp.float32),
        pltpu.VMEM((K,), jnp.float32),
        pltpu.VMEM((_DEG_NB, K), jnp.int32),
        pltpu.SemaphoreType.DMA,
        pltpu.SemaphoreType.DMA,
    ],
)
def _sc_degrees(ep3_hbm, ones_hbm, zeros_hbm, out_ref,
                acc0, acc1, onesb, idxall, s0, s1):
    accs = [acc0, acc1]
    ssem = [s0, s1]
    c = lax.axis_index("c")
    s = lax.axis_index("s")
    sl = pl.ds(pl.multiple_of(s * ROWS_PER_TILE, 8), ROWS_PER_TILE)
    pltpu.sync_copy(zeros_hbm.at[sl], acc0.at[sl])
    pltpu.sync_copy(zeros_hbm.at[sl], acc1.at[sl])
    pltpu.sync_copy(ones_hbm, onesb)

    @pl.when(c == 0)
    def _():
        pltpu.sync_copy(ep3_hbm.at[0, pl.ds(s * _DEG_NB, _DEG_NB)], idxall)

    @pl.when(c == 1)
    def _():
        pltpu.sync_copy(ep3_hbm.at[1, pl.ds(s * _DEG_NB, _DEG_NB)], idxall)

    plsc.subcore_barrier()

    def pair(j2, carry):
        for u in range(2):
            j = j2 * 2 + u
            pltpu.sync_copy(onesb, accs[u].at[idxall.at[j]], add=True)
        return carry

    lax.fori_loop(0, _DEG_NB // 2, pair, 0)
    plsc.subcore_barrier()
    ob0 = pl.ds(pl.multiple_of(2 * c * N_PAD + s * ROWS_PER_TILE, 8),
                ROWS_PER_TILE)
    ob1 = pl.ds(pl.multiple_of((2 * c + 1) * N_PAD + s * ROWS_PER_TILE, 8),
                ROWS_PER_TILE)
    pltpu.sync_copy(acc0.at[sl], out_ref.at[ob0])
    pltpu.sync_copy(acc1.at[sl], out_ref.at[ob1])


def _make_edge_agg(feature_split, PHASES):
    per_tile = E_PAD // NT if feature_split else E_PAD // (NC * NT)
    nbatch = per_tile // K_E
    ph_nb = nbatch // PHASES

    @functools.partial(
        pl.kernel,
        out_type=jax.ShapeDtypeStruct((NC * N_PAD, D_OUT), jnp.float32),
        mesh=_mesh,
        scratch_types=(
            [pltpu.VMEM_SHARED((N_PAD, D_OUT), jnp.float32),
             pltpu.VMEM((ph_nb, K_E), jnp.int32),
             pltpu.VMEM((ph_nb, K_E), jnp.int32)]
            + [pltpu.VMEM((K_E, D_OUT), jnp.float32)] * NBUF
            + [pltpu.SemaphoreType.DMA] * (2 * NBUF + 1)
        ),
    )
    def agg(table_hbm, ep3_hbm, zeros_hbm, out_hbm, acc,
            srcph, dstph, *bufs):
        rows = list(bufs[:NBUF])
        gsa = list(bufs[NBUF:2 * NBUF])
        gsb = list(bufs[2 * NBUF:3 * NBUF])
        ssem = bufs[3 * NBUF]
        c = lax.axis_index("c")
        s = lax.axis_index("s")
        sl = pl.ds(pl.multiple_of(s * ROWS_PER_TILE, 8), ROWS_PER_TILE)
        with jax.named_scope("agg_zero_init"):
            pltpu.sync_copy(zeros_hbm.at[sl], acc.at[sl])
            plsc.subcore_barrier()

        if feature_split:
            row_base = s * nbatch
        else:
            row_base = (c * NT + s) * nbatch

        def gather(j, b):
            pltpu.async_copy(table_hbm.at[srcph.at[j, pl.ds(0, 64)]],
                             rows[b].at[pl.ds(0, 64)], gsa[b])
            pltpu.async_copy(table_hbm.at[srcph.at[j, pl.ds(64, 64)]],
                             rows[b].at[pl.ds(64, 64)], gsb[b])

        def gather_wait(j, b):
            pltpu.make_async_copy(table_hbm.at[srcph.at[j, pl.ds(0, 64)]],
                                  rows[b].at[pl.ds(0, 64)], gsa[b]).wait()
            pltpu.make_async_copy(table_hbm.at[srcph.at[j, pl.ds(64, 64)]],
                                  rows[b].at[pl.ds(64, 64)], gsb[b]).wait()

        def scatter(j, b):
            pltpu.async_copy(rows[b], acc.at[dstph.at[j]], ssem, add=True)
            pltpu.make_async_copy(rows[b], acc.at[dstph.at[j]], ssem).wait()

        for p in range(PHASES):
            with jax.named_scope("agg_idx_preload"):
                pltpu.sync_copy(
                    ep3_hbm.at[0, pl.ds(row_base + p * ph_nb, ph_nb)], srcph)
                pltpu.sync_copy(
                    ep3_hbm.at[1, pl.ds(row_base + p * ph_nb, ph_nb)], dstph)

            off = c * N_PAD

            def add_off(jj, carry):
                for k2 in range(K_E // 16):
                    ch = pl.ds(k2 * 16, 16)
                    srcph[jj, ch] = srcph[jj, ch] + off
                return carry

            lax.fori_loop(0, ph_nb, add_off, 0)

            for b in range(NBUF):
                gather(b, b)

            def ring(j4, carry):
                for u in range(NBUF):
                    j = j4 * NBUF + u
                    gather_wait(j, u)
                    scatter(j, u)

                    @pl.when(j + NBUF < ph_nb)
                    def _():
                        gather(j + NBUF, u)
                return carry

            with jax.named_scope("agg_ring"):
                lax.fori_loop(0, ph_nb // NBUF, ring, 0)

        with jax.named_scope("agg_copy_out"):
            plsc.subcore_barrier()
            ob = pl.ds(pl.multiple_of(c * N_PAD + s * ROWS_PER_TILE, 8),
                       ROWS_PER_TILE)
            pltpu.sync_copy(acc.at[sl], out_hbm.at[ob])

    return agg


_edge_agg_l1 = _make_edge_agg(feature_split=True, PHASES=2)
_edge_agg_l2 = _make_edge_agg(feature_split=False, PHASES=1)



def _elu(x):
    return jnp.where(x > 0, x, jnp.exp(jnp.minimum(x, 0.0)) - 1.0)


def _tc1_body(x_ref, w_ref, ps0_ref, ps1_ref, pd0_ref, pd1_ref,
              h1_ref, ns_ref, nd_ref):
    ns = lax.rsqrt(jnp.maximum(ps0_ref[...] + ps1_ref[...], 1.0))
    nd = lax.rsqrt(jnp.maximum(pd0_ref[...] + pd1_ref[...], 1.0))
    ns_ref[...] = ns
    nd_ref[...] = nd
    m = jnp.dot(x_ref[...], w_ref[...], preferred_element_type=jnp.float32)
    m = m * ns
    h1_ref[0] = m[:, :D_OUT]
    h1_ref[1] = m[:, D_OUT:]


def _tc1(x_pad, w1, ps0, ps1, pd0, pd1):
    return pl.pallas_call(
        _tc1_body,
        grid=(GRID,),
        in_specs=[
            pl.BlockSpec((RBLK, D_IN), lambda i: (i, 0)),
            pl.BlockSpec((D_IN, D_H), lambda i: (0, 0)),
            pl.BlockSpec((RBLK, 1), lambda i: (i, 0)),
            pl.BlockSpec((RBLK, 1), lambda i: (i, 0)),
            pl.BlockSpec((RBLK, 1), lambda i: (i, 0)),
            pl.BlockSpec((RBLK, 1), lambda i: (i, 0)),
        ],
        out_specs=[
            pl.BlockSpec((NC, RBLK, D_OUT), lambda i: (0, i, 0)),
            pl.BlockSpec((RBLK, 1), lambda i: (i, 0)),
            pl.BlockSpec((RBLK, 1), lambda i: (i, 0)),
        ],
        out_shape=[
            jax.ShapeDtypeStruct((NC, N_PAD, D_OUT), jnp.float32),
            jax.ShapeDtypeStruct((N_PAD, 1), jnp.float32),
            jax.ShapeDtypeStruct((N_PAD, 1), jnp.float32),
        ],
    )(x_pad, w1, ps0, ps1, pd0, pd1)


def _tc2_body(agg_ref, ns_ref, nd_ref, b1_ref, w2_ref, h2_ref):
    nd = nd_ref[...]
    ns = ns_ref[...]
    ta = _elu(agg_ref[0] * nd + b1_ref[0:1, 0, :]) * ns
    tb = _elu(agg_ref[1] * nd + b1_ref[0:1, 1, :]) * ns
    h2 = jnp.dot(ta, w2_ref[0], preferred_element_type=jnp.float32)
    h2 = h2 + jnp.dot(tb, w2_ref[1], preferred_element_type=jnp.float32)
    h2_ref[0] = h2
    h2_ref[1] = h2


def _tc2(agg1, ns, nd, b1r, w2r):
    return pl.pallas_call(
        _tc2_body,
        grid=(GRID,),
        in_specs=[
            pl.BlockSpec((NC, RBLK, D_OUT), lambda i: (0, i, 0)),
            pl.BlockSpec((RBLK, 1), lambda i: (i, 0)),
            pl.BlockSpec((RBLK, 1), lambda i: (i, 0)),
            pl.BlockSpec((1, NC, D_OUT), lambda i: (0, 0, 0)),
            pl.BlockSpec((NC, D_OUT, D_OUT), lambda i: (0, 0, 0)),
        ],
        out_specs=pl.BlockSpec((NC, RBLK, D_OUT), lambda i: (0, i, 0)),
        out_shape=jax.ShapeDtypeStruct((NC, N_PAD, D_OUT), jnp.float32),
    )(agg1, ns, nd, b1r, w2r)


def _tc3_body(p_ref, nd_ref, b2_ref, out_ref):
    a = (p_ref[0] + p_ref[1]) * nd_ref[...] + b2_ref[...]
    out_ref[...] = _elu(a)


def _tc3(agg2, nd, b2r):
    return pl.pallas_call(
        _tc3_body,
        grid=(GRID,),
        in_specs=[
            pl.BlockSpec((NC, RBLK, D_OUT), lambda i: (0, i, 0)),
            pl.BlockSpec((RBLK, 1), lambda i: (i, 0)),
            pl.BlockSpec((1, D_OUT), lambda i: (0, 0)),
        ],
        out_specs=pl.BlockSpec((RBLK, D_OUT), lambda i: (i, 0)),
        out_shape=jax.ShapeDtypeStruct((N_PAD, D_OUT), jnp.float32),
    )(agg2, nd, b2r)



def kernel(features, edge_index, W1, b1, W2, b2):
    ep = edge_index.astype(jnp.int32).reshape(2, 32, SEG)
    pad_src = jnp.full((SEG_PAD - SEG,), N, dtype=jnp.int32)
    pad_dst = N + (jnp.arange(SEG_PAD - SEG, dtype=jnp.int32) % (N_PAD - N))
    pad_blk = jnp.broadcast_to(
        jnp.stack([pad_src, pad_dst])[:, None, :], (2, 32, SEG_PAD - SEG))
    ep_pad = jnp.concatenate([ep, pad_blk], axis=2).reshape(2, E_PAD // K, K)
    ep_e = ep_pad.reshape(2, E_PAD // K_E, K_E)

    x_pad = jnp.pad(features, ((0, N_PAD - N), (0, 0)))
    ones1 = jnp.ones((K,), jnp.float32)
    zeros1 = jnp.zeros((N_PAD,), jnp.float32)
    zeros_t = jnp.zeros((N_PAD, D_OUT), jnp.float32)

    deg_f = _sc_degrees(ep_pad, ones1, zeros1)
    ps0 = deg_f[0 * N_PAD:1 * N_PAD].reshape(N_PAD, 1)
    ps1 = deg_f[1 * N_PAD:2 * N_PAD].reshape(N_PAD, 1)
    pd0 = deg_f[2 * N_PAD:3 * N_PAD].reshape(N_PAD, 1)
    pd1 = deg_f[3 * N_PAD:4 * N_PAD].reshape(N_PAD, 1)

    h1, ns, nd = _tc1(x_pad, W1, ps0, ps1, pd0, pd1)

    agg1_f = _edge_agg_l1(h1.reshape(NC * N_PAD, D_OUT), ep_e, zeros_t)
    agg1 = agg1_f.reshape(NC, N_PAD, D_OUT)

    h2 = _tc2(agg1, ns, nd, b1.reshape(1, NC, D_OUT),
              W2.reshape(NC, D_OUT, D_OUT))

    agg2_f = _edge_agg_l2(h2.reshape(NC * N_PAD, D_OUT), ep_e, zeros_t)
    agg2 = agg2_f.reshape(NC, N_PAD, D_OUT)

    logits = _tc3(agg2, nd, b2.reshape(1, D_OUT))
    return logits[:N]

# --- scband reference (transcript-rebuilt; emitter-appended) ---
"""Pipeline reference for scband-gnnmodel-dgl-39359080300870 (READ-ONLY COPY).

The authoritative reference and input builder live on the scoring server;
editing this copy changes nothing except your own understanding.
"""

import jax, jax.numpy as jnp
import numpy as np

N = 10000
E = 160000
D_IN = 256
D_H = 256
D_OUT = 128


def setup_inputs(seed: int = 0) -> dict:
    key = jax.random.key(seed)
    k1, k2, k3, k4, k5, k6 = jax.random.split(key, 6)
    features = jax.random.normal(k1, (N, D_IN), dtype=jnp.float32)
    edge_index = jax.random.randint(k2, (2, E), 0, N, dtype=jnp.int32)
    # GraphConv weights (xavier-ish scaling)
    W1 = jax.random.normal(k3, (D_IN, D_H), dtype=jnp.float32) * (1.0 / np.sqrt(D_IN))
    b1 = jnp.zeros((D_H,), dtype=jnp.float32)
    W2 = jax.random.normal(k4, (D_H, D_OUT), dtype=jnp.float32) * (1.0 / np.sqrt(D_H))
    b2 = jnp.zeros((D_OUT,), dtype=jnp.float32)
    return {"features": features, "edge_index": edge_index, "W1": W1, "b1": b1, "W2": W2, "b2": b2}


def _graph_conv(x, W, b, src, dst, n_nodes):
    # DGL GraphConv with norm='both':
    #   h = D_in^{-1/2} A D_out^{-1/2} x W + b
    e = src.shape[0]
    ones = jnp.ones((e,), dtype=jnp.float32)
    deg_out = jax.ops.segment_sum(ones, src, num_segments=n_nodes)
    deg_out = jnp.maximum(deg_out, 1.0)
    norm_src = jax.lax.rsqrt(deg_out)
    h = x * norm_src[:, None]
    # mult W first (in_feats >= out_feats path in DGL; mathematically equivalent)
    h = h @ W
    msg = jnp.take(h, src, axis=0)
    agg = jax.ops.segment_sum(msg, dst, num_segments=n_nodes)
    deg_in = jax.ops.segment_sum(ones, dst, num_segments=n_nodes)
    deg_in = jnp.maximum(deg_in, 1.0)
    norm_dst = jax.lax.rsqrt(deg_in)
    agg = agg * norm_dst[:, None]
    return agg + b


def reference(features, edge_index, W1, b1, W2, b2):
    src = edge_index[0]
    dst = edge_index[1]
    n_nodes = features.shape[0]
    # name == 'gcn' branch: h = drop(h); h = l1(g, h); logits = l2(g, h)
    # dropout p=0.0 -> identity
    h = features
    h = jax.nn.elu(_graph_conv(h, W1, b1, src, dst, n_nodes))
    logits = jax.nn.elu(_graph_conv(h, W2, b2, src, dst, n_nodes))
    return logits

if __name__ == "__main__":
    import jax
    _d = setup_inputs()
    print(jax.jit(kernel)(*tuple(_d.values())))

</pallas_src>

<mosaic_0001>
#map = affine_map<(d0, d1) -> (0, 0)>
#map1 = affine_map<(d0, d1) -> (0, 0, 0)>
module attributes {stable_mosaic.version = 14 : i64} {
  func.func @agg(%arg0: i32, %arg1: i32, %arg2: memref<20480x128xf32, #tpu.memory_space<hbm>>, %arg3: memref<2x1280x128xi32, #tpu.memory_space<hbm>>, %arg4: memref<10240x128xf32, #tpu.memory_space<hbm>>, %arg5: memref<20480x128xf32, #tpu.memory_space<hbm>>, %arg6: memref<10240x128xf32, #tpu.memory_space<vmem_shared>>, %arg7: memref<40x128xi32, #tpu.memory_space<vmem>>, %arg8: memref<40x128xi32, #tpu.memory_space<vmem>>, %arg9: memref<128x128xf32, #tpu.memory_space<vmem>>, %arg10: memref<128x128xf32, #tpu.memory_space<vmem>>, %arg11: memref<!tpu.dma_semaphore, #tpu.memory_space<semaphore_mem>>, %arg12: memref<!tpu.dma_semaphore, #tpu.memory_space<semaphore_mem>>, %arg13: memref<!tpu.dma_semaphore, #tpu.memory_space<semaphore_mem>>, %arg14: memref<!tpu.dma_semaphore, #tpu.memory_space<semaphore_mem>>, %arg15: memref<!tpu.dma_semaphore, #tpu.memory_space<semaphore_mem>>) attributes {dimension_semantics = [#tpu.dimension_semantics<core_parallel>, #tpu.dimension_semantics<subcore_parallel>], iteration_bounds = array<i64: 2, 16>, scalar_prefetch = 0 : i64, scratch_operands = 10 : i64, tpu.core_type = #tpu.core_type<sc_vector_subcore>, window_params = [{transform_indices = #map}, {transform_indices = #map1}, {transform_indices = #map}, {transform_indices = #map}]} {
    %mul3A = arith.constant 640 : i32
    %mul3A_0 = arith.muli %arg1, %mul3A : i32
    %multiple_of3A = tpu.assume_multiple %mul3A_0, 8 : i32
    "tpu.trace_start"() <{level = 10 : i32, message = "agg_zero_init"}> : () -> ()
    "tpu.region"() ({
      %run_scoped3A_126 = tpu.sem_alloc : memref<!tpu.dma_semaphore, #tpu.memory_space<semaphore_mem>>
      %dma_start3A_127 = arith.constant 0 : i32
      %dma_start3A_128 = tpu.memref_slice %arg6[%multiple_of3A, %dma_start3A_127] : memref<10240x128xf32, #tpu.memory_space<vmem_shared>> -> memref<640x128xf32, #tpu.memory_space<vmem_shared>>
      %dma_start3A_129 = arith.constant 0 : i32
      %dma_start3A_130 = tpu.memref_slice %arg4[%multiple_of3A, %dma_start3A_129] : memref<10240x128xf32, #tpu.memory_space<hbm>> -> memref<640x128xf32, #tpu.memory_space<hbm>>
      tpu.enqueue_dma source(%dma_start3A_130 : memref<640x128xf32, #tpu.memory_space<hbm>>) target(%dma_start3A_128 : memref<640x128xf32, #tpu.memory_space<vmem_shared>>) target_semaphore(%run_scoped3A_126 : memref<!tpu.dma_semaphore, #tpu.memory_space<semaphore_mem>>)
      %dma_wait3A = arith.constant 0 : i32
      %dma_wait3A_131 = tpu.memref_slice %arg6[%multiple_of3A, %dma_wait3A] : memref<10240x128xf32, #tpu.memory_space<vmem_shared>> -> memref<640x128xf32, #tpu.memory_space<vmem_shared>>
      %dma_wait3A_132 = arith.constant 0 : i32
      %dma_wait3A_133 = tpu.memref_slice %arg4[%multiple_of3A, %dma_wait3A_132] : memref<10240x128xf32, #tpu.memory_space<hbm>> -> memref<640x128xf32, #tpu.memory_space<hbm>>
      tpu.wait_dma2 semaphore(%run_scoped3A_126 : memref<!tpu.dma_semaphore, #tpu.memory_space<semaphore_mem>>) src(%dma_wait3A_133 : memref<640x128xf32, #tpu.memory_space<hbm>>) dst(%dma_wait3A_131 : memref<640x128xf32, #tpu.memory_space<vmem_shared>>)
      tpu.yield
    }) : () -> ()
    %barrier3A = arith.constant 0 : index
    tpu.barrier barrier_id(%barrier3A)
    "tpu.trace_stop"() : () -> ()
    %mul3A_1 = arith.constant 80 : i32
    %mul3A_2 = arith.muli %arg1, %mul3A_1 : i32
    "tpu.trace_start"() <{level = 10 : i32, message = "agg_idx_preload"}> : () -> ()
    %add3A = arith.constant 0 : i32
    %add3A_3 = arith.addi %mul3A_2, %add3A : i32
    %run_scoped3A = arith.constant 0 : i32
    "tpu.region"() ({
      %run_scoped3A_126 = tpu.sem_alloc : memref<!tpu.dma_semaphore, #tpu.memory_space<semaphore_mem>>
      %dma_start3A_127 = arith.constant 0 : i32
      %dma_start3A_128 = tpu.memref_slice %arg3[%run_scoped3A, %add3A_3, %dma_start3A_127] : memref<2x1280x128xi32, #tpu.memory_space<hbm>> -> memref<1x40x128xi32, #tpu.memory_space<hbm>>
      %dma_start3A_129 = tpu.memref_squeeze %dma_start3A_128 : memref<1x40x128xi32, #tpu.memory_space<hbm>> -> memref<40x128xi32, #tpu.memory_space<hbm>>
      %dma_start3A_130 = arith.constant 0 : i32
      %dma_start3A_131 = tpu.memref_slice %arg3[%run_scoped3A, %add3A_3, %dma_start3A_130] : memref<2x1280x128xi32, #tpu.memory_space<hbm>> -> memref<1x40x128xi32, #tpu.memory_space<hbm>>
      %dma_start3A_132 = tpu.memref_squeeze %dma_start3A_131 : memref<1x40x128xi32, #tpu.memory_space<hbm>> -> memref<40x128xi32, #tpu.memory_space<hbm>>
      tpu.enqueue_dma source(%dma_start3A_132 : memref<40x128xi32, #tpu.memory_space<hbm>>) target(%arg7 : memref<40x128xi32, #tpu.memory_space<vmem>>) target_semaphore(%run_scoped3A_126 : memref<!tpu.dma_semaphore, #tpu.memory_space<semaphore_mem>>)
      %dma_wait3A = arith.constant 0 : i32
      %dma_wait3A_133 = tpu.memref_slice %arg3[%run_scoped3A, %add3A_3, %dma_wait3A] : memref<2x1280x128xi32, #tpu.memory_space<hbm>> -> memref<1x40x128xi32, #tpu.memory_space<hbm>>
      %dma_wait3A_134 = tpu.memref_squeeze %dma_wait3A_133 : memref<1x40x128xi32, #tpu.memory_space<hbm>> -> memref<40x128xi32, #tpu.memory_space<hbm>>
      %dma_wait3A_135 = arith.constant 0 : i32
      %dma_wait3A_136 = tpu.memref_slice %arg3[%run_scoped3A, %add3A_3, %dma_wait3A_135] : memref<2x1280x128xi32, #tpu.memory_space<hbm>> -> memref<1x40x128xi32, #tpu.memory_space<hbm>>
      %dma_wait3A_137 = tpu.memref_squeeze %dma_wait3A_136 : memref<1x40x128xi32, #tpu.memory_space<hbm>> -> memref<40x128xi32, #tpu.memory_space<hbm>>
      tpu.wait_dma2 semaphore(%run_scoped3A_126 : memref<!tpu.dma_semaphore, #tpu.memory_space<semaphore_mem>>) src(%dma_wait3A_137 : memref<40x128xi32, #tpu.memory_space<hbm>>) dst(%arg7 : memref<40x128xi32, #tpu.memory_space<vmem>>)
      tpu.yield
    }) : () -> ()
    %add3A_4 = arith.constant 0 : i32
    %add3A_5 = arith.addi %mul3A_2, %add3A_4 : i32
    %run_scoped3A_6 = arith.constant 1 : i32
    "tpu.region"() ({
      %run_scoped3A_126 = tpu.sem_alloc : memref<!tpu.dma_semaphore, #tpu.memory_space<semaphore_mem>>
      %dma_start3A_127 = arith.constant 0 : i32
      %dma_start3A_128 = tpu.memref_slice %arg3[%run_scoped3A_6, %add3A_5, %dma_start3A_127] : memref<2x1280x128xi32, #tpu.memory_space<hbm>> -> memref<1x40x128xi32, #tpu.memory_space<hbm>>
      %dma_start3A_129 = tpu.memref_squeeze %dma_start3A_128 : memref<1x40x128xi32, #tpu.memory_space<hbm>> -> memref<40x128xi32, #tpu.memory_space<hbm>>
      %dma_start3A_130 = arith.constant 0 : i32
      %dma_start3A_131 = tpu.memref_slice %arg3[%run_scoped3A_6, %add3A_5, %dma_start3A_130] : memref<2x1280x128xi32, #tpu.memory_space<hbm>> -> memref<1x40x128xi32, #tpu.memory_space<hbm>>
      %dma_start3A_132 = tpu.memref_squeeze %dma_start3A_131 : memref<1x40x128xi32, #tpu.memory_space<hbm>> -> memref<40x128xi32, #tpu.memory_space<hbm>>
      tpu.enqueue_dma source(%dma_start3A_132 : memref<40x128xi32, #tpu.memory_space<hbm>>) target(%arg8 : memref<40x128xi32, #tpu.memory_space<vmem>>) target_semaphore(%run_scoped3A_126 : memref<!tpu.dma_semaphore, #tpu.memory_space<semaphore_mem>>)
      %dma_wait3A = arith.constant 0 : i32
      %dma_wait3A_133 = tpu.memref_slice %arg3[%run_scoped3A_6, %add3A_5, %dma_wait3A] : memref<2x1280x128xi32, #tpu.memory_space<hbm>> -> memref<1x40x128xi32, #tpu.memory_space<hbm>>
      %dma_wait3A_134 = tpu.memref_squeeze %dma_wait3A_133 : memref<1x40x128xi32, #tpu.memory_space<hbm>> -> memref<40x128xi32, #tpu.memory_space<hbm>>
      %dma_wait3A_135 = arith.constant 0 : i32
      %dma_wait3A_136 = tpu.memref_slice %arg3[%run_scoped3A_6, %add3A_5, %dma_wait3A_135] : memref<2x1280x128xi32, #tpu.memory_space<hbm>> -> memref<1x40x128xi32, #tpu.memory_space<hbm>>
      %dma_wait3A_137 = tpu.memref_squeeze %dma_wait3A_136 : memref<1x40x128xi32, #tpu.memory_space<hbm>> -> memref<40x128xi32, #tpu.memory_space<hbm>>
      tpu.wait_dma2 semaphore(%run_scoped3A_126 : memref<!tpu.dma_semaphore, #tpu.memory_space<semaphore_mem>>) src(%dma_wait3A_137 : memref<40x128xi32, #tpu.memory_space<hbm>>) dst(%arg8 : memref<40x128xi32, #tpu.memory_space<vmem>>)
      tpu.yield
    }) : () -> ()
    "tpu.trace_stop"() : () -> ()
    %mul3A_7 = arith.constant 10240 : i32
    %mul3A_8 = arith.muli %arg0, %mul3A_7 : i32
    %scan3A = arith.constant 0 : i32
    %scan3A_9 = arith.constant 0 : i32
    %scan3A_10 = arith.constant 40 : i32
    %scan3A_11 = arith.addi %scan3A_9, %scan3A_10 : i32
    %scan3A_12 = arith.constant 1 : i32
    scf.for %scan3A_126 = %scan3A_9 to %scan3A_11 step %scan3A_12  : i32 {
      %get3A = arith.index_cast %scan3A_126 : i32 to index
      %get3A_127 = arith.constant 0 : index
      %get3A_128 = tpu.vector_load %arg7[%get3A, %get3A_127] {strides = array<i32>} : memref<40x128xi32, #tpu.memory_space<vmem>>, vector<1x16xi32>,
      %get3A_129 = vector.shape_cast %get3A_128 : vector<1x16xi32> to vector<16xi32>
      %add3A_130 = vector.broadcast %mul3A_8 : i32 to vector<16xi32>
      %add3A_131 = arith.addi %get3A_129, %add3A_130 : vector<16xi32>
      %swap3A = arith.index_cast %scan3A_126 : i32 to index
      %swap3A_132 = arith.constant 0 : index
      %swap3A_133 = tpu.vector_load %arg7[%swap3A, %swap3A_132] {strides = array<i32>} : memref<40x128xi32, #tpu.memory_space<vmem>>, vector<1x16xi32>,
      %swap3A_134 = vector.shape_cast %swap3A_133 : vector<1x16xi32> to vector<16xi32>
      %swap3A_135 = vector.shape_cast %add3A_131 : vector<16xi32> to vector<1x16xi32>
      tpu.vector_store %arg7[%swap3A, %swap3A_132], %swap3A_135 {strides = array<i32>} : memref<40x128xi32, #tpu.memory_space<vmem>>, vector<1x16xi32>,
      %get3A_136 = arith.index_cast %scan3A_126 : i32 to index
      %get3A_137 = arith.constant 16 : index
      %get3A_138 = tpu.vector_load %arg7[%get3A_136, %get3A_137] {strides = array<i32>} : memref<40x128xi32, #tpu.memory_space<vmem>>, vector<1x16xi32>,
      %get3A_139 = vector.shape_cast %get3A_138 : vector<1x16xi32> to vector<16xi32>
      %add3A_140 = vector.broadcast %mul3A_8 : i32 to vector<16xi32>
      %add3A_141 = arith.addi %get3A_139, %add3A_140 : vector<16xi32>
      %swap3A_142 = arith.index_cast %scan3A_126 : i32 to index
      %swap3A_143 = arith.constant 16 : index
      %swap3A_144 = tpu.vector_load %arg7[%swap3A_142, %swap3A_143] {strides = array<i32>} : memref<40x128xi32, #tpu.memory_space<vmem>>, vector<1x16xi32>,
      %swap3A_145 = vector.shape_cast %swap3A_144 : vector<1x16xi32> to vector<16xi32>
      %swap3A_146 = vector.shape_cast %add3A_141 : vector<16xi32> to vector<1x16xi32>
      tpu.vector_store %arg7[%swap3A_142, %swap3A_143], %swap3A_146 {strides = array<i32>} : memref<40x128xi32, #tpu.memory_space<vmem>>, vector<1x16xi32>,
      %get3A_147 = arith.index_cast %scan3A_126 : i32 to index
      %get3A_148 = arith.constant 32 : index
      %get3A_149 = tpu.vector_load %arg7[%get3A_147, %get3A_148] {strides = array<i32>} : memref<40x128xi32, #tpu.memory_space<vmem>>, vector<1x16xi32>,
      %get3A_150 = vector.shape_cast %get3A_149 : vector<1x16xi32> to vector<16xi32>
      %add3A_151 = vector.broadcast %mul3A_8 : i32 to vector<16xi32>
      %add3A_152 = arith.addi %get3A_150, %add3A_151 : vector<16xi32>
      %swap3A_153 = arith.index_cast %scan3A_126 : i32 to index
      %swap3A_154 = arith.constant 32 : index
      %swap3A_155 = tpu.vector_load %arg7[%swap3A_153, %swap3A_154] {strides = array<i32>} : memref<40x128xi32, #tpu.memory_space<vmem>>, vector<1x16xi32>,
      %swap3A_156 = vector.shape_cast %swap3A_155 : vector<1x16xi32> to vector<16xi32>
      %swap3A_157 = vector.shape_cast %add3A_152 : vector<16xi32> to vector<1x16xi32>
      tpu.vector_store %arg7[%swap3A_153, %swap3A_154], %swap3A_157 {strides = array<i32>} : memref<40x128xi32, #tpu.memory_space<vmem>>, vector<1x16xi32>,
      %get3A_158 = arith.index_cast %scan3A_126 : i32 to index
      %get3A_159 = arith.constant 48 : index
      %get3A_160 = tpu.vector_load %arg7[%get3A_158, %get3A_159] {strides = array<i32>} : memref<40x128xi32, #tpu.memory_space<vmem>>, vector<1x16xi32>,
      %get3A_161 = vector.shape_cast %get3A_160 : vector<1x16xi32> to vector<16xi32>
      %add3A_162 = vector.broadcast %mul3A_8 : i32 to vector<16xi32>
      %add3A_163 = arith.addi %get3A_161, %add3A_162 : vector<16xi32>
      %swap3A_164 = arith.index_cast %scan3A_126 : i32 to index
      %swap3A_165 = arith.constant 48 : index
      %swap3A_166 = tpu.vector_load %arg7[%swap3A_164, %swap3A_165] {strides = array<i32>} : memref<40x128xi32, #tpu.memory_space<vmem>>, vector<1x16xi32>,
      %swap3A_167 = vector.shape_cast %swap3A_166 : vector<1x16xi32> to vector<16xi32>
      %swap3A_168 = vector.shape_cast %add3A_163 : vector<16xi32> to vector<1x16xi32>
      tpu.vector_store %arg7[%swap3A_164, %swap3A_165], %swap3A_168 {strides = array<i32>} : memref<40x128xi32, #tpu.memory_space<vmem>>, vector<1x16xi32>,
      %get3A_169 = arith.index_cast %scan3A_126 : i32 to index
      %get3A_170 = arith.constant 64 : index
      %get3A_171 = tpu.vector_load %arg7[%get3A_169, %get3A_170] {strides = array<i32>} : memref<40x128xi32, #tpu.memory_space<vmem>>, vector<1x16xi32>,
      %get3A_172 = vector.shape_cast %get3A_171 : vector<1x16xi32> to vector<16xi32>
      %add3A_173 = vector.broadcast %mul3A_8 : i32 to vector<16xi32>
      %add3A_174 = arith.addi %get3A_172, %add3A_173 : vector<16xi32>
      %swap3A_175 = arith.index_cast %scan3A_126 : i32 to index
      %swap3A_176 = arith.constant 64 : index
      %swap3A_177 = tpu.vector_load %arg7[%swap3A_175, %swap3A_176] {strides = array<i32>} : memref<40x128xi32, #tpu.memory_space<vmem>>, vector<1x16xi32>,
      %swap3A_178 = vector.shape_cast %swap3A_177 : vector<1x16xi32> to vector<16xi32>
      %swap3A_179 = vector.shape_cast %add3A_174 : vector<16xi32> to vector<1x16xi32>
      tpu.vector_store %arg7[%swap3A_175, %swap3A_176], %swap3A_179 {strides = array<i32>} : memref<40x128xi32, #tpu.memory_space<vmem>>, vector<1x16xi32>,
      %get3A_180 = arith.index_cast %scan3A_126 : i32 to index
      %get3A_181 = arith.constant 80 : index
      %get3A_182 = tpu.vector_load %arg7[%get3A_180, %get3A_181] {strides = array<i32>} : memref<40x128xi32, #tpu.memory_space<vmem>>, vector<1x16xi32>,
      %get3A_183 = vector.shape_cast %get3A_182 : vector<1x16xi32> to vector<16xi32>
      %add3A_184 = vector.broadcast %mul3A_8 : i32 to vector<16xi32>
      %add3A_185 = arith.addi %get3A_183, %add3A_184 : vector<16xi32>
      %swap3A_186 = arith.index_cast %scan3A_126 : i32 to index
      %swap3A_187 = arith.constant 80 : index
      %swap3A_188 = tpu.vector_load %arg7[%swap3A_186, %swap3A_187] {strides = array<i32>} : memref<40x128xi32, #tpu.memory_space<vmem>>, vector<1x16xi32>,
      %swap3A_189 = vector.shape_cast %swap3A_188 : vector<1x16xi32> to vector<16xi32>
      %swap3A_190 = vector.shape_cast %add3A_185 : vector<16xi32> to vector<1x16xi32>
      tpu.vector_store %arg7[%swap3A_186, %swap3A_187], %swap3A_190 {strides = array<i32>} : memref<40x128xi32, #tpu.memory_space<vmem>>, vector<1x16xi32>,
      %get3A_191 = arith.index_cast %scan3A_126 : i32 to index
      %get3A_192 = arith.constant 96 : index
      %get3A_193 = tpu.vector_load %arg7[%get3A_191, %get3A_192] {strides = array<i32>} : memref<40x128xi32, #tpu.memory_space<vmem>>, vector<1x16xi32>,
      %get3A_194 = vector.shape_cast %get3A_193 : vector<1x16xi32> to vector<16xi32>
      %add3A_195 = vector.broadcast %mul3A_8 : i32 to vector<16xi32>
      %add3A_196 = arith.addi %get3A_194, %add3A_195 : vector<16xi32>
      %swap3A_197 = arith.index_cast %scan3A_126 : i32 to index
      %swap3A_198 = arith.constant 96 : index
      %swap3A_199 = tpu.vector_load %arg7[%swap3A_197, %swap3A_198] {strides = array<i32>} : memref<40x128xi32, #tpu.memory_space<vmem>>, vector<1x16xi32>,
      %swap3A_200 = vector.shape_cast %swap3A_199 : vector<1x16xi32> to vector<16xi32>
      %swap3A_201 = vector.shape_cast %add3A_196 : vector<16xi32> to vector<1x16xi32>
      tpu.vector_store %arg7[%swap3A_197, %swap3A_198], %swap3A_201 {strides = array<i32>} : memref<40x128xi32, #tpu.memory_space<vmem>>, vector<1x16xi32>,
      %get3A_202 = arith.index_cast %scan3A_126 : i32 to index
      %get3A_203 = arith.constant 112 : index
      %get3A_204 = tpu.vector_load %arg7[%get3A_202, %get3A_203] {strides = array<i32>} : memref<40x128xi32, #tpu.memory_space<vmem>>, vector<1x16xi32>,
      %get3A_205 = vector.shape_cast %get3A_204 : vector<1x16xi32> to vector<16xi32>
      %add3A_206 = vector.broadcast %mul3A_8 : i32 to vector<16xi32>
      %add3A_207 = arith.addi %get3A_205, %add3A_206 : vector<16xi32>
      %swap3A_208 = arith.index_cast %scan3A_126 : i32 to index
      %swap3A_209 = arith.constant 112 : index
      %swap3A_210 = tpu.vector_load %arg7[%swap3A_208, %swap3A_209] {strides = array<i32>} : memref<40x128xi32, #tpu.memory_space<vmem>>, vector<1x16xi32>,
      %swap3A_211 = vector.shape_cast %swap3A_210 : vector<1x16xi32> to vector<16xi32>
      %swap3A_212 = vector.shape_cast %add3A_207 : vector<16xi32> to vector<1x16xi32>
      tpu.vector_store %arg7[%swap3A_208, %swap3A_209], %swap3A_212 {strides = array<i32>} : memref<40x128xi32, #tpu.memory_space<vmem>>, vector<1x16xi32>,
    }
    %scan3A_13 = arith.constant 40 : i32
    %dma_start3A = arith.constant 0 : i32
    %dma_start3A_14 = arith.constant 0 : i32
    %dma_start3A_15 = arith.constant 0 : i32
    %dma_start3A_16 = tpu.memref_slice %arg9[%dma_start3A_14, %dma_start3A_15] : memref<128x128xf32, #tpu.memory_space<vmem>> -> memref<64x128xf32, #tpu.memory_space<vmem>>
    %dma_start3A_17 = arith.constant 0 : i32
    %dma_start3A_18 = tpu.memref_slice %arg7[%dma_start3A, %dma_start3A_17] : memref<40x128xi32, #tpu.memory_space<vmem>> -> memref<1x64xi32, #tpu.memory_space<vmem>>
    %dma_start3A_19 = tpu.memref_squeeze %dma_start3A_18 : memref<1x64xi32, #tpu.memory_space<vmem>> -> memref<64xi32, #tpu.memory_space<vmem>>
    %dma_start3A_20 = arith.constant 0 : i32
    %dma_start3A_21 = arith.constant 0 : i32
    %dma_start3A_22 = tpu.memref_slice %arg2[%dma_start3A_20, %dma_start3A_21] : memref<20480x128xf32, #tpu.memory_space<hbm>> -> memref<20480x128xf32, #tpu.memory_space<hbm>>
    tpu.enqueue_indirect_dma source(%dma_start3A_22 : memref<20480x128xf32, #tpu.memory_space<hbm>>) target(%dma_start3A_16 : memref<64x128xf32, #tpu.memory_space<vmem>>) offsets(%dma_start3A_19 : memref<64xi32, #tpu.memory_space<vmem>>) semaphore(%arg11 : memref<!tpu.dma_semaphore, #tpu.memory_space<semaphore_mem>>)
    %dma_start3A_23 = arith.constant 0 : i32
    %dma_start3A_24 = arith.constant 64 : i32
    %dma_start3A_25 = arith.constant 0 : i32
    %dma_start3A_26 = tpu.memref_slice %arg9[%dma_start3A_24, %dma_start3A_25] : memref<128x128xf32, #tpu.memory_space<vmem>> -> memref<64x128xf32, #tpu.memory_space<vmem>>
    %dma_start3A_27 = arith.constant 64 : i32
    %dma_start3A_28 = tpu.memref_slice %arg7[%dma_start3A_23, %dma_start3A_27] : memref<40x128xi32, #tpu.memory_space<vmem>> -> memref<1x64xi32, #tpu.memory_space<vmem>>
    %dma_start3A_29 = tpu.memref_squeeze %dma_start3A_28 : memref<1x64xi32, #tpu.memory_space<vmem>> -> memref<64xi32, #tpu.memory_space<vmem>>
    %dma_start3A_30 = arith.constant 0 : i32
    %dma_start3A_31 = arith.constant 0 : i32
    %dma_start3A_32 = tpu.memref_slice %arg2[%dma_start3A_30, %dma_start3A_31] : memref<20480x128xf32, #tpu.memory_space<hbm>> -> memref<20480x128xf32, #tpu.memory_space<hbm>>
    tpu.enqueue_indirect_dma source(%dma_start3A_32 : memref<20480x128xf32, #tpu.memory_space<hbm>>) target(%dma_start3A_26 : memref<64x128xf32, #tpu.memory_space<vmem>>) offsets(%dma_start3A_29 : memref<64xi32, #tpu.memory_space<vmem>>) semaphore(%arg13 : memref<!tpu.dma_semaphore, #tpu.memory_space<semaphore_mem>>)
    %dma_start3A_33 = arith.constant 1 : i32
    %dma_start3A_34 = arith.constant 0 : i32
    %dma_start3A_35 = arith.constant 0 : i32
    %dma_start3A_36 = tpu.memref_slice %arg10[%dma_start3A_34, %dma_start3A_35] : memref<128x128xf32, #tpu.memory_space<vmem>> -> memref<64x128xf32, #tpu.memory_space<vmem>>
    %dma_start3A_37 = arith.constant 0 : i32
    %dma_start3A_38 = tpu.memref_slice %arg7[%dma_start3A_33, %dma_start3A_37] : memref<40x128xi32, #tpu.memory_space<vmem>> -> memref<1x64xi32, #tpu.memory_space<vmem>>
    %dma_start3A_39 = tpu.memref_squeeze %dma_start3A_38 : memref<1x64xi32, #tpu.memory_space<vmem>> -> memref<64xi32, #tpu.memory_space<vmem>>
    %dma_start3A_40 = arith.constant 0 : i32
    %dma_start3A_41 = arith.constant 0 : i32
    %dma_start3A_42 = tpu.memref_slice %arg2[%dma_start3A_40, %dma_start3A_41] : memref<20480x128xf32, #tpu.memory_space<hbm>> -> memref<20480x128xf32, #tpu.memory_space<hbm>>
    tpu.enqueue_indirect_dma source(%dma_start3A_42 : memref<20480x128xf32, #tpu.memory_space<hbm>>) target(%dma_start3A_36 : memref<64x128xf32, #tpu.memory_space<vmem>>) offsets(%dma_start3A_39 : memref<64xi32, #tpu.memory_space<vmem>>) semaphore(%arg12 : memref<!tpu.dma_semaphore, #tpu.memory_space<semaphore_mem>>)
    %dma_start3A_43 = arith.constant 1 : i32
    %dma_start3A_44 = arith.constant 64 : i32
    %dma_start3A_45 = arith.constant 0 : i32
    %dma_start3A_46 = tpu.memref_slice %arg10[%dma_start3A_44, %dma_start3A_45] : memref<128x128xf32, #tpu.memory_space<vmem>> -> memref<64x128xf32, #tpu.memory_space<vmem>>
    %dma_start3A_47 = arith.constant 64 : i32
    %dma_start3A_48 = tpu.memref_slice %arg7[%dma_start3A_43, %dma_start3A_47] : memref<40x128xi32, #tpu.memory_space<vmem>> -> memref<1x64xi32, #tpu.memory_space<vmem>>
    %dma_start3A_49 = tpu.memref_squeeze %dma_start3A_48 : memref<1x64xi32, #tpu.memory_space<vmem>> -> memref<64xi32, #tpu.memory_space<vmem>>
    %dma_start3A_50 = arith.constant 0 : i32
    %dma_start3A_51 = arith.constant 0 : i32
    %dma_start3A_52 = tpu.memref_slice %arg2[%dma_start3A_50, %dma_start3A_51] : memref<20480x128xf32, #tpu.memory_space<hbm>> -> memref<20480x128xf32, #tpu.memory_space<hbm>>
    tpu.enqueue_indirect_dma source(%dma_start3A_52 : memref<20480x128xf32, #tpu.memory_space<hbm>>) target(%dma_start3A_46 : memref<64x128xf32, #tpu.memory_space<vmem>>) offsets(%dma_start3A_49 : memref<64xi32, #tpu.memory_space<vmem>>) semaphore(%arg14 : memref<!tpu.dma_semaphore, #tpu.memory_space<semaphore_mem>>)
    "tpu.trace_start"() <{level = 10 : i32, message = "agg_ring"}> : () -> ()
    %scan3A_53 = arith.constant 0 : i32
    %scan3A_54 = arith.constant 0 : i32
    %scan3A_55 = arith.constant 20 : i32
    %scan3A_56 = arith.addi %scan3A_54, %scan3A_55 : i32
    %scan3A_57 = arith.constant 1 : i32
    scf.for %scan3A_126 = %scan3A_54 to %scan3A_56 step %scan3A_57  : i32 {
      %mul3A_127 = arith.constant 2 : i32
      %mul3A_128 = arith.muli %scan3A_126, %mul3A_127 : i32
      %add3A_129 = arith.constant 0 : i32
      %add3A_130 = arith.addi %mul3A_128, %add3A_129 : i32
      %dma_wait3A = arith.constant 0 : i32
      %dma_wait3A_131 = arith.constant 0 : i32
      %dma_wait3A_132 = tpu.memref_slice %arg9[%dma_wait3A, %dma_wait3A_131] : memref<128x128xf32, #tpu.memory_space<vmem>> -> memref<64x128xf32, #tpu.memory_space<vmem>>
      %dma_wait3A_133 = arith.constant 0 : i32
      %dma_wait3A_134 = tpu.memref_slice %arg7[%add3A_130, %dma_wait3A_133] : memref<40x128xi32, #tpu.memory_space<vmem>> -> memref<1x64xi32, #tpu.memory_space<vmem>>
      %dma_wait3A_135 = tpu.memref_squeeze %dma_wait3A_134 : memref<1x64xi32, #tpu.memory_space<vmem>> -> memref<64xi32, #tpu.memory_space<vmem>>
      %dma_wait3A_136 = arith.constant 0 : i32
      %dma_wait3A_137 = arith.constant 0 : i32
      %dma_wait3A_138 = tpu.memref_slice %arg2[%dma_wait3A_136, %dma_wait3A_137] : memref<20480x128xf32, #tpu.memory_space<hbm>> -> memref<20480x128xf32, #tpu.memory_space<hbm>>
      tpu.wait_indirect_dma semaphore(%arg11 : memref<!tpu.dma_semaphore, #tpu.memory_space<semaphore_mem>>) src(%dma_wait3A_138 : memref<20480x128xf32, #tpu.memory_space<hbm>>) dst(%dma_wait3A_132 : memref<64x128xf32, #tpu.memory_space<vmem>>)
      %dma_wait3A_139 = arith.constant 64 : i32
      %dma_wait3A_140 = arith.constant 0 : i32
      %dma_wait3A_141 = tpu.memref_slice %arg9[%dma_wait3A_139, %dma_wait3A_140] : memref<128x128xf32, #tpu.memory_space<vmem>> -> memref<64x128xf32, #tpu.memory_space<vmem>>
      %dma_wait3A_142 = arith.constant 64 : i32
      %dma_wait3A_143 = tpu.memref_slice %arg7[%add3A_130, %dma_wait3A_142] : memref<40x128xi32, #tpu.memory_space<vmem>> -> memref<1x64xi32, #tpu.memory_space<vmem>>
      %dma_wait3A_144 = tpu.memref_squeeze %dma_wait3A_143 : memref<1x64xi32, #tpu.memory_space<vmem>> -> memref<64xi32, #tpu.memory_space<vmem>>
      %dma_wait3A_145 = arith.constant 0 : i32
      %dma_wait3A_146 = arith.constant 0 : i32
      %dma_wait3A_147 = tpu.memref_slice %arg2[%dma_wait3A_145, %dma_wait3A_146] : memref<20480x128xf32, #tpu.memory_space<hbm>> -> memref<20480x128xf32, #tpu.memory_space<hbm>>
      tpu.wait_indirect_dma semaphore(%arg13 : memref<!tpu.dma_semaphore, #tpu.memory_space<semaphore_mem>>) src(%dma_wait3A_147 : memref<20480x128xf32, #tpu.memory_space<hbm>>) dst(%dma_wait3A_141 : memref<64x128xf32, #tpu.memory_space<vmem>>)
      %dma_start3A_148 = arith.constant 0 : i32
      %dma_start3A_149 = tpu.memref_slice %arg8[%add3A_130, %dma_start3A_148] : memref<40x128xi32, #tpu.memory_space<vmem>> -> memref<1x128xi32, #tpu.memory_space<vmem>>
      %dma_start3A_150 = tpu.memref_squeeze %dma_start3A_149 : memref<1x128xi32, #tpu.memory_space<vmem>> -> memref<128xi32, #tpu.memory_space<vmem>>
      %dma_start3A_151 = arith.constant 0 : i32
      %dma_start3A_152 = arith.constant 0 : i32
      %dma_start3A_153 = tpu.memref_slice %arg6[%dma_start3A_151, %dma_start3A_152] : memref<10240x128xf32, #tpu.memory_space<vmem_shared>> -> memref<10240x128xf32, #tpu.memory_space<vmem_shared>>
      tpu.enqueue_indirect_dma source(%arg9 : memref<128x128xf32, #tpu.memory_space<vmem>>) target(%dma_start3A_153 : memref<10240x128xf32, #tpu.memory_space<vmem_shared>>) offsets(%dma_start3A_150 : memref<128xi32, #tpu.memory_space<vmem>>) semaphore(%arg15 : memref<!tpu.dma_semaphore, #tpu.memory_space<semaphore_mem>>) {add = true}
      %dma_wait3A_154 = arith.constant 0 : i32
      %dma_wait3A_155 = tpu.memref_slice %arg8[%add3A_130, %dma_wait3A_154] : memref<40x128xi32, #tpu.memory_space<vmem>> -> memref<1x128xi32, #tpu.memory_space<vmem>>
      %dma_wait3A_156 = tpu.memref_squeeze %dma_wait3A_155 : memref<1x128xi32, #tpu.memory_space<vmem>> -> memref<128xi32, #tpu.memory_space<vmem>>
      %dma_wait3A_157 = arith.constant 0 : i32
      %dma_wait3A_158 = arith.constant 0 : i32
      %dma_wait3A_159 = tpu.memref_slice %arg6[%dma_wait3A_157, %dma_wait3A_158] : memref<10240x128xf32, #tpu.memory_space<vmem_shared>> -> memref<10240x128xf32, #tpu.memory_space<vmem_shared>>
      tpu.wait_indirect_dma semaphore(%arg15 : memref<!tpu.dma_semaphore, #tpu.memory_space<semaphore_mem>>) src(%arg9 : memref<128x128xf32, #tpu.memory_space<vmem>>) dst(%dma_wait3A_159 : memref<10240x128xf32, #tpu.memory_space<vmem_shared>>)
      %add3A_160 = arith.constant 2 : i32
      %add3A_161 = arith.addi %add3A_130, %add3A_160 : i32
      %lt3A = arith.constant 40 : i32
      %lt3A_162 = arith.cmpi slt, %add3A_161, %lt3A : i32
      %convert_element_type3A = arith.extui %lt3A_162 : i1 to i32
      %cond3A = arith.constant 0 : i32
      %cond3A_163 = arith.cmpi ne, %convert_element_type3A, %cond3A : i32
      scf.if %cond3A_163 {
        %add3A_205 = arith.constant 2 : i32
        %add3A_206 = arith.addi %add3A_130, %add3A_205 : i32
        %dma_start3A_207 = arith.constant 0 : i32
        %dma_start3A_208 = arith.constant 0 : i32
        %dma_start3A_209 = tpu.memref_slice %arg9[%dma_start3A_207, %dma_start3A_208] : memref<128x128xf32, #tpu.memory_space<vmem>> -> memref<64x128xf32, #tpu.memory_space<vmem>>
        %dma_start3A_210 = arith.constant 0 : i32
        %dma_start3A_211 = tpu.memref_slice %arg7[%add3A_206, %dma_start3A_210] : memref<40x128xi32, #tpu.memory_space<vmem>> -> memref<1x64xi32, #tpu.memory_space<vmem>>
        %dma_start3A_212 = tpu.memref_squeeze %dma_start3A_211 : memref<1x64xi32, #tpu.memory_space<vmem>> -> memref<64xi32, #tpu.memory_space<vmem>>
        %dma_start3A_213 = arith.constant 0 : i32
        %dma_start3A_214 = arith.constant 0 : i32
        %dma_start3A_215 = tpu.memref_slice %arg2[%dma_start3A_213, %dma_start3A_214] : memref<20480x128xf32, #tpu.memory_space<hbm>> -> memref<20480x128xf32, #tpu.memory_space<hbm>>
        tpu.enqueue_indirect_dma source(%dma_start3A_215 : memref<20480x128xf32, #tpu.memory_space<hbm>>) target(%dma_start3A_209 : memref<64x128xf32, #tpu.memory_space<vmem>>) offsets(%dma_start3A_212 : memref<64xi32, #tpu.memory_space<vmem>>) semaphore(%arg11 : memref<!tpu.dma_semaphore, #tpu.memory_space<semaphore_mem>>)
        %dma_start3A_216 = arith.constant 64 : i32
        %dma_start3A_217 = arith.constant 0 : i32
        %dma_start3A_218 = tpu.memref_slice %arg9[%dma_start3A_216, %dma_start3A_217] : memref<128x128xf32, #tpu.memory_space<vmem>> -> memref<64x128xf32, #tpu.memory_space<vmem>>
        %dma_start3A_219 = arith.constant 64 : i32
        %dma_start3A_220 = tpu.memref_slice %arg7[%add3A_206, %dma_start3A_219] : memref<40x128xi32, #tpu.memory_space<vmem>> -> memref<1x64xi32, #tpu.memory_space<vmem>>
        %dma_start3A_221 = tpu.memref_squeeze %dma_start3A_220 : memref<1x64xi32, #tpu.memory_space<vmem>> -> memref<64xi32, #tpu.memory_space<vmem>>
        %dma_start3A_222 = arith.constant 0 : i32
        %dma_start3A_223 = arith.constant 0 : i32
        %dma_start3A_224 = tpu.memref_slice %arg2[%dma_start3A_222, %dma_start3A_223] : memref<20480x128xf32, #tpu.memory_space<hbm>> -> memref<20480x128xf32, #tpu.memory_space<hbm>>
        tpu.enqueue_indirect_dma source(%dma_start3A_224 : memref<20480x128xf32, #tpu.memory_space<hbm>>) target(%dma_start3A_218 : memref<64x128xf32, #tpu.memory_space<vmem>>) offsets(%dma_start3A_221 : memref<64xi32, #tpu.memory_space<vmem>>) semaphore(%arg13 : memref<!tpu.dma_semaphore, #tpu.memory_space<semaphore_mem>>)
      } else {
      }
      %mul3A_164 = arith.constant 2 : i32
      %mul3A_165 = arith.muli %scan3A_126, %mul3A_164 : i32
      %add3A_166 = arith.constant 1 : i32
      %add3A_167 = arith.addi %mul3A_165, %add3A_166 : i32
      %dma_wait3A_168 = arith.constant 0 : i32
      %dma_wait3A_169 = arith.constant 0 : i32
      %dma_wait3A_170 = tpu.memref_slice %arg10[%dma_wait3A_168, %dma_wait3A_169] : memref<128x128xf32, #tpu.memory_space<vmem>> -> memref<64x128xf32, #tpu.memory_space<vmem>>
      %dma_wait3A_171 = arith.constant 0 : i32
      %dma_wait3A_172 = tpu.memref_slice %arg7[%add3A_167, %dma_wait3A_171] : memref<40x128xi32, #tpu.memory_space<vmem>> -> memref<1x64xi32, #tpu.memory_space<vmem>>
      %dma_wait3A_173 = tpu.memref_squeeze %dma_wait3A_172 : memref<1x64xi32, #tpu.memory_space<vmem>> -> memref<64xi32, #tpu.memory_space<vmem>>
      %dma_wait3A_174 = arith.constant 0 : i32
      %dma_wait3A_175 = arith.constant 0 : i32
      %dma_wait3A_176 = tpu.memref_slice %arg2[%dma_wait3A_174, %dma_wait3A_175] : memref<20480x128xf32, #tpu.memory_space<hbm>> -> memref<20480x128xf32, #tpu.memory_space<hbm>>
      tpu.wait_indirect_dma semaphore(%arg12 : memref<!tpu.dma_semaphore, #tpu.memory_space<semaphore_mem>>) src(%dma_wait3A_176 : memref<20480x128xf32, #tpu.memory_space<hbm>>) dst(%dma_wait3A_170 : memref<64x128xf32, #tpu.memory_space<vmem>>)
      %dma_wait3A_177 = arith.constant 64 : i32
      %dma_wait3A_178 = arith.constant 0 : i32
      %dma_wait3A_179 = tpu.memref_slice %arg10[%dma_wait3A_177, %dma_wait3A_178] : memref<128x128xf32, #tpu.memory_space<vmem>> -> memref<64x128xf32, #tpu.memory_space<vmem>>
      %dma_wait3A_180 = arith.constant 64 : i32
      %dma_wait3A_181 = tpu.memref_slice %arg7[%add3A_167, %dma_wait3A_180] : memref<40x128xi32, #tpu.memory_space<vmem>> -> memref<1x64xi32, #tpu.memory_space<vmem>>
      %dma_wait3A_182 = tpu.memref_squeeze %dma_wait3A_181 : memref<1x64xi32, #tpu.memory_space<vmem>> -> memref<64xi32, #tpu.memory_space<vmem>>
      %dma_wait3A_183 = arith.constant 0 : i32
      %dma_wait3A_184 = arith.constant 0 : i32
      %dma_wait3A_185 = tpu.memref_slice %arg2[%dma_wait3A_183, %dma_wait3A_184] : memref<20480x128xf32, #tpu.memory_space<hbm>> -> memref<20480x128xf32, #tpu.memory_space<hbm>>
      tpu.wait_indirect_dma semaphore(%arg14 : memref<!tpu.dma_semaphore, #tpu.memory_space<semaphore_mem>>) src(%dma_wait3A_185 : memref<20480x128xf32, #tpu.memory_space<hbm>>) dst(%dma_wait3A_179 : memref<64x128xf32, #tpu.memory_space<vmem>>)
      %dma_start3A_186 = arith.constant 0 : i32
      %dma_start3A_187 = tpu.memref_slice %arg8[%add3A_167, %dma_start3A_186] : memref<40x128xi32, #tpu.memory_space<vmem>> -> memref<1x128xi32, #tpu.memory_space<vmem>>
      %dma_start3A_188 = tpu.memref_squeeze %dma_start3A_187 : memref<1x128xi32, #tpu.memory_space<vmem>> -> memref<128xi32, #tpu.memory_space<vmem>>
      %dma_start3A_189 = arith.constant 0 : i32
      %dma_start3A_190 = arith.constant 0 : i32
      %dma_start3A_191 = tpu.memref_slice %arg6[%dma_start3A_189, %dma_start3A_190] : memref<10240x128xf32, #tpu.memory_space<vmem_shared>> -> memref<10240x128xf32, #tpu.memory_space<vmem_shared>>
      tpu.enqueue_indirect_dma source(%arg10 : memref<128x128xf32, #tpu.memory_space<vmem>>) target(%dma_start3A_191 : memref<10240x128xf32, #tpu.memory_space<vmem_shared>>) offsets(%dma_start3A_188 : memref<128xi32, #tpu.memory_space<vmem>>) semaphore(%arg15 : memref<!tpu.dma_semaphore, #tpu.memory_space<semaphore_mem>>) {add = true}
      %dma_wait3A_192 = arith.constant 0 : i32
      %dma_wait3A_193 = tpu.memref_slice %arg8[%add3A_167, %dma_wait3A_192] : memref<40x128xi32, #tpu.memory_space<vmem>> -> memref<1x128xi32, #tpu.memory_space<vmem>>
      %dma_wait3A_194 = tpu.memref_squeeze %dma_wait3A_193 : memref<1x128xi32, #tpu.memory_space<vmem>> -> memref<128xi32, #tpu.memory_space<vmem>>
      %dma_wait3A_195 = arith.constant 0 : i32
      %dma_wait3A_196 = arith.constant 0 : i32
      %dma_wait3A_197 = tpu.memref_slice %arg6[%dma_wait3A_195, %dma_wait3A_196] : memref<10240x128xf32, #tpu.memory_space<vmem_shared>> -> memref<10240x128xf32, #tpu.memory_space<vmem_shared>>
      tpu.wait_indirect_dma semaphore(%arg15 : memref<!tpu.dma_semaphore, #tpu.memory_space<semaphore_mem>>) src(%arg10 : memref<128x128xf32, #tpu.memory_space<vmem>>) dst(%dma_wait3A_197 : memref<10240x128xf32, #tpu.memory_space<vmem_shared>>)
      %add3A_198 = arith.constant 2 : i32
      %add3A_199 = arith.addi %add3A_167, %add3A_198 : i32
      %lt3A_200 = arith.constant 40 : i32
      %lt3A_201 = arith.cmpi slt, %add3A_199, %lt3A_200 : i32
      %convert_element_type3A_202 = arith.extui %lt3A_201 : i1 to i32
      %cond3A_203 = arith.constant 0 : i32
      %cond3A_204 = arith.cmpi ne, %convert_element_type3A_202, %cond3A_203 : i32
      scf.if %cond3A_204 {
        %add3A_205 = arith.constant 2 : i32
        %add3A_206 = arith.addi %add3A_167, %add3A_205 : i32
        %dma_start3A_207 = arith.constant 0 : i32
        %dma_start3A_208 = arith.constant 0 : i32
        %dma_start3A_209 = tpu.memref_slice %arg10[%dma_start3A_207, %dma_start3A_208] : memref<128x128xf32, #tpu.memory_space<vmem>> -> memref<64x128xf32, #tpu.memory_space<vmem>>
        %dma_start3A_210 = arith.constant 0 : i32
        %dma_start3A_211 = tpu.memref_slice %arg7[%add3A_206, %dma_start3A_210] : memref<40x128xi32, #tpu.memory_space<vmem>> -> memref<1x64xi32, #tpu.memory_space<vmem>>
        %dma_start3A_212 = tpu.memref_squeeze %dma_start3A_211 : memref<1x64xi32, #tpu.memory_space<vmem>> -> memref<64xi32, #tpu.memory_space<vmem>>
        %dma_start3A_213 = arith.constant 0 : i32
        %dma_start3A_214 = arith.constant 0 : i32
        %dma_start3A_215 = tpu.memref_slice %arg2[%dma_start3A_213, %dma_start3A_214] : memref<20480x128xf32, #tpu.memory_space<hbm>> -> memref<20480x128xf32, #tpu.memory_space<hbm>>
        tpu.enqueue_indirect_dma source(%dma_start3A_215 : memref<20480x128xf32, #tpu.memory_space<hbm>>) target(%dma_start3A_209 : memref<64x128xf32, #tpu.memory_space<vmem>>) offsets(%dma_start3A_212 : memref<64xi32, #tpu.memory_space<vmem>>) semaphore(%arg12 : memref<!tpu.dma_semaphore, #tpu.memory_space<semaphore_mem>>)
        %dma_start3A_216 = arith.constant 64 : i32
        %dma_start3A_217 = arith.constant 0 : i32
        %dma_start3A_218 = tpu.memref_slice %arg10[%dma_start3A_216, %dma_start3A_217] : memref<128x128xf32, #tpu.memory_space<vmem>> -> memref<64x128xf32, #tpu.memory_space<vmem>>
        %dma_start3A_219 = arith.constant 64 : i32
        %dma_start3A_220 = tpu.memref_slice %arg7[%add3A_206, %dma_start3A_219] : memref<40x128xi32, #tpu.memory_space<vmem>> -> memref<1x64xi32, #tpu.memory_space<vmem>>
        %dma_start3A_221 = tpu.memref_squeeze %dma_start3A_220 : memref<1x64xi32, #tpu.memory_space<vmem>> -> memref<64xi32, #tpu.memory_space<vmem>>
        %dma_start3A_222 = arith.constant 0 : i32
        %dma_start3A_223 = arith.constant 0 : i32
        %dma_start3A_224 = tpu.memref_slice %arg2[%dma_start3A_222, %dma_start3A_223] : memref<20480x128xf32, #tpu.memory_space<hbm>> -> memref<20480x128xf32, #tpu.memory_space<hbm>>
        tpu.enqueue_indirect_dma source(%dma_start3A_224 : memref<20480x128xf32, #tpu.memory_space<hbm>>) target(%dma_start3A_218 : memref<64x128xf32, #tpu.memory_space<vmem>>) offsets(%dma_start3A_221 : memref<64xi32, #tpu.memory_space<vmem>>) semaphore(%arg14 : memref<!tpu.dma_semaphore, #tpu.memory_space<semaphore_mem>>)
      } else {
      }
    }
    %scan3A_58 = arith.constant 20 : i32
    "tpu.trace_stop"() : () -> ()
    "tpu.trace_start"() <{level = 10 : i32, message = "agg_idx_preload"}> : () -> ()
    %add3A_59 = arith.constant 40 : i32
    %add3A_60 = arith.addi %mul3A_2, %add3A_59 : i32
    %run_scoped3A_61 = arith.constant 0 : i32
    "tpu.region"() ({
      %run_scoped3A_126 = tpu.sem_alloc : memref<!tpu.dma_semaphore, #tpu.memory_space<semaphore_mem>>
      %dma_start3A_127 = arith.constant 0 : i32
      %dma_start3A_128 = tpu.memref_slice %arg3[%run_scoped3A_61, %add3A_60, %dma_start3A_127] : memref<2x1280x128xi32, #tpu.memory_space<hbm>> -> memref<1x40x128xi32, #tpu.memory_space<hbm>>
      %dma_start3A_129 = tpu.memref_squeeze %dma_start3A_128 : memref<1x40x128xi32, #tpu.memory_space<hbm>> -> memref<40x128xi32, #tpu.memory_space<hbm>>
      %dma_start3A_130 = arith.constant 0 : i32
      %dma_start3A_131 = tpu.memref_slice %arg3[%run_scoped3A_61, %add3A_60, %dma_start3A_130] : memref<2x1280x128xi32, #tpu.memory_space<hbm>> -> memref<1x40x128xi32, #tpu.memory_space<hbm>>
      %dma_start3A_132 = tpu.memref_squeeze %dma_start3A_131 : memref<1x40x128xi32, #tpu.memory_space<hbm>> -> memref<40x128xi32, #tpu.memory_space<hbm>>
      tpu.enqueue_dma source(%dma_start3A_132 : memref<40x128xi32, #tpu.memory_space<hbm>>) target(%arg7 : memref<40x128xi32, #tpu.memory_space<vmem>>) target_semaphore(%run_scoped3A_126 : memref<!tpu.dma_semaphore, #tpu.memory_space<semaphore_mem>>)
      %dma_wait3A = arith.constant 0 : i32
      %dma_wait3A_133 = tpu.memref_slice %arg3[%run_scoped3A_61, %add3A_60, %dma_wait3A] : memref<2x1280x128xi32, #tpu.memory_space<hbm>> -> memref<1x40x128xi32, #tpu.memory_space<hbm>>
      %dma_wait3A_134 = tpu.memref_squeeze %dma_wait3A_133 : memref<1x40x128xi32, #tpu.memory_space<hbm>> -> memref<40x128xi32, #tpu.memory_space<hbm>>
      %dma_wait3A_135 = arith.constant 0 : i32
      %dma_wait3A_136 = tpu.memref_slice %arg3[%run_scoped3A_61, %add3A_60, %dma_wait3A_135] : memref<2x1280x128xi32, #tpu.memory_space<hbm>> -> memref<1x40x128xi32, #tpu.memory_space<hbm>>
      %dma_wait3A_137 = tpu.memref_squeeze %dma_wait3A_136 : memref<1x40x128xi32, #tpu.memory_space<hbm>> -> memref<40x128xi32, #tpu.memory_space<hbm>>
      tpu.wait_dma2 semaphore(%run_scoped3A_126 : memref<!tpu.dma_semaphore, #tpu.memory_space<semaphore_mem>>) src(%dma_wait3A_137 : memref<40x128xi32, #tpu.memory_space<hbm>>) dst(%arg7 : memref<40x128xi32, #tpu.memory_space<vmem>>)
      tpu.yield
    }) : () -> ()
    %add3A_62 = arith.constant 40 : i32
    %add3A_63 = arith.addi %mul3A_2, %add3A_62 : i32
    %run_scoped3A_64 = arith.constant 1 : i32
    "tpu.region"() ({
      %run_scoped3A_126 = tpu.sem_alloc : memref<!tpu.dma_semaphore, #tpu.memory_space<semaphore_mem>>
      %dma_start3A_127 = arith.constant 0 : i32
      %dma_start3A_128 = tpu.memref_slice %arg3[%run_scoped3A_64, %add3A_63, %dma_start3A_127] : memref<2x1280x128xi32, #tpu.memory_space<hbm>> -> memref<1x40x128xi32, #tpu.memory_space<hbm>>
      %dma_start3A_129 = tpu.memref_squeeze %dma_start3A_128 : memref<1x40x128xi32, #tpu.memory_space<hbm>> -> memref<40x128xi32, #tpu.memory_space<hbm>>
      %dma_start3A_130 = arith.constant 0 : i32
      %dma_start3A_131 = tpu.memref_slice %arg3[%run_scoped3A_64, %add3A_63, %dma_start3A_130] : memref<2x1280x128xi32, #tpu.memory_space<hbm>> -> memref<1x40x128xi32, #tpu.memory_space<hbm>>
      %dma_start3A_132 = tpu.memref_squeeze %dma_start3A_131 : memref<1x40x128xi32, #tpu.memory_space<hbm>> -> memref<40x128xi32, #tpu.memory_space<hbm>>
      tpu.enqueue_dma source(%dma_start3A_132 : memref<40x128xi32, #tpu.memory_space<hbm>>) target(%arg8 : memref<40x128xi32, #tpu.memory_space<vmem>>) target_semaphore(%run_scoped3A_126 : memref<!tpu.dma_semaphore, #tpu.memory_space<semaphore_mem>>)
      %dma_wait3A = arith.constant 0 : i32
      %dma_wait3A_133 = tpu.memref_slice %arg3[%run_scoped3A_64, %add3A_63, %dma_wait3A] : memref<2x1280x128xi32, #tpu.memory_space<hbm>> -> memref<1x40x128xi32, #tpu.memory_space<hbm>>
      %dma_wait3A_134 = tpu.memref_squeeze %dma_wait3A_133 : memref<1x40x128xi32, #tpu.memory_space<hbm>> -> memref<40x128xi32, #tpu.memory_space<hbm>>
      %dma_wait3A_135 = arith.constant 0 : i32
      %dma_wait3A_136 = tpu.memref_slice %arg3[%run_scoped3A_64, %add3A_63, %dma_wait3A_135] : memref<2x1280x128xi32, #tpu.memory_space<hbm>> -> memref<1x40x128xi32, #tpu.memory_space<hbm>>
      %dma_wait3A_137 = tpu.memref_squeeze %dma_wait3A_136 : memref<1x40x128xi32, #tpu.memory_space<hbm>> -> memref<40x128xi32, #tpu.memory_space<hbm>>
      tpu.wait_dma2 semaphore(%run_scoped3A_126 : memref<!tpu.dma_semaphore, #tpu.memory_space<semaphore_mem>>) src(%dma_wait3A_137 : memref<40x128xi32, #tpu.memory_space<hbm>>) dst(%arg8 : memref<40x128xi32, #tpu.memory_space<vmem>>)
      tpu.yield
    }) : () -> ()
    "tpu.trace_stop"() : () -> ()
    %mul3A_65 = arith.constant 10240 : i32
    %mul3A_66 = arith.muli %arg0, %mul3A_65 : i32
    %scan3A_67 = arith.constant 0 : i32
    %scan3A_68 = arith.constant 0 : i32
    %scan3A_69 = arith.constant 40 : i32
    %scan3A_70 = arith.addi %scan3A_68, %scan3A_69 : i32
    %scan3A_71 = arith.constant 1 : i32
    scf.for %scan3A_126 = %scan3A_68 to %scan3A_70 step %scan3A_71  : i32 {
      %get3A = arith.index_cast %scan3A_126 : i32 to index
      %get3A_127 = arith.constant 0 : index
      %get3A_128 = tpu.vector_load %arg7[%get3A, %get3A_127] {strides = array<i32>} : memref<40x128xi32, #tpu.memory_space<vmem>>, vector<1x16xi32>,
      %get3A_129 = vector.shape_cast %get3A_128 : vector<1x16xi32> to vector<16xi32>
      %add3A_130 = vector.broadcast %mul3A_66 : i32 to vector<16xi32>
      %add3A_131 = arith.addi %get3A_129, %add3A_130 : vector<16xi32>
      %swap3A = arith.index_cast %scan3A_126 : i32 to index
      %swap3A_132 = arith.constant 0 : index
      %swap3A_133 = tpu.vector_load %arg7[%swap3A, %swap3A_132] {strides = array<i32>} : memref<40x128xi32, #tpu.memory_space<vmem>>, vector<1x16xi32>,
      %swap3A_134 = vector.shape_cast %swap3A_133 : vector<1x16xi32> to vector<16xi32>
      %swap3A_135 = vector.shape_cast %add3A_131 : vector<16xi32> to vector<1x16xi32>
      tpu.vector_store %arg7[%swap3A, %swap3A_132], %swap3A_135 {strides = array<i32>} : memref<40x128xi32, #tpu.memory_space<vmem>>, vector<1x16xi32>,
      %get3A_136 = arith.index_cast %scan3A_126 : i32 to index
      %get3A_137 = arith.constant 16 : index
      %get3A_138 = tpu.vector_load %arg7[%get3A_136, %get3A_137] {strides = array<i32>} : memref<40x128xi32, #tpu.memory_space<vmem>>, vector<1x16xi32>,
      %get3A_139 = vector.shape_cast %get3A_138 : vector<1x16xi32> to vector<16xi32>
      %add3A_140 = vector.broadcast %mul3A_66 : i32 to vector<16xi32>
      %add3A_141 = arith.addi %get3A_139, %add3A_140 : vector<16xi32>
      %swap3A_142 = arith.index_cast %scan3A_126 : i32 to index
      %swap3A_143 = arith.constant 16 : index
      %swap3A_144 = tpu.vector_load %arg7[%swap3A_142, %swap3A_143] {strides = array<i32>} : memref<40x128xi32, #tpu.memory_space<vmem>>, vector<1x16xi32>,
      %swap3A_145 = vector.shape_cast %swap3A_144 : vector<1x16xi32> to vector<16xi32>
      %swap3A_146 = vector.shape_cast %add3A_141 : vector<16xi32> to vector<1x16xi32>
      tpu.vector_store %arg7[%swap3A_142, %swap3A_143], %swap3A_146 {strides = array<i32>} : memref<40x128xi32, #tpu.memory_space<vmem>>, vector<1x16xi32>,
      %get3A_147 = arith.index_cast %scan3A_126 : i32 to index
      %get3A_148 = arith.constant 32 : index
      %get3A_149 = tpu.vector_load %arg7[%get3A_147, %get3A_148] {strides = array<i32>} : memref<40x128xi32, #tpu.memory_space<vmem>>, vector<1x16xi32>,
      %get3A_150 = vector.shape_cast %get3A_149 : vector<1x16xi32> to vector<16xi32>
      %add3A_151 = vector.broadcast %mul3A_66 : i32 to vector<16xi32>
      %add3A_152 = arith.addi %get3A_150, %add3A_151 : vector<16xi32>
      %swap3A_153 = arith.index_cast %scan3A_126 : i32 to index
      %swap3A_154 = arith.constant 32 : index
      %swap3A_155 = tpu.vector_load %arg7[%swap3A_153, %swap3A_154] {strides = array<i32>} : memref<40x128xi32, #tpu.memory_space<vmem>>, vector<1x16xi32>,
      %swap3A_156 = vector.shape_cast %swap3A_155 : vector<1x16xi32> to vector<16xi32>
      %swap3A_157 = vector.shape_cast %add3A_152 : vector<16xi32> to vector<1x16xi32>
      tpu.vector_store %arg7[%swap3A_153, %swap3A_154], %swap3A_157 {strides = array<i32>} : memref<40x128xi32, #tpu.memory_space<vmem>>, vector<1x16xi32>,
      %get3A_158 = arith.index_cast %scan3A_126 : i32 to index
      %get3A_159 = arith.constant 48 : index
      %get3A_160 = tpu.vector_load %arg7[%get3A_158, %get3A_159] {strides = array<i32>} : memref<40x128xi32, #tpu.memory_space<vmem>>, vector<1x16xi32>,
      %get3A_161 = vector.shape_cast %get3A_160 : vector<1x16xi32> to vector<16xi32>
      %add3A_162 = vector.broadcast %mul3A_66 : i32 to vector<16xi32>
      %add3A_163 = arith.addi %get3A_161, %add3A_162 : vector<16xi32>
      %swap3A_164 = arith.index_cast %scan3A_126 : i32 to index
      %swap3A_165 = arith.constant 48 : index
      %swap3A_166 = tpu.vector_load %arg7[%swap3A_164, %swap3A_165] {strides = array<i32>} : memref<40x128xi32, #tpu.memory_space<vmem>>, vector<1x16xi32>,
      %swap3A_167 = vector.shape_cast %swap3A_166 : vector<1x16xi32> to vector<16xi32>
      %swap3A_168 = vector.shape_cast %add3A_163 : vector<16xi32> to vector<1x16xi32>
      tpu.vector_store %arg7[%swap3A_164, %swap3A_165], %swap3A_168 {strides = array<i32>} : memref<40x128xi32, #tpu.memory_space<vmem>>, vector<1x16xi32>,
      %get3A_169 = arith.index_cast %scan3A_126 : i32 to index
      %get3A_170 = arith.constant 64 : index
      %get3A_171 = tpu.vector_load %arg7[%get3A_169, %get3A_170] {strides = array<i32>} : memref<40x128xi32, #tpu.memory_space<vmem>>, vector<1x16xi32>,
      %get3A_172 = vector.shape_cast %get3A_171 : vector<1x16xi32> to vector<16xi32>
      %add3A_173 = vector.broadcast %mul3A_66 : i32 to vector<16xi32>
      %add3A_174 = arith.addi %get3A_172, %add3A_173 : vector<16xi32>
      %swap3A_175 = arith.index_cast %scan3A_126 : i32 to index
      %swap3A_176 = arith.constant 64 : index
      %swap3A_177 = tpu.vector_load %arg7[%swap3A_175, %swap3A_176] {strides = array<i32>} : memref<40x128xi32, #tpu.memory_space<vmem>>, vector<1x16xi32>,
      %swap3A_178 = vector.shape_cast %swap3A_177 : vector<1x16xi32> to vector<16xi32>
      %swap3A_179 = vector.shape_cast %add3A_174 : vector<16xi32> to vector<1x16xi32>
      tpu.vector_store %arg7[%swap3A_175, %swap3A_176], %swap3A_179 {strides = array<i32>} : memref<40x128xi32, #tpu.memory_space<vmem>>, vector<1x16xi32>,
      %get3A_180 = arith.index_cast %scan3A_126 : i32 to index
      %get3A_181 = arith.constant 80 : index
      %get3A_182 = tpu.vector_load %arg7[%get3A_180, %get3A_181] {strides = array<i32>} : memref<40x128xi32, #tpu.memory_space<vmem>>, vector<1x16xi32>,
      %get3A_183 = vector.shape_cast %get3A_182 : vector<1x16xi32> to vector<16xi32>
      %add3A_184 = vector.broadcast %mul3A_66 : i32 to vector<16xi32>
      %add3A_185 = arith.addi %get3A_183, %add3A_184 : vector<16xi32>
      %swap3A_186 = arith.index_cast %scan3A_126 : i32 to index
      %swap3A_187 = arith.constant 80 : index
      %swap3A_188 = tpu.vector_load %arg7[%swap3A_186, %swap3A_187] {strides = array<i32>} : memref<40x128xi32, #tpu.memory_space<vmem>>, vector<1x16xi32>,
      %swap3A_189 = vector.shape_cast %swap3A_188 : vector<1x16xi32> to vector<16xi32>
      %swap3A_190 = vector.shape_cast %add3A_185 : vector<16xi32> to vector<1x16xi32>
      tpu.vector_store %arg7[%swap3A_186, %swap3A_187], %swap3A_190 {strides = array<i32>} : memref<40x128xi32, #tpu.memory_space<vmem>>, vector<1x16xi32>,
      %get3A_191 = arith.index_cast %scan3A_126 : i32 to index
      %get3A_192 = arith.constant 96 : index
      %get3A_193 = tpu.vector_load %arg7[%get3A_191, %get3A_192] {strides = array<i32>} : memref<40x128xi32, #tpu.memory_space<vmem>>, vector<1x16xi32>,
      %get3A_194 = vector.shape_cast %get3A_193 : vector<1x16xi32> to vector<16xi32>
      %add3A_195 = vector.broadcast %mul3A_66 : i32 to vector<16xi32>
      %add3A_196 = arith.addi %get3A_194, %add3A_195 : vector<16xi32>
      %swap3A_197 = arith.index_cast %scan3A_126 : i32 to index
      %swap3A_198 = arith.constant 96 : index
      %swap3A_199 = tpu.vector_load %arg7[%swap3A_197, %swap3A_198] {strides = array<i32>} : memref<40x128xi32, #tpu.memory_space<vmem>>, vector<1x16xi32>,
      %swap3A_200 = vector.shape_cast %swap3A_199 : vector<1x16xi32> to vector<16xi32>
      %swap3A_201 = vector.shape_cast %add3A_196 : vector<16xi32> to vector<1x16xi32>
      tpu.vector_store %arg7[%swap3A_197, %swap3A_198], %swap3A_201 {strides = array<i32>} : memref<40x128xi32, #tpu.memory_space<vmem>>, vector<1x16xi32>,
      %get3A_202 = arith.index_cast %scan3A_126 : i32 to index
      %get3A_203 = arith.constant 112 : index
      %get3A_204 = tpu.vector_load %arg7[%get3A_202, %get3A_203] {strides = array<i32>} : memref<40x128xi32, #tpu.memory_space<vmem>>, vector<1x16xi32>,
      %get3A_205 = vector.shape_cast %get3A_204 : vector<1x16xi32> to vector<16xi32>
      %add3A_206 = vector.broadcast %mul3A_66 : i32 to vector<16xi32>
      %add3A_207 = arith.addi %get3A_205, %add3A_206 : vector<16xi32>
      %swap3A_208 = arith.index_cast %scan3A_126 : i32 to index
      %swap3A_209 = arith.constant 112 : index
      %swap3A_210 = tpu.vector_load %arg7[%swap3A_208, %swap3A_209] {strides = array<i32>} : memref<40x128xi32, #tpu.memory_space<vmem>>, vector<1x16xi32>,
      %swap3A_211 = vector.shape_cast %swap3A_210 : vector<1x16xi32> to vector<16xi32>
      %swap3A_212 = vector.shape_cast %add3A_207 : vector<16xi32> to vector<1x16xi32>
      tpu.vector_store %arg7[%swap3A_208, %swap3A_209], %swap3A_212 {strides = array<i32>} : memref<40x128xi32, #tpu.memory_space<vmem>>, vector<1x16xi32>,
    }
    %scan3A_72 = arith.constant 40 : i32
    %dma_start3A_73 = arith.constant 0 : i32
    %dma_start3A_74 = arith.constant 0 : i32
    %dma_start3A_75 = arith.constant 0 : i32
    %dma_start3A_76 = tpu.memref_slice %arg9[%dma_start3A_74, %dma_start3A_75] : memref<128x128xf32, #tpu.memory_space<vmem>> -> memref<64x128xf32, #tpu.memory_space<vmem>>
    %dma_start3A_77 = arith.constant 0 : i32
    %dma_start3A_78 = tpu.memref_slice %arg7[%dma_start3A_73, %dma_start3A_77] : memref<40x128xi32, #tpu.memory_space<vmem>> -> memref<1x64xi32, #tpu.memory_space<vmem>>
    %dma_start3A_79 = tpu.memref_squeeze %dma_start3A_78 : memref<1x64xi32, #tpu.memory_space<vmem>> -> memref<64xi32, #tpu.memory_space<vmem>>
    %dma_start3A_80 = arith.constant 0 : i32
    %dma_start3A_81 = arith.constant 0 : i32
    %dma_start3A_82 = tpu.memref_slice %arg2[%dma_start3A_80, %dma_start3A_81] : memref<20480x128xf32, #tpu.memory_space<hbm>> -> memref<20480x128xf32, #tpu.memory_space<hbm>>
    tpu.enqueue_indirect_dma source(%dma_start3A_82 : memref<20480x128xf32, #tpu.memory_space<hbm>>) target(%dma_start3A_76 : memref<64x128xf32, #tpu.memory_space<vmem>>) offsets(%dma_start3A_79 : memref<64xi32, #tpu.memory_space<vmem>>) semaphore(%arg11 : memref<!tpu.dma_semaphore, #tpu.memory_space<semaphore_mem>>)
    %dma_start3A_83 = arith.constant 0 : i32
    %dma_start3A_84 = arith.constant 64 : i32
    %dma_start3A_85 = arith.constant 0 : i32
    %dma_start3A_86 = tpu.memref_slice %arg9[%dma_start3A_84, %dma_start3A_85] : memref<128x128xf32, #tpu.memory_space<vmem>> -> memref<64x128xf32, #tpu.memory_space<vmem>>
    %dma_start3A_87 = arith.constant 64 : i32
    %dma_start3A_88 = tpu.memref_slice %arg7[%dma_start3A_83, %dma_start3A_87] : memref<40x128xi32, #tpu.memory_space<vmem>> -> memref<1x64xi32, #tpu.memory_space<vmem>>
    %dma_start3A_89 = tpu.memref_squeeze %dma_start3A_88 : memref<1x64xi32, #tpu.memory_space<vmem>> -> memref<64xi32, #tpu.memory_space<vmem>>
    %dma_start3A_90 = arith.constant 0 : i32
    %dma_start3A_91 = arith.constant 0 : i32
    %dma_start3A_92 = tpu.memref_slice %arg2[%dma_start3A_90, %dma_start3A_91] : memref<20480x128xf32, #tpu.memory_space<hbm>> -> memref<20480x128xf32, #tpu.memory_space<hbm>>
    tpu.enqueue_indirect_dma source(%dma_start3A_92 : memref<20480x128xf32, #tpu.memory_space<hbm>>) target(%dma_start3A_86 : memref<64x128xf32, #tpu.memory_space<vmem>>) offsets(%dma_start3A_89 : memref<64xi32, #tpu.memory_space<vmem>>) semaphore(%arg13 : memref<!tpu.dma_semaphore, #tpu.memory_space<semaphore_mem>>)
    %dma_start3A_93 = arith.constant 1 : i32
    %dma_start3A_94 = arith.constant 0 : i32
    %dma_start3A_95 = arith.constant 0 : i32
    %dma_start3A_96 = tpu.memref_slice %arg10[%dma_start3A_94, %dma_start3A_95] : memref<128x128xf32, #tpu.memory_space<vmem>> -> memref<64x128xf32, #tpu.memory_space<vmem>>
    %dma_start3A_97 = arith.constant 0 : i32
    %dma_start3A_98 = tpu.memref_slice %arg7[%dma_start3A_93, %dma_start3A_97] : memref<40x128xi32, #tpu.memory_space<vmem>> -> memref<1x64xi32, #tpu.memory_space<vmem>>
    %dma_start3A_99 = tpu.memref_squeeze %dma_start3A_98 : memref<1x64xi32, #tpu.memory_space<vmem>> -> memref<64xi32, #tpu.memory_space<vmem>>
    %dma_start3A_100 = arith.constant 0 : i32
    %dma_start3A_101 = arith.constant 0 : i32
    %dma_start3A_102 = tpu.memref_slice %arg2[%dma_start3A_100, %dma_start3A_101] : memref<20480x128xf32, #tpu.memory_space<hbm>> -> memref<20480x128xf32, #tpu.memory_space<hbm>>
    tpu.enqueue_indirect_dma source(%dma_start3A_102 : memref<20480x128xf32, #tpu.memory_space<hbm>>) target(%dma_start3A_96 : memref<64x128xf32, #tpu.memory_space<vmem>>) offsets(%dma_start3A_99 : memref<64xi32, #tpu.memory_space<vmem>>) semaphore(%arg12 : memref<!tpu.dma_semaphore, #tpu.memory_space<semaphore_mem>>)
    %dma_start3A_103 = arith.constant 1 : i32
    %dma_start3A_104 = arith.constant 64 : i32
    %dma_start3A_105 = arith.constant 0 : i32
    %dma_start3A_106 = tpu.memref_slice %arg10[%dma_start3A_104, %dma_start3A_105] : memref<128x128xf32, #tpu.memory_space<vmem>> -> memref<64x128xf32, #tpu.memory_space<vmem>>
    %dma_start3A_107 = arith.constant 64 : i32
    %dma_start3A_108 = tpu.memref_slice %arg7[%dma_start3A_103, %dma_start3A_107] : memref<40x128xi32, #tpu.memory_space<vmem>> -> memref<1x64xi32, #tpu.memory_space<vmem>>
    %dma_start3A_109 = tpu.memref_squeeze %dma_start3A_108 : memref<1x64xi32, #tpu.memory_space<vmem>> -> memref<64xi32, #tpu.memory_space<vmem>>
    %dma_start3A_110 = arith.constant 0 : i32
    %dma_start3A_111 = arith.constant 0 : i32
    %dma_start3A_112 = tpu.memref_slice %arg2[%dma_start3A_110, %dma_start3A_111] : memref<20480x128xf32, #tpu.memory_space<hbm>> -> memref<20480x128xf32, #tpu.memory_space<hbm>>
    tpu.enqueue_indirect_dma source(%dma_start3A_112 : memref<20480x128xf32, #tpu.memory_space<hbm>>) target(%dma_start3A_106 : memref<64x128xf32, #tpu.memory_space<vmem>>) offsets(%dma_start3A_109 : memref<64xi32, #tpu.memory_space<vmem>>) semaphore(%arg14 : memref<!tpu.dma_semaphore, #tpu.memory_space<semaphore_mem>>)
    "tpu.trace_start"() <{level = 10 : i32, message = "agg_ring"}> : () -> ()
    %scan3A_113 = arith.constant 0 : i32
    %scan3A_114 = arith.constant 0 : i32
    %scan3A_115 = arith.constant 20 : i32
    %scan3A_116 = arith.addi %scan3A_114, %scan3A_115 : i32
    %scan3A_117 = arith.constant 1 : i32
    scf.for %scan3A_126 = %scan3A_114 to %scan3A_116 step %scan3A_117  : i32 {
      %mul3A_127 = arith.constant 2 : i32
      %mul3A_128 = arith.muli %scan3A_126, %mul3A_127 : i32
      %add3A_129 = arith.constant 0 : i32
      %add3A_130 = arith.addi %mul3A_128, %add3A_129 : i32
      %dma_wait3A = arith.constant 0 : i32
      %dma_wait3A_131 = arith.constant 0 : i32
      %dma_wait3A_132 = tpu.memref_slice %arg9[%dma_wait3A, %dma_wait3A_131] : memref<128x128xf32, #tpu.memory_space<vmem>> -> memref<64x128xf32, #tpu.memory_space<vmem>>
      %dma_wait3A_133 = arith.constant 0 : i32
      %dma_wait3A_134 = tpu.memref_slice %arg7[%add3A_130, %dma_wait3A_133] : memref<40x128xi32, #tpu.memory_space<vmem>> -> memref<1x64xi32, #tpu.memory_space<vmem>>
      %dma_wait3A_135 = tpu.memref_squeeze %dma_wait3A_134 : memref<1x64xi32, #tpu.memory_space<vmem>> -> memref<64xi32, #tpu.memory_space<vmem>>
      %dma_wait3A_136 = arith.constant 0 : i32
      %dma_wait3A_137 = arith.constant 0 : i32
      %dma_wait3A_138 = tpu.memref_slice %arg2[%dma_wait3A_136, %dma_wait3A_137] : memref<20480x128xf32, #tpu.memory_space<hbm>> -> memref<20480x128xf32, #tpu.memory_space<hbm>>
      tpu.wait_indirect_dma semaphore(%arg11 : memref<!tpu.dma_semaphore, #tpu.memory_space<semaphore_mem>>) src(%dma_wait3A_138 : memref<20480x128xf32, #tpu.memory_space<hbm>>) dst(%dma_wait3A_132 : memref<64x128xf32, #tpu.memory_space<vmem>>)
      %dma_wait3A_139 = arith.constant 64 : i32
      %dma_wait3A_140 = arith.constant 0 : i32
      %dma_wait3A_141 = tpu.memref_slice %arg9[%dma_wait3A_139, %dma_wait3A_140] : memref<128x128xf32, #tpu.memory_space<vmem>> -> memref<64x128xf32, #tpu.memory_space<vmem>>
      %dma_wait3A_142 = arith.constant 64 : i32
      %dma_wait3A_143 = tpu.memref_slice %arg7[%add3A_130, %dma_wait3A_142] : memref<40x128xi32, #tpu.memory_space<vmem>> -> memref<1x64xi32, #tpu.memory_space<vmem>>
      %dma_wait3A_144 = tpu.memref_squeeze %dma_wait3A_143 : memref<1x64xi32, #tpu.memory_space<vmem>> -> memref<64xi32, #tpu.memory_space<vmem>>
      %dma_wait3A_145 = arith.constant 0 : i32
      %dma_wait3A_146 = arith.constant 0 : i32
      %dma_wait3A_147 = tpu.memref_slice %arg2[%dma_wait3A_145, %dma_wait3A_146] : memref<20480x128xf32, #tpu.memory_space<hbm>> -> memref<20480x128xf32, #tpu.memory_space<hbm>>
      tpu.wait_indirect_dma semaphore(%arg13 : memref<!tpu.dma_semaphore, #tpu.memory_space<semaphore_mem>>) src(%dma_wait3A_147 : memref<20480x128xf32, #tpu.memory_space<hbm>>) dst(%dma_wait3A_141 : memref<64x128xf32, #tpu.memory_space<vmem>>)
      %dma_start3A_148 = arith.constant 0 : i32
      %dma_start3A_149 = tpu.memref_slice %arg8[%add3A_130, %dma_start3A_148] : memref<40x128xi32, #tpu.memory_space<vmem>> -> memref<1x128xi32, #tpu.memory_space<vmem>>
      %dma_start3A_150 = tpu.memref_squeeze %dma_start3A_149 : memref<1x128xi32, #tpu.memory_space<vmem>> -> memref<128xi32, #tpu.memory_space<vmem>>
      %dma_start3A_151 = arith.constant 0 : i32
      %dma_start3A_152 = arith.constant 0 : i32
      %dma_start3A_153 = tpu.memref_slice %arg6[%dma_start3A_151, %dma_start3A_152] : memref<10240x128xf32, #tpu.memory_space<vmem_shared>> -> memref<10240x128xf32, #tpu.memory_space<vmem_shared>>
      tpu.enqueue_indirect_dma source(%arg9 : memref<128x128xf32, #tpu.memory_space<vmem>>) target(%dma_start3A_153 : memref<10240x128xf32, #tpu.memory_space<vmem_shared>>) offsets(%dma_start3A_150 : memref<128xi32, #tpu.memory_space<vmem>>) semaphore(%arg15 : memref<!tpu.dma_semaphore, #tpu.memory_space<semaphore_mem>>) {add = true}
      %dma_wait3A_154 = arith.constant 0 : i32
      %dma_wait3A_155 = tpu.memref_slice %arg8[%add3A_130, %dma_wait3A_154] : memref<40x128xi32, #tpu.memory_space<vmem>> -> memref<1x128xi32, #tpu.memory_space<vmem>>
      %dma_wait3A_156 = tpu.memref_squeeze %dma_wait3A_155 : memref<1x128xi32, #tpu.memory_space<vmem>> -> memref<128xi32, #tpu.memory_space<vmem>>
      %dma_wait3A_157 = arith.constant 0 : i32
      %dma_wait3A_158 = arith.constant 0 : i32
      %dma_wait3A_159 = tpu.memref_slice %arg6[%dma_wait3A_157, %dma_wait3A_158] : memref<10240x128xf32, #tpu.memory_space<vmem_shared>> -> memref<10240x128xf32, #tpu.memory_space<vmem_shared>>
      tpu.wait_indirect_dma semaphore(%arg15 : memref<!tpu.dma_semaphore, #tpu.memory_space<semaphore_mem>>) src(%arg9 : memref<128x128xf32, #tpu.memory_space<vmem>>) dst(%dma_wait3A_159 : memref<10240x128xf32, #tpu.memory_space<vmem_shared>>)
      %add3A_160 = arith.constant 2 : i32
      %add3A_161 = arith.addi %add3A_130, %add3A_160 : i32
      %lt3A = arith.constant 40 : i32
      %lt3A_162 = arith.cmpi slt, %add3A_161, %lt3A : i32
      %convert_element_type3A = arith.extui %lt3A_162 : i1 to i32
      %cond3A = arith.constant 0 : i32
      %cond3A_163 = arith.cmpi ne, %convert_element_type3A, %cond3A : i32
      scf.if %cond3A_163 {
        %add3A_205 = arith.constant 2 : i32
        %add3A_206 = arith.addi %add3A_130, %add3A_205 : i32
        %dma_start3A_207 = arith.constant 0 : i32
        %dma_start3A_208 = arith.constant 0 : i32
        %dma_start3A_209 = tpu.memref_slice %arg9[%dma_start3A_207, %dma_start3A_208] : memref<128x128xf32, #tpu.memory_space<vmem>> -> memref<64x128xf32, #tpu.memory_space<vmem>>
        %dma_start3A_210 = arith.constant 0 : i32
        %dma_start3A_211 = tpu.memref_slice %arg7[%add3A_206, %dma_start3A_210] : memref<40x128xi32, #tpu.memory_space<vmem>> -> memref<1x64xi32, #tpu.memory_space<vmem>>
        %dma_start3A_212 = tpu.memref_squeeze %dma_start3A_211 : memref<1x64xi32, #tpu.memory_space<vmem>> -> memref<64xi32, #tpu.memory_space<vmem>>
        %dma_start3A_213 = arith.constant 0 : i32
        %dma_start3A_214 = arith.constant 0 : i32
        %dma_start3A_215 = tpu.memref_slice %arg2[%dma_start3A_213, %dma_start3A_214] : memref<20480x128xf32, #tpu.memory_space<hbm>> -> memref<20480x128xf32, #tpu.memory_space<hbm>>
        tpu.enqueue_indirect_dma source(%dma_start3A_215 : memref<20480x128xf32, #tpu.memory_space<hbm>>) target(%dma_start3A_209 : memref<64x128xf32, #tpu.memory_space<vmem>>) offsets(%dma_start3A_212 : memref<64xi32, #tpu.memory_space<vmem>>) semaphore(%arg11 : memref<!tpu.dma_semaphore, #tpu.memory_space<semaphore_mem>>)
        %dma_start3A_216 = arith.constant 64 : i32
        %dma_start3A_217 = arith.constant 0 : i32
        %dma_start3A_218 = tpu.memref_slice %arg9[%dma_start3A_216, %dma_start3A_217] : memref<128x128xf32, #tpu.memory_space<vmem>> -> memref<64x128xf32, #tpu.memory_space<vmem>>
        %dma_start3A_219 = arith.constant 64 : i32
        %dma_start3A_220 = tpu.memref_slice %arg7[%add3A_206, %dma_start3A_219] : memref<40x128xi32, #tpu.memory_space<vmem>> -> memref<1x64xi32, #tpu.memory_space<vmem>>
        %dma_start3A_221 = tpu.memref_squeeze %dma_start3A_220 : memref<1x64xi32, #tpu.memory_space<vmem>> -> memref<64xi32, #tpu.memory_space<vmem>>
        %dma_start3A_222 = arith.constant 0 : i32
        %dma_start3A_223 = arith.constant 0 : i32
        %dma_start3A_224 = tpu.memref_slice %arg2[%dma_start3A_222, %dma_start3A_223] : memref<20480x128xf32, #tpu.memory_space<hbm>> -> memref<20480x128xf32, #tpu.memory_space<hbm>>
        tpu.enqueue_indirect_dma source(%dma_start3A_224 : memref<20480x128xf32, #tpu.memory_space<hbm>>) target(%dma_start3A_218 : memref<64x128xf32, #tpu.memory_space<vmem>>) offsets(%dma_start3A_221 : memref<64xi32, #tpu.memory_space<vmem>>) semaphore(%arg13 : memref<!tpu.dma_semaphore, #tpu.memory_space<semaphore_mem>>)
      } else {
      }
      %mul3A_164 = arith.constant 2 : i32
      %mul3A_165 = arith.muli %scan3A_126, %mul3A_164 : i32
      %add3A_166 = arith.constant 1 : i32
      %add3A_167 = arith.addi %mul3A_165, %add3A_166 : i32
      %dma_wait3A_168 = arith.constant 0 : i32
      %dma_wait3A_169 = arith.constant 0 : i32
      %dma_wait3A_170 = tpu.memref_slice %arg10[%dma_wait3A_168, %dma_wait3A_169] : memref<128x128xf32, #tpu.memory_space<vmem>> -> memref<64x128xf32, #tpu.memory_space<vmem>>
      %dma_wait3A_171 = arith.constant 0 : i32
      %dma_wait3A_172 = tpu.memref_slice %arg7[%add3A_167, %dma_wait3A_171] : memref<40x128xi32, #tpu.memory_space<vmem>> -> memref<1x64xi32, #tpu.memory_space<vmem>>
      %dma_wait3A_173 = tpu.memref_squeeze %dma_wait3A_172 : memref<1x64xi32, #tpu.memory_space<vmem>> -> memref<64xi32, #tpu.memory_space<vmem>>
      %dma_wait3A_174 = arith.constant 0 : i32
      %dma_wait3A_175 = arith.constant 0 : i32
      %dma_wait3A_176 = tpu.memref_slice %arg2[%dma_wait3A_174, %dma_wait3A_175] : memref<20480x128xf32, #tpu.memory_space<hbm>> -> memref<20480x128xf32, #tpu.memory_space<hbm>>
      tpu.wait_indirect_dma semaphore(%arg12 : memref<!tpu.dma_semaphore, #tpu.memory_space<semaphore_mem>>) src(%dma_wait3A_176 : memref<20480x128xf32, #tpu.memory_space<hbm>>) dst(%dma_wait3A_170 : memref<64x128xf32, #tpu.memory_space<vmem>>)
      %dma_wait3A_177 = arith.constant 64 : i32
      %dma_wait3A_178 = arith.constant 0 : i32
      %dma_wait3A_179 = tpu.memref_slice %arg10[%dma_wait3A_177, %dma_wait3A_178] : memref<128x128xf32, #tpu.memory_space<vmem>> -> memref<64x128xf32, #tpu.memory_space<vmem>>
      %dma_wait3A_180 = arith.constant 64 : i32
      %dma_wait3A_181 = tpu.memref_slice %arg7[%add3A_167, %dma_wait3A_180] : memref<40x128xi32, #tpu.memory_space<vmem>> -> memref<1x64xi32, #tpu.memory_space<vmem>>
      %dma_wait3A_182 = tpu.memref_squeeze %dma_wait3A_181 : memref<1x64xi32, #tpu.memory_space<vmem>> -> memref<64xi32, #tpu.memory_space<vmem>>
      %dma_wait3A_183 = arith.constant 0 : i32
      %dma_wait3A_184 = arith.constant 0 : i32
      %dma_wait3A_185 = tpu.memref_slice %arg2[%dma_wait3A_183, %dma_wait3A_184] : memref<20480x128xf32, #tpu.memory_space<hbm>> -> memref<20480x128xf32, #tpu.memory_space<hbm>>
      tpu.wait_indirect_dma semaphore(%arg14 : memref<!tpu.dma_semaphore, #tpu.memory_space<semaphore_mem>>) src(%dma_wait3A_185 : memref<20480x128xf32, #tpu.memory_space<hbm>>) dst(%dma_wait3A_179 : memref<64x128xf32, #tpu.memory_space<vmem>>)
      %dma_start3A_186 = arith.constant 0 : i32
      %dma_start3A_187 = tpu.memref_slice %arg8[%add3A_167, %dma_start3A_186] : memref<40x128xi32, #tpu.memory_space<vmem>> -> memref<1x128xi32, #tpu.memory_space<vmem>>
      %dma_start3A_188 = tpu.memref_squeeze %dma_start3A_187 : memref<1x128xi32, #tpu.memory_space<vmem>> -> memref<128xi32, #tpu.memory_space<vmem>>
      %dma_start3A_189 = arith.constant 0 : i32
      %dma_start3A_190 = arith.constant 0 : i32
      %dma_start3A_191 = tpu.memref_slice %arg6[%dma_start3A_189, %dma_start3A_190] : memref<10240x128xf32, #tpu.memory_space<vmem_shared>> -> memref<10240x128xf32, #tpu.memory_space<vmem_shared>>
      tpu.enqueue_indirect_dma source(%arg10 : memref<128x128xf32, #tpu.memory_space<vmem>>) target(%dma_start3A_191 : memref<10240x128xf32, #tpu.memory_space<vmem_shared>>) offsets(%dma_start3A_188 : memref<128xi32, #tpu.memory_space<vmem>>) semaphore(%arg15 : memref<!tpu.dma_semaphore, #tpu.memory_space<semaphore_mem>>) {add = true}
      %dma_wait3A_192 = arith.constant 0 : i32
      %dma_wait3A_193 = tpu.memref_slice %arg8[%add3A_167, %dma_wait3A_192] : memref<40x128xi32, #tpu.memory_space<vmem>> -> memref<1x128xi32, #tpu.memory_space<vmem>>
      %dma_wait3A_194 = tpu.memref_squeeze %dma_wait3A_193 : memref<1x128xi32, #tpu.memory_space<vmem>> -> memref<128xi32, #tpu.memory_space<vmem>>
      %dma_wait3A_195 = arith.constant 0 : i32
      %dma_wait3A_196 = arith.constant 0 : i32
      %dma_wait3A_197 = tpu.memref_slice %arg6[%dma_wait3A_195, %dma_wait3A_196] : memref<10240x128xf32, #tpu.memory_space<vmem_shared>> -> memref<10240x128xf32, #tpu.memory_space<vmem_shared>>
      tpu.wait_indirect_dma semaphore(%arg15 : memref<!tpu.dma_semaphore, #tpu.memory_space<semaphore_mem>>) src(%arg10 : memref<128x128xf32, #tpu.memory_space<vmem>>) dst(%dma_wait3A_197 : memref<10240x128xf32, #tpu.memory_space<vmem_shared>>)
      %add3A_198 = arith.constant 2 : i32
      %add3A_199 = arith.addi %add3A_167, %add3A_198 : i32
      %lt3A_200 = arith.constant 40 : i32
      %lt3A_201 = arith.cmpi slt, %add3A_199, %lt3A_200 : i32
      %convert_element_type3A_202 = arith.extui %lt3A_201 : i1 to i32
      %cond3A_203 = arith.constant 0 : i32
      %cond3A_204 = arith.cmpi ne, %convert_element_type3A_202, %cond3A_203 : i32
      scf.if %cond3A_204 {
        %add3A_205 = arith.constant 2 : i32
        %add3A_206 = arith.addi %add3A_167, %add3A_205 : i32
        %dma_start3A_207 = arith.constant 0 : i32
        %dma_start3A_208 = arith.constant 0 : i32
        %dma_start3A_209 = tpu.memref_slice %arg10[%dma_start3A_207, %dma_start3A_208] : memref<128x128xf32, #tpu.memory_space<vmem>> -> memref<64x128xf32, #tpu.memory_space<vmem>>
        %dma_start3A_210 = arith.constant 0 : i32
        %dma_start3A_211 = tpu.memref_slice %arg7[%add3A_206, %dma_start3A_210] : memref<40x128xi32, #tpu.memory_space<vmem>> -> memref<1x64xi32, #tpu.memory_space<vmem>>
        %dma_start3A_212 = tpu.memref_squeeze %dma_start3A_211 : memref<1x64xi32, #tpu.memory_space<vmem>> -> memref<64xi32, #tpu.memory_space<vmem>>
        %dma_start3A_213 = arith.constant 0 : i32
        %dma_start3A_214 = arith.constant 0 : i32
        %dma_start3A_215 = tpu.memref_slice %arg2[%dma_start3A_213, %dma_start3A_214] : memref<20480x128xf32, #tpu.memory_space<hbm>> -> memref<20480x128xf32, #tpu.memory_space<hbm>>
        tpu.enqueue_indirect_dma source(%dma_start3A_215 : memref<20480x128xf32, #tpu.memory_space<hbm>>) target(%dma_start3A_209 : memref<64x128xf32, #tpu.memory_space<vmem>>) offsets(%dma_start3A_212 : memref<64xi32, #tpu.memory_space<vmem>>) semaphore(%arg12 : memref<!tpu.dma_semaphore, #tpu.memory_space<semaphore_mem>>)
        %dma_start3A_216 = arith.constant 64 : i32
        %dma_start3A_217 = arith.constant 0 : i32
        %dma_start3A_218 = tpu.memref_slice %arg10[%dma_start3A_216, %dma_start3A_217] : memref<128x128xf32, #tpu.memory_space<vmem>> -> memref<64x128xf32, #tpu.memory_space<vmem>>
        %dma_start3A_219 = arith.constant 64 : i32
        %dma_start3A_220 = tpu.memref_slice %arg7[%add3A_206, %dma_start3A_219] : memref<40x128xi32, #tpu.memory_space<vmem>> -> memref<1x64xi32, #tpu.memory_space<vmem>>
        %dma_start3A_221 = tpu.memref_squeeze %dma_start3A_220 : memref<1x64xi32, #tpu.memory_space<vmem>> -> memref<64xi32, #tpu.memory_space<vmem>>
        %dma_start3A_222 = arith.constant 0 : i32
        %dma_start3A_223 = arith.constant 0 : i32
        %dma_start3A_224 = tpu.memref_slice %arg2[%dma_start3A_222, %dma_start3A_223] : memref<20480x128xf32, #tpu.memory_space<hbm>> -> memref<20480x128xf32, #tpu.memory_space<hbm>>
        tpu.enqueue_indirect_dma source(%dma_start3A_224 : memref<20480x128xf32, #tpu.memory_space<hbm>>) target(%dma_start3A_218 : memref<64x128xf32, #tpu.memory_space<vmem>>) offsets(%dma_start3A_221 : memref<64xi32, #tpu.memory_space<vmem>>) semaphore(%arg14 : memref<!tpu.dma_semaphore, #tpu.memory_space<semaphore_mem>>)
      } else {
      }
    }
    %scan3A_118 = arith.constant 20 : i32
    "tpu.trace_stop"() : () -> ()
    "tpu.trace_start"() <{level = 10 : i32, message = "agg_copy_out"}> : () -> ()
    %barrier3A_119 = arith.constant 0 : index
    tpu.barrier barrier_id(%barrier3A_119)
    %mul3A_120 = arith.constant 10240 : i32
    %mul3A_121 = arith.muli %arg0, %mul3A_120 : i32
    %mul3A_122 = arith.constant 640 : i32
    %mul3A_123 = arith.muli %arg1, %mul3A_122 : i32
    %add3A_124 = arith.addi %mul3A_121, %mul3A_123 : i32
    %multiple_of3A_125 = tpu.assume_multiple %add3A_124, 8 : i32
    "tpu.region"() ({
      %run_scoped3A_126 = tpu.sem_alloc : memref<!tpu.dma_semaphore, #tpu.memory_space<semaphore_mem>>
      %dma_start3A_127 = arith.constant 0 : i32
      %dma_start3A_128 = tpu.memref_slice %arg5[%multiple_of3A_125, %dma_start3A_127] : memref<20480x128xf32, #tpu.memory_space<hbm>> -> memref<640x128xf32, #tpu.memory_space<hbm>>
      %dma_start3A_129 = arith.constant 0 : i32
      %dma_start3A_130 = tpu.memref_slice %arg6[%multiple_of3A, %dma_start3A_129] : memref<10240x128xf32, #tpu.memory_space<vmem_shared>> -> memref<640x128xf32, #tpu.memory_space<vmem_shared>>
      tpu.enqueue_dma source(%dma_start3A_130 : memref<640x128xf32, #tpu.memory_space<vmem_shared>>) target(%dma_start3A_128 : memref<640x128xf32, #tpu.memory_space<hbm>>) target_semaphore(%run_scoped3A_126 : memref<!tpu.dma_semaphore, #tpu.memory_space<semaphore_mem>>)
      %dma_wait3A = arith.constant 0 : i32
      %dma_wait3A_131 = tpu.memref_slice %arg5[%multiple_of3A_125, %dma_wait3A] : memref<20480x128xf32, #tpu.memory_space<hbm>> -> memref<640x128xf32, #tpu.memory_space<hbm>>
      %dma_wait3A_132 = arith.constant 0 : i32
      %dma_wait3A_133 = tpu.memref_slice %arg6[%multiple_of3A, %dma_wait3A_132] : memref<10240x128xf32, #tpu.memory_space<vmem_shared>> -> memref<640x128xf32, #tpu.memory_space<vmem_shared>>
      tpu.wait_dma2 semaphore(%run_scoped3A_126 : memref<!tpu.dma_semaphore, #tpu.memory_space<semaphore_mem>>) src(%dma_wait3A_133 : memref<640x128xf32, #tpu.memory_space<vmem_shared>>) dst(%dma_wait3A_131 : memref<640x128xf32, #tpu.memory_space<hbm>>)
      tpu.yield
    }) : () -> ()
    "tpu.trace_stop"() : () -> ()
    return
  }
}

#map = affine_map<(d0, d1) -> (0, 0)>
#map1 = affine_map<(d0, d1) -> (0, 0, 0)>
module attributes {stable_mosaic.version = 14 : i64} {
  func.func @agg(%arg0: i32, %arg1: i32, %arg2: memref<20480x128xf32, #tpu.memory_space<hbm>>, %arg3: memref<2x1280x128xi32, #tpu.memory_space<hbm>>, %arg4: memref<10240x128xf32, #tpu.memory_space<hbm>>, %arg5: memref<20480x128xf32, #tpu.memory_space<hbm>>, %arg6: memref<10240x128xf32, #tpu.memory_space<vmem_shared>>, %arg7: memref<40x128xi32, #tpu.memory_space<vmem>>, %arg8: memref<40x128xi32, #tpu.memory_space<vmem>>, %arg9: memref<128x128xf32, #tpu.memory_space<vmem>>, %arg10: memref<128x128xf32, #tpu.memory_space<vmem>>, %arg11: memref<!tpu.dma_semaphore, #tpu.memory_space<semaphore_mem>>, %arg12: memref<!tpu.dma_semaphore, #tpu.memory_space<semaphore_mem>>, %arg13: memref<!tpu.dma_semaphore, #tpu.memory_space<semaphore_mem>>, %arg14: memref<!tpu.dma_semaphore, #tpu.memory_space<semaphore_mem>>, %arg15: memref<!tpu.dma_semaphore, #tpu.memory_space<semaphore_mem>>) attributes {dimension_semantics = [#tpu.dimension_semantics<core_parallel>, #tpu.dimension_semantics<subcore_parallel>], iteration_bounds = array<i64: 2, 16>, scalar_prefetch = 0 : i64, scratch_operands = 10 : i64, tpu.core_type = #tpu.core_type<sc_vector_subcore>, window_params = [{transform_indices = #map}, {transform_indices = #map1}, {transform_indices = #map}, {transform_indices = #map}]} {
    %mul3A = arith.constant 640 : i32
    %mul3A_0 = arith.muli %arg1, %mul3A : i32
    %multiple_of3A = tpu.assume_multiple %mul3A_0, 8 : i32
    "tpu.trace_start"() <{level = 10 : i32, message = "agg_zero_init"}> : () -> ()
    "tpu.region"() ({
      %run_scoped3A_69 = tpu.sem_alloc : memref<!tpu.dma_semaphore, #tpu.memory_space<semaphore_mem>>
      %dma_start3A_70 = arith.constant 0 : i32
      %dma_start3A_71 = tpu.memref_slice %arg6[%multiple_of3A, %dma_start3A_70] : memref<10240x128xf32, #tpu.memory_space<vmem_shared>> -> memref<640x128xf32, #tpu.memory_space<vmem_shared>>
      %dma_start3A_72 = arith.constant 0 : i32
      %dma_start3A_73 = tpu.memref_slice %arg4[%multiple_of3A, %dma_start3A_72] : memref<10240x128xf32, #tpu.memory_space<hbm>> -> memref<640x128xf32, #tpu.memory_space<hbm>>
      tpu.enqueue_dma source(%dma_start3A_73 : memref<640x128xf32, #tpu.memory_space<hbm>>) target(%dma_start3A_71 : memref<640x128xf32, #tpu.memory_space<vmem_shared>>) target_semaphore(%run_scoped3A_69 : memref<!tpu.dma_semaphore, #tpu.memory_space<semaphore_mem>>)
      %dma_wait3A = arith.constant 0 : i32
      %dma_wait3A_74 = tpu.memref_slice %arg6[%multiple_of3A, %dma_wait3A] : memref<10240x128xf32, #tpu.memory_space<vmem_shared>> -> memref<640x128xf32, #tpu.memory_space<vmem_shared>>
      %dma_wait3A_75 = arith.constant 0 : i32
      %dma_wait3A_76 = tpu.memref_slice %arg4[%multiple_of3A, %dma_wait3A_75] : memref<10240x128xf32, #tpu.memory_space<hbm>> -> memref<640x128xf32, #tpu.memory_space<hbm>>
      tpu.wait_dma2 semaphore(%run_scoped3A_69 : memref<!tpu.dma_semaphore, #tpu.memory_space<semaphore_mem>>) src(%dma_wait3A_76 : memref<640x128xf32, #tpu.memory_space<hbm>>) dst(%dma_wait3A_74 : memref<640x128xf32, #tpu.memory_space<vmem_shared>>)
      tpu.yield
    }) : () -> ()
    %barrier3A = arith.constant 0 : index
    tpu.barrier barrier_id(%barrier3A)
    "tpu.trace_stop"() : () -> ()
    %mul3A_1 = arith.constant 16 : i32
    %mul3A_2 = arith.muli %arg0, %mul3A_1 : i32
    %add3A = arith.addi %mul3A_2, %arg1 : i32
    %mul3A_3 = arith.constant 40 : i32
    %mul3A_4 = arith.muli %add3A, %mul3A_3 : i32
    "tpu.trace_start"() <{level = 10 : i32, message = "agg_idx_preload"}> : () -> ()
    %add3A_5 = arith.constant 0 : i32
    %add3A_6 = arith.addi %mul3A_4, %add3A_5 : i32
    %run_scoped3A = arith.constant 0 : i32
    "tpu.region"() ({
      %run_scoped3A_69 = tpu.sem_alloc : memref<!tpu.dma_semaphore, #tpu.memory_space<semaphore_mem>>
      %dma_start3A_70 = arith.constant 0 : i32
      %dma_start3A_71 = tpu.memref_slice %arg3[%run_scoped3A, %add3A_6, %dma_start3A_70] : memref<2x1280x128xi32, #tpu.memory_space<hbm>> -> memref<1x40x128xi32, #tpu.memory_space<hbm>>
      %dma_start3A_72 = tpu.memref_squeeze %dma_start3A_71 : memref<1x40x128xi32, #tpu.memory_space<hbm>> -> memref<40x128xi32, #tpu.memory_space<hbm>>
      %dma_start3A_73 = arith.constant 0 : i32
      %dma_start3A_74 = tpu.memref_slice %arg3[%run_scoped3A, %add3A_6, %dma_start3A_73] : memref<2x1280x128xi32, #tpu.memory_space<hbm>> -> memref<1x40x128xi32, #tpu.memory_space<hbm>>
      %dma_start3A_75 = tpu.memref_squeeze %dma_start3A_74 : memref<1x40x128xi32, #tpu.memory_space<hbm>> -> memref<40x128xi32, #tpu.memory_space<hbm>>
      tpu.enqueue_dma source(%dma_start3A_75 : memref<40x128xi32, #tpu.memory_space<hbm>>) target(%arg7 : memref<40x128xi32, #tpu.memory_space<vmem>>) target_semaphore(%run_scoped3A_69 : memref<!tpu.dma_semaphore, #tpu.memory_space<semaphore_mem>>)
      %dma_wait3A = arith.constant 0 : i32
      %dma_wait3A_76 = tpu.memref_slice %arg3[%run_scoped3A, %add3A_6, %dma_wait3A] : memref<2x1280x128xi32, #tpu.memory_space<hbm>> -> memref<1x40x128xi32, #tpu.memory_space<hbm>>
      %dma_wait3A_77 = tpu.memref_squeeze %dma_wait3A_76 : memref<1x40x128xi32, #tpu.memory_space<hbm>> -> memref<40x128xi32, #tpu.memory_space<hbm>>
      %dma_wait3A_78 = arith.constant 0 : i32
      %dma_wait3A_79 = tpu.memref_slice %arg3[%run_scoped3A, %add3A_6, %dma_wait3A_78] : memref<2x1280x128xi32, #tpu.memory_space<hbm>> -> memref<1x40x128xi32, #tpu.memory_space<hbm>>
      %dma_wait3A_80 = tpu.memref_squeeze %dma_wait3A_79 : memref<1x40x128xi32, #tpu.memory_space<hbm>> -> memref<40x128xi32, #tpu.memory_space<hbm>>
      tpu.wait_dma2 semaphore(%run_scoped3A_69 : memref<!tpu.dma_semaphore, #tpu.memory_space<semaphore_mem>>) src(%dma_wait3A_80 : memref<40x128xi32, #tpu.memory_space<hbm>>) dst(%arg7 : memref<40x128xi32, #tpu.memory_space<vmem>>)
      tpu.yield
    }) : () -> ()
    %add3A_7 = arith.constant 0 : i32
    %add3A_8 = arith.addi %mul3A_4, %add3A_7 : i32
    %run_scoped3A_9 = arith.constant 1 : i32
    "tpu.region"() ({
      %run_scoped3A_69 = tpu.sem_alloc : memref<!tpu.dma_semaphore, #tpu.memory_space<semaphore_mem>>
      %dma_start3A_70 = arith.constant 0 : i32
      %dma_start3A_71 = tpu.memref_slice %arg3[%run_scoped3A_9, %add3A_8, %dma_start3A_70] : memref<2x1280x128xi32, #tpu.memory_space<hbm>> -> memref<1x40x128xi32, #tpu.memory_space<hbm>>
      %dma_start3A_72 = tpu.memref_squeeze %dma_start3A_71 : memref<1x40x128xi32, #tpu.memory_space<hbm>> -> memref<40x128xi32, #tpu.memory_space<hbm>>
      %dma_start3A_73 = arith.constant 0 : i32
      %dma_start3A_74 = tpu.memref_slice %arg3[%run_scoped3A_9, %add3A_8, %dma_start3A_73] : memref<2x1280x128xi32, #tpu.memory_space<hbm>> -> memref<1x40x128xi32, #tpu.memory_space<hbm>>
      %dma_start3A_75 = tpu.memref_squeeze %dma_start3A_74 : memref<1x40x128xi32, #tpu.memory_space<hbm>> -> memref<40x128xi32, #tpu.memory_space<hbm>>
      tpu.enqueue_dma source(%dma_start3A_75 : memref<40x128xi32, #tpu.memory_space<hbm>>) target(%arg8 : memref<40x128xi32, #tpu.memory_space<vmem>>) target_semaphore(%run_scoped3A_69 : memref<!tpu.dma_semaphore, #tpu.memory_space<semaphore_mem>>)
      %dma_wait3A = arith.constant 0 : i32
      %dma_wait3A_76 = tpu.memref_slice %arg3[%run_scoped3A_9, %add3A_8, %dma_wait3A] : memref<2x1280x128xi32, #tpu.memory_space<hbm>> -> memref<1x40x128xi32, #tpu.memory_space<hbm>>
      %dma_wait3A_77 = tpu.memref_squeeze %dma_wait3A_76 : memref<1x40x128xi32, #tpu.memory_space<hbm>> -> memref<40x128xi32, #tpu.memory_space<hbm>>
      %dma_wait3A_78 = arith.constant 0 : i32
      %dma_wait3A_79 = tpu.memref_slice %arg3[%run_scoped3A_9, %add3A_8, %dma_wait3A_78] : memref<2x1280x128xi32, #tpu.memory_space<hbm>> -> memref<1x40x128xi32, #tpu.memory_space<hbm>>
      %dma_wait3A_80 = tpu.memref_squeeze %dma_wait3A_79 : memref<1x40x128xi32, #tpu.memory_space<hbm>> -> memref<40x128xi32, #tpu.memory_space<hbm>>
      tpu.wait_dma2 semaphore(%run_scoped3A_69 : memref<!tpu.dma_semaphore, #tpu.memory_space<semaphore_mem>>) src(%dma_wait3A_80 : memref<40x128xi32, #tpu.memory_space<hbm>>) dst(%arg8 : memref<40x128xi32, #tpu.memory_space<vmem>>)
      tpu.yield
    }) : () -> ()
    "tpu.trace_stop"() : () -> ()
    %mul3A_10 = arith.constant 10240 : i32
    %mul3A_11 = arith.muli %arg0, %mul3A_10 : i32
    %scan3A = arith.constant 0 : i32
    %scan3A_12 = arith.constant 0 : i32
    %scan3A_13 = arith.constant 40 : i32
    %scan3A_14 = arith.addi %scan3A_12, %scan3A_13 : i32
    %scan3A_15 = arith.constant 1 : i32
    scf.for %scan3A_69 = %scan3A_12 to %scan3A_14 step %scan3A_15  : i32 {
      %get3A = arith.index_cast %scan3A_69 : i32 to index
      %get3A_70 = arith.constant 0 : index
      %get3A_71 = tpu.vector_load %arg7[%get3A, %get3A_70] {strides = array<i32>} : memref<40x128xi32, #tpu.memory_space<vmem>>, vector<1x16xi32>,
      %get3A_72 = vector.shape_cast %get3A_71 : vector<1x16xi32> to vector<16xi32>
      %add3A_73 = vector.broadcast %mul3A_11 : i32 to vector<16xi32>
      %add3A_74 = arith.addi %get3A_72, %add3A_73 : vector<16xi32>
      %swap3A = arith.index_cast %scan3A_69 : i32 to index
      %swap3A_75 = arith.constant 0 : index
      %swap3A_76 = tpu.vector_load %arg7[%swap3A, %swap3A_75] {strides = array<i32>} : memref<40x128xi32, #tpu.memory_space<vmem>>, vector<1x16xi32>,
      %swap3A_77 = vector.shape_cast %swap3A_76 : vector<1x16xi32> to vector<16xi32>
      %swap3A_78 = vector.shape_cast %add3A_74 : vector<16xi32> to vector<1x16xi32>
      tpu.vector_store %arg7[%swap3A, %swap3A_75], %swap3A_78 {strides = array<i32>} : memref<40x128xi32, #tpu.memory_space<vmem>>, vector<1x16xi32>,
      %get3A_79 = arith.index_cast %scan3A_69 : i32 to index
      %get3A_80 = arith.constant 16 : index
      %get3A_81 = tpu.vector_load %arg7[%get3A_79, %get3A_80] {strides = array<i32>} : memref<40x128xi32, #tpu.memory_space<vmem>>, vector<1x16xi32>,
      %get3A_82 = vector.shape_cast %get3A_81 : vector<1x16xi32> to vector<16xi32>
      %add3A_83 = vector.broadcast %mul3A_11 : i32 to vector<16xi32>
      %add3A_84 = arith.addi %get3A_82, %add3A_83 : vector<16xi32>
      %swap3A_85 = arith.index_cast %scan3A_69 : i32 to index
      %swap3A_86 = arith.constant 16 : index
      %swap3A_87 = tpu.vector_load %arg7[%swap3A_85, %swap3A_86] {strides = array<i32>} : memref<40x128xi32, #tpu.memory_space<vmem>>, vector<1x16xi32>,
      %swap3A_88 = vector.shape_cast %swap3A_87 : vector<1x16xi32> to vector<16xi32>
      %swap3A_89 = vector.shape_cast %add3A_84 : vector<16xi32> to vector<1x16xi32>
      tpu.vector_store %arg7[%swap3A_85, %swap3A_86], %swap3A_89 {strides = array<i32>} : memref<40x128xi32, #tpu.memory_space<vmem>>, vector<1x16xi32>,
      %get3A_90 = arith.index_cast %scan3A_69 : i32 to index
      %get3A_91 = arith.constant 32 : index
      %get3A_92 = tpu.vector_load %arg7[%get3A_90, %get3A_91] {strides = array<i32>} : memref<40x128xi32, #tpu.memory_space<vmem>>, vector<1x16xi32>,
      %get3A_93 = vector.shape_cast %get3A_92 : vector<1x16xi32> to vector<16xi32>
      %add3A_94 = vector.broadcast %mul3A_11 : i32 to vector<16xi32>
      %add3A_95 = arith.addi %get3A_93, %add3A_94 : vector<16xi32>
      %swap3A_96 = arith.index_cast %scan3A_69 : i32 to index
      %swap3A_97 = arith.constant 32 : index
      %swap3A_98 = tpu.vector_load %arg7[%swap3A_96, %swap3A_97] {strides = array<i32>} : memref<40x128xi32, #tpu.memory_space<vmem>>, vector<1x16xi32>,
      %swap3A_99 = vector.shape_cast %swap3A_98 : vector<1x16xi32> to vector<16xi32>
      %swap3A_100 = vector.shape_cast %add3A_95 : vector<16xi32> to vector<1x16xi32>
      tpu.vector_store %arg7[%swap3A_96, %swap3A_97], %swap3A_100 {strides = array<i32>} : memref<40x128xi32, #tpu.memory_space<vmem>>, vector<1x16xi32>,
      %get3A_101 = arith.index_cast %scan3A_69 : i32 to index
      %get3A_102 = arith.constant 48 : index
      %get3A_103 = tpu.vector_load %arg7[%get3A_101, %get3A_102] {strides = array<i32>} : memref<40x128xi32, #tpu.memory_space<vmem>>, vector<1x16xi32>,
      %get3A_104 = vector.shape_cast %get3A_103 : vector<1x16xi32> to vector<16xi32>
      %add3A_105 = vector.broadcast %mul3A_11 : i32 to vector<16xi32>
      %add3A_106 = arith.addi %get3A_104, %add3A_105 : vector<16xi32>
      %swap3A_107 = arith.index_cast %scan3A_69 : i32 to index
      %swap3A_108 = arith.constant 48 : index
      %swap3A_109 = tpu.vector_load %arg7[%swap3A_107, %swap3A_108] {strides = array<i32>} : memref<40x128xi32, #tpu.memory_space<vmem>>, vector<1x16xi32>,
      %swap3A_110 = vector.shape_cast %swap3A_109 : vector<1x16xi32> to vector<16xi32>
      %swap3A_111 = vector.shape_cast %add3A_106 : vector<16xi32> to vector<1x16xi32>
      tpu.vector_store %arg7[%swap3A_107, %swap3A_108], %swap3A_111 {strides = array<i32>} : memref<40x128xi32, #tpu.memory_space<vmem>>, vector<1x16xi32>,
      %get3A_112 = arith.index_cast %scan3A_69 : i32 to index
      %get3A_113 = arith.constant 64 : index
      %get3A_114 = tpu.vector_load %arg7[%get3A_112, %get3A_113] {strides = array<i32>} : memref<40x128xi32, #tpu.memory_space<vmem>>, vector<1x16xi32>,
      %get3A_115 = vector.shape_cast %get3A_114 : vector<1x16xi32> to vector<16xi32>
      %add3A_116 = vector.broadcast %mul3A_11 : i32 to vector<16xi32>
      %add3A_117 = arith.addi %get3A_115, %add3A_116 : vector<16xi32>
      %swap3A_118 = arith.index_cast %scan3A_69 : i32 to index
      %swap3A_119 = arith.constant 64 : index
      %swap3A_120 = tpu.vector_load %arg7[%swap3A_118, %swap3A_119] {strides = array<i32>} : memref<40x128xi32, #tpu.memory_space<vmem>>, vector<1x16xi32>,
      %swap3A_121 = vector.shape_cast %swap3A_120 : vector<1x16xi32> to vector<16xi32>
      %swap3A_122 = vector.shape_cast %add3A_117 : vector<16xi32> to vector<1x16xi32>
      tpu.vector_store %arg7[%swap3A_118, %swap3A_119], %swap3A_122 {strides = array<i32>} : memref<40x128xi32, #tpu.memory_space<vmem>>, vector<1x16xi32>,
      %get3A_123 = arith.index_cast %scan3A_69 : i32 to index
      %get3A_124 = arith.constant 80 : index
      %get3A_125 = tpu.vector_load %arg7[%get3A_123, %get3A_124] {strides = array<i32>} : memref<40x128xi32, #tpu.memory_space<vmem>>, vector<1x16xi32>,
      %get3A_126 = vector.shape_cast %get3A_125 : vector<1x16xi32> to vector<16xi32>
      %add3A_127 = vector.broadcast %mul3A_11 : i32 to vector<16xi32>
      %add3A_128 = arith.addi %get3A_126, %add3A_127 : vector<16xi32>
      %swap3A_129 = arith.index_cast %scan3A_69 : i32 to index
      %swap3A_130 = arith.constant 80 : index
      %swap3A_131 = tpu.vector_load %arg7[%swap3A_129, %swap3A_130] {strides = array<i32>} : memref<40x128xi32, #tpu.memory_space<vmem>>, vector<1x16xi32>,
      %swap3A_132 = vector.shape_cast %swap3A_131 : vector<1x16xi32> to vector<16xi32>
      %swap3A_133 = vector.shape_cast %add3A_128 : vector<16xi32> to vector<1x16xi32>
      tpu.vector_store %arg7[%swap3A_129, %swap3A_130], %swap3A_133 {strides = array<i32>} : memref<40x128xi32, #tpu.memory_space<vmem>>, vector<1x16xi32>,
      %get3A_134 = arith.index_cast %scan3A_69 : i32 to index
      %get3A_135 = arith.constant 96 : index
      %get3A_136 = tpu.vector_load %arg7[%get3A_134, %get3A_135] {strides = array<i32>} : memref<40x128xi32, #tpu.memory_space<vmem>>, vector<1x16xi32>,
      %get3A_137 = vector.shape_cast %get3A_136 : vector<1x16xi32> to vector<16xi32>
      %add3A_138 = vector.broadcast %mul3A_11 : i32 to vector<16xi32>
      %add3A_139 = arith.addi %get3A_137, %add3A_138 : vector<16xi32>
      %swap3A_140 = arith.index_cast %scan3A_69 : i32 to index
      %swap3A_141 = arith.constant 96 : index
      %swap3A_142 = tpu.vector_load %arg7[%swap3A_140, %swap3A_141] {strides = array<i32>} : memref<40x128xi32, #tpu.memory_space<vmem>>, vector<1x16xi32>,
      %swap3A_143 = vector.shape_cast %swap3A_142 : vector<1x16xi32> to vector<16xi32>
      %swap3A_144 = vector.shape_cast %add3A_139 : vector<16xi32> to vector<1x16xi32>
      tpu.vector_store %arg7[%swap3A_140, %swap3A_141], %swap3A_144 {strides = array<i32>} : memref<40x128xi32, #tpu.memory_space<vmem>>, vector<1x16xi32>,
      %get3A_145 = arith.index_cast %scan3A_69 : i32 to index
      %get3A_146 = arith.constant 112 : index
      %get3A_147 = tpu.vector_load %arg7[%get3A_145, %get3A_146] {strides = array<i32>} : memref<40x128xi32, #tpu.memory_space<vmem>>, vector<1x16xi32>,
      %get3A_148 = vector.shape_cast %get3A_147 : vector<1x16xi32> to vector<16xi32>
      %add3A_149 = vector.broadcast %mul3A_11 : i32 to vector<16xi32>
      %add3A_150 = arith.addi %get3A_148, %add3A_149 : vector<16xi32>
      %swap3A_151 = arith.index_cast %scan3A_69 : i32 to index
      %swap3A_152 = arith.constant 112 : index
      %swap3A_153 = tpu.vector_load %arg7[%swap3A_151, %swap3A_152] {strides = array<i32>} : memref<40x128xi32, #tpu.memory_space<vmem>>, vector<1x16xi32>,
      %swap3A_154 = vector.shape_cast %swap3A_153 : vector<1x16xi32> to vector<16xi32>
      %swap3A_155 = vector.shape_cast %add3A_150 : vector<16xi32> to vector<1x16xi32>
      tpu.vector_store %arg7[%swap3A_151, %swap3A_152], %swap3A_155 {strides = array<i32>} : memref<40x128xi32, #tpu.memory_space<vmem>>, vector<1x16xi32>,
    }
    %scan3A_16 = arith.constant 40 : i32
    %dma_start3A = arith.constant 0 : i32
    %dma_start3A_17 = arith.constant 0 : i32
    %dma_start3A_18 = arith.constant 0 : i32
    %dma_start3A_19 = tpu.memref_slice %arg9[%dma_start3A_17, %dma_start3A_18] : memref<128x128xf32, #tpu.memory_space<vmem>> -> memref<64x128xf32, #tpu.memory_space<vmem>>
    %dma_start3A_20 = arith.constant 0 : i32
    %dma_start3A_21 = tpu.memref_slice %arg7[%dma_start3A, %dma_start3A_20] : memref<40x128xi32, #tpu.memory_space<vmem>> -> memref<1x64xi32, #tpu.memory_space<vmem>>
    %dma_start3A_22 = tpu.memref_squeeze %dma_start3A_21 : memref<1x64xi32, #tpu.memory_space<vmem>> -> memref<64xi32, #tpu.memory_space<vmem>>
    %dma_start3A_23 = arith.constant 0 : i32
    %dma_start3A_24 = arith.constant 0 : i32
    %dma_start3A_25 = tpu.memref_slice %arg2[%dma_start3A_23, %dma_start3A_24] : memref<20480x128xf32, #tpu.memory_space<hbm>> -> memref<20480x128xf32, #tpu.memory_space<hbm>>
    tpu.enqueue_indirect_dma source(%dma_start3A_25 : memref<20480x128xf32, #tpu.memory_space<hbm>>) target(%dma_start3A_19 : memref<64x128xf32, #tpu.memory_space<vmem>>) offsets(%dma_start3A_22 : memref<64xi32, #tpu.memory_space<vmem>>) semaphore(%arg11 : memref<!tpu.dma_semaphore, #tpu.memory_space<semaphore_mem>>)
    %dma_start3A_26 = arith.constant 0 : i32
    %dma_start3A_27 = arith.constant 64 : i32
    %dma_start3A_28 = arith.constant 0 : i32
    %dma_start3A_29 = tpu.memref_slice %arg9[%dma_start3A_27, %dma_start3A_28] : memref<128x128xf32, #tpu.memory_space<vmem>> -> memref<64x128xf32, #tpu.memory_space<vmem>>
    %dma_start3A_30 = arith.constant 64 : i32
    %dma_start3A_31 = tpu.memref_slice %arg7[%dma_start3A_26, %dma_start3A_30] : memref<40x128xi32, #tpu.memory_space<vmem>> -> memref<1x64xi32, #tpu.memory_space<vmem>>
    %dma_start3A_32 = tpu.memref_squeeze %dma_start3A_31 : memref<1x64xi32, #tpu.memory_space<vmem>> -> memref<64xi32, #tpu.memory_space<vmem>>
    %dma_start3A_33 = arith.constant 0 : i32
    %dma_start3A_34 = arith.constant 0 : i32
    %dma_start3A_35 = tpu.memref_slice %arg2[%dma_start3A_33, %dma_start3A_34] : memref<20480x128xf32, #tpu.memory_space<hbm>> -> memref<20480x128xf32, #tpu.memory_space<hbm>>
    tpu.enqueue_indirect_dma source(%dma_start3A_35 : memref<20480x128xf32, #tpu.memory_space<hbm>>) target(%dma_start3A_29 : memref<64x128xf32, #tpu.memory_space<vmem>>) offsets(%dma_start3A_32 : memref<64xi32, #tpu.memory_space<vmem>>) semaphore(%arg13 : memref<!tpu.dma_semaphore, #tpu.memory_space<semaphore_mem>>)
    %dma_start3A_36 = arith.constant 1 : i32
    %dma_start3A_37 = arith.constant 0 : i32
    %dma_start3A_38 = arith.constant 0 : i32
    %dma_start3A_39 = tpu.memref_slice %arg10[%dma_start3A_37, %dma_start3A_38] : memref<128x128xf32, #tpu.memory_space<vmem>> -> memref<64x128xf32, #tpu.memory_space<vmem>>
    %dma_start3A_40 = arith.constant 0 : i32
    %dma_start3A_41 = tpu.memref_slice %arg7[%dma_start3A_36, %dma_start3A_40] : memref<40x128xi32, #tpu.memory_space<vmem>> -> memref<1x64xi32, #tpu.memory_space<vmem>>
    %dma_start3A_42 = tpu.memref_squeeze %dma_start3A_41 : memref<1x64xi32, #tpu.memory_space<vmem>> -> memref<64xi32, #tpu.memory_space<vmem>>
    %dma_start3A_43 = arith.constant 0 : i32
    %dma_start3A_44 = arith.constant 0 : i32
    %dma_start3A_45 = tpu.memref_slice %arg2[%dma_start3A_43, %dma_start3A_44] : memref<20480x128xf32, #tpu.memory_space<hbm>> -> memref<20480x128xf32, #tpu.memory_space<hbm>>
    tpu.enqueue_indirect_dma source(%dma_start3A_45 : memref<20480x128xf32, #tpu.memory_space<hbm>>) target(%dma_start3A_39 : memref<64x128xf32, #tpu.memory_space<vmem>>) offsets(%dma_start3A_42 : memref<64xi32, #tpu.memory_space<vmem>>) semaphore(%arg12 : memref<!tpu.dma_semaphore, #tpu.memory_space<semaphore_mem>>)
    %dma_start3A_46 = arith.constant 1 : i32
    %dma_start3A_47 = arith.constant 64 : i32
    %dma_start3A_48 = arith.constant 0 : i32
    %dma_start3A_49 = tpu.memref_slice %arg10[%dma_start3A_47, %dma_start3A_48] : memref<128x128xf32, #tpu.memory_space<vmem>> -> memref<64x128xf32, #tpu.memory_space<vmem>>
    %dma_start3A_50 = arith.constant 64 : i32
    %dma_start3A_51 = tpu.memref_slice %arg7[%dma_start3A_46, %dma_start3A_50] : memref<40x128xi32, #tpu.memory_space<vmem>> -> memref<1x64xi32, #tpu.memory_space<vmem>>
    %dma_start3A_52 = tpu.memref_squeeze %dma_start3A_51 : memref<1x64xi32, #tpu.memory_space<vmem>> -> memref<64xi32, #tpu.memory_space<vmem>>
    %dma_start3A_53 = arith.constant 0 : i32
    %dma_start3A_54 = arith.constant 0 : i32
    %dma_start3A_55 = tpu.memref_slice %arg2[%dma_start3A_53, %dma_start3A_54] : memref<20480x128xf32, #tpu.memory_space<hbm>> -> memref<20480x128xf32, #tpu.memory_space<hbm>>
    tpu.enqueue_indirect_dma source(%dma_start3A_55 : memref<20480x128xf32, #tpu.memory_space<hbm>>) target(%dma_start3A_49 : memref<64x128xf32, #tpu.memory_space<vmem>>) offsets(%dma_start3A_52 : memref<64xi32, #tpu.memory_space<vmem>>) semaphore(%arg14 : memref<!tpu.dma_semaphore, #tpu.memory_space<semaphore_mem>>)
    "tpu.trace_start"() <{level = 10 : i32, message = "agg_ring"}> : () -> ()
    %scan3A_56 = arith.constant 0 : i32
    %scan3A_57 = arith.constant 0 : i32
    %scan3A_58 = arith.constant 20 : i32
    %scan3A_59 = arith.addi %scan3A_57, %scan3A_58 : i32
    %scan3A_60 = arith.constant 1 : i32
    scf.for %scan3A_69 = %scan3A_57 to %scan3A_59 step %scan3A_60  : i32 {
      %mul3A_70 = arith.constant 2 : i32
      %mul3A_71 = arith.muli %scan3A_69, %mul3A_70 : i32
      %add3A_72 = arith.constant 0 : i32
      %add3A_73 = arith.addi %mul3A_71, %add3A_72 : i32
      %dma_wait3A = arith.constant 0 : i32
      %dma_wait3A_74 = arith.constant 0 : i32
      %dma_wait3A_75 = tpu.memref_slice %arg9[%dma_wait3A, %dma_wait3A_74] : memref<128x128xf32, #tpu.memory_space<vmem>> -> memref<64x128xf32, #tpu.memory_space<vmem>>
      %dma_wait3A_76 = arith.constant 0 : i32
      %dma_wait3A_77 = tpu.memref_slice %arg7[%add3A_73, %dma_wait3A_76] : memref<40x128xi32, #tpu.memory_space<vmem>> -> memref<1x64xi32, #tpu.memory_space<vmem>>
      %dma_wait3A_78 = tpu.memref_squeeze %dma_wait3A_77 : memref<1x64xi32, #tpu.memory_space<vmem>> -> memref<64xi32, #tpu.memory_space<vmem>>
      %dma_wait3A_79 = arith.constant 0 : i32
      %dma_wait3A_80 = arith.constant 0 : i32
      %dma_wait3A_81 = tpu.memref_slice %arg2[%dma_wait3A_79, %dma_wait3A_80] : memref<20480x128xf32, #tpu.memory_space<hbm>> -> memref<20480x128xf32, #tpu.memory_space<hbm>>
      tpu.wait_indirect_dma semaphore(%arg11 : memref<!tpu.dma_semaphore, #tpu.memory_space<semaphore_mem>>) src(%dma_wait3A_81 : memref<20480x128xf32, #tpu.memory_space<hbm>>) dst(%dma_wait3A_75 : memref<64x128xf32, #tpu.memory_space<vmem>>)
      %dma_wait3A_82 = arith.constant 64 : i32
      %dma_wait3A_83 = arith.constant 0 : i32
      %dma_wait3A_84 = tpu.memref_slice %arg9[%dma_wait3A_82, %dma_wait3A_83] : memref<128x128xf32, #tpu.memory_space<vmem>> -> memref<64x128xf32, #tpu.memory_space<vmem>>
      %dma_wait3A_85 = arith.constant 64 : i32
      %dma_wait3A_86 = tpu.memref_slice %arg7[%add3A_73, %dma_wait3A_85] : memref<40x128xi32, #tpu.memory_space<vmem>> -> memref<1x64xi32, #tpu.memory_space<vmem>>
      %dma_wait3A_87 = tpu.memref_squeeze %dma_wait3A_86 : memref<1x64xi32, #tpu.memory_space<vmem>> -> memref<64xi32, #tpu.memory_space<vmem>>
      %dma_wait3A_88 = arith.constant 0 : i32
      %dma_wait3A_89 = arith.constant 0 : i32
      %dma_wait3A_90 = tpu.memref_slice %arg2[%dma_wait3A_88, %dma_wait3A_89] : memref<20480x128xf32, #tpu.memory_space<hbm>> -> memref<20480x128xf32, #tpu.memory_space<hbm>>
      tpu.wait_indirect_dma semaphore(%arg13 : memref<!tpu.dma_semaphore, #tpu.memory_space<semaphore_mem>>) src(%dma_wait3A_90 : memref<20480x128xf32, #tpu.memory_space<hbm>>) dst(%dma_wait3A_84 : memref<64x128xf32, #tpu.memory_space<vmem>>)
      %dma_start3A_91 = arith.constant 0 : i32
      %dma_start3A_92 = tpu.memref_slice %arg8[%add3A_73, %dma_start3A_91] : memref<40x128xi32, #tpu.memory_space<vmem>> -> memref<1x128xi32, #tpu.memory_space<vmem>>
      %dma_start3A_93 = tpu.memref_squeeze %dma_start3A_92 : memref<1x128xi32, #tpu.memory_space<vmem>> -> memref<128xi32, #tpu.memory_space<vmem>>
      %dma_start3A_94 = arith.constant 0 : i32
      %dma_start3A_95 = arith.constant 0 : i32
      %dma_start3A_96 = tpu.memref_slice %arg6[%dma_start3A_94, %dma_start3A_95] : memref<10240x128xf32, #tpu.memory_space<vmem_shared>> -> memref<10240x128xf32, #tpu.memory_space<vmem_shared>>
      tpu.enqueue_indirect_dma source(%arg9 : memref<128x128xf32, #tpu.memory_space<vmem>>) target(%dma_start3A_96 : memref<10240x128xf32, #tpu.memory_space<vmem_shared>>) offsets(%dma_start3A_93 : memref<128xi32, #tpu.memory_space<vmem>>) semaphore(%arg15 : memref<!tpu.dma_semaphore, #tpu.memory_space<semaphore_mem>>) {add = true}
      %dma_wait3A_97 = arith.constant 0 : i32
      %dma_wait3A_98 = tpu.memref_slice %arg8[%add3A_73, %dma_wait3A_97] : memref<40x128xi32, #tpu.memory_space<vmem>> -> memref<1x128xi32, #tpu.memory_space<vmem>>
      %dma_wait3A_99 = tpu.memref_squeeze %dma_wait3A_98 : memref<1x128xi32, #tpu.memory_space<vmem>> -> memref<128xi32, #tpu.memory_space<vmem>>
      %dma_wait3A_100 = arith.constant 0 : i32
      %dma_wait3A_101 = arith.constant 0 : i32
      %dma_wait3A_102 = tpu.memref_slice %arg6[%dma_wait3A_100, %dma_wait3A_101] : memref<10240x128xf32, #tpu.memory_space<vmem_shared>> -> memref<10240x128xf32, #tpu.memory_space<vmem_shared>>
      tpu.wait_indirect_dma semaphore(%arg15 : memref<!tpu.dma_semaphore, #tpu.memory_space<semaphore_mem>>) src(%arg9 : memref<128x128xf32, #tpu.memory_space<vmem>>) dst(%dma_wait3A_102 : memref<10240x128xf32, #tpu.memory_space<vmem_shared>>)
      %add3A_103 = arith.constant 2 : i32
      %add3A_104 = arith.addi %add3A_73, %add3A_103 : i32
      %lt3A = arith.constant 40 : i32
      %lt3A_105 = arith.cmpi slt, %add3A_104, %lt3A : i32
      %convert_element_type3A = arith.extui %lt3A_105 : i1 to i32
      %cond3A = arith.constant 0 : i32
      %cond3A_106 = arith.cmpi ne, %convert_element_type3A, %cond3A : i32
      scf.if %cond3A_106 {
        %add3A_148 = arith.constant 2 : i32
        %add3A_149 = arith.addi %add3A_73, %add3A_148 : i32
        %dma_start3A_150 = arith.constant 0 : i32
        %dma_start3A_151 = arith.constant 0 : i32
        %dma_start3A_152 = tpu.memref_slice %arg9[%dma_start3A_150, %dma_start3A_151] : memref<128x128xf32, #tpu.memory_space<vmem>> -> memref<64x128xf32, #tpu.memory_space<vmem>>
        %dma_start3A_153 = arith.constant 0 : i32
        %dma_start3A_154 = tpu.memref_slice %arg7[%add3A_149, %dma_start3A_153] : memref<40x128xi32, #tpu.memory_space<vmem>> -> memref<1x64xi32, #tpu.memory_space<vmem>>
        %dma_start3A_155 = tpu.memref_squeeze %dma_start3A_154 : memref<1x64xi32, #tpu.memory_space<vmem>> -> memref<64xi32, #tpu.memory_space<vmem>>
        %dma_start3A_156 = arith.constant 0 : i32
        %dma_start3A_157 = arith.constant 0 : i32
        %dma_start3A_158 = tpu.memref_slice %arg2[%dma_start3A_156, %dma_start3A_157] : memref<20480x128xf32, #tpu.memory_space<hbm>> -> memref<20480x128xf32, #tpu.memory_space<hbm>>
        tpu.enqueue_indirect_dma source(%dma_start3A_158 : memref<20480x128xf32, #tpu.memory_space<hbm>>) target(%dma_start3A_152 : memref<64x128xf32, #tpu.memory_space<vmem>>) offsets(%dma_start3A_155 : memref<64xi32, #tpu.memory_space<vmem>>) semaphore(%arg11 : memref<!tpu.dma_semaphore, #tpu.memory_space<semaphore_mem>>)
        %dma_start3A_159 = arith.constant 64 : i32
        %dma_start3A_160 = arith.constant 0 : i32
        %dma_start3A_161 = tpu.memref_slice %arg9[%dma_start3A_159, %dma_start3A_160] : memref<128x128xf32, #tpu.memory_space<vmem>> -> memref<64x128xf32, #tpu.memory_space<vmem>>
        %dma_start3A_162 = arith.constant 64 : i32
        %dma_start3A_163 = tpu.memref_slice %arg7[%add3A_149, %dma_start3A_162] : memref<40x128xi32, #tpu.memory_space<vmem>> -> memref<1x64xi32, #tpu.memory_space<vmem>>
        %dma_start3A_164 = tpu.memref_squeeze %dma_start3A_163 : memref<1x64xi32, #tpu.memory_space<vmem>> -> memref<64xi32, #tpu.memory_space<vmem>>
        %dma_start3A_165 = arith.constant 0 : i32
        %dma_start3A_166 = arith.constant 0 : i32
        %dma_start3A_167 = tpu.memref_slice %arg2[%dma_start3A_165, %dma_start3A_166] : memref<20480x128xf32, #tpu.memory_space<hbm>> -> memref<20480x128xf32, #tpu.memory_space<hbm>>
        tpu.enqueue_indirect_dma source(%dma_start3A_167 : memref<20480x128xf32, #tpu.memory_space<hbm>>) target(%dma_start3A_161 : memref<64x128xf32, #tpu.memory_space<vmem>>) offsets(%dma_start3A_164 : memref<64xi32, #tpu.memory_space<vmem>>) semaphore(%arg13 : memref<!tpu.dma_semaphore, #tpu.memory_space<semaphore_mem>>)
      } else {
      }
      %mul3A_107 = arith.constant 2 : i32
      %mul3A_108 = arith.muli %scan3A_69, %mul3A_107 : i32
      %add3A_109 = arith.constant 1 : i32
      %add3A_110 = arith.addi %mul3A_108, %add3A_109 : i32
      %dma_wait3A_111 = arith.constant 0 : i32
      %dma_wait3A_112 = arith.constant 0 : i32
      %dma_wait3A_113 = tpu.memref_slice %arg10[%dma_wait3A_111, %dma_wait3A_112] : memref<128x128xf32, #tpu.memory_space<vmem>> -> memref<64x128xf32, #tpu.memory_space<vmem>>
      %dma_wait3A_114 = arith.constant 0 : i32
      %dma_wait3A_115 = tpu.memref_slice %arg7[%add3A_110, %dma_wait3A_114] : memref<40x128xi32, #tpu.memory_space<vmem>> -> memref<1x64xi32, #tpu.memory_space<vmem>>
      %dma_wait3A_116 = tpu.memref_squeeze %dma_wait3A_115 : memref<1x64xi32, #tpu.memory_space<vmem>> -> memref<64xi32, #tpu.memory_space<vmem>>
      %dma_wait3A_117 = arith.constant 0 : i32
      %dma_wait3A_118 = arith.constant 0 : i32
      %dma_wait3A_119 = tpu.memref_slice %arg2[%dma_wait3A_117, %dma_wait3A_118] : memref<20480x128xf32, #tpu.memory_space<hbm>> -> memref<20480x128xf32, #tpu.memory_space<hbm>>
      tpu.wait_indirect_dma semaphore(%arg12 : memref<!tpu.dma_semaphore, #tpu.memory_space<semaphore_mem>>) src(%dma_wait3A_119 : memref<20480x128xf32, #tpu.memory_space<hbm>>) dst(%dma_wait3A_113 : memref<64x128xf32, #tpu.memory_space<vmem>>)
      %dma_wait3A_120 = arith.constant 64 : i32
      %dma_wait3A_121 = arith.constant 0 : i32
      %dma_wait3A_122 = tpu.memref_slice %arg10[%dma_wait3A_120, %dma_wait3A_121] : memref<128x128xf32, #tpu.memory_space<vmem>> -> memref<64x128xf32, #tpu.memory_space<vmem>>
      %dma_wait3A_123 = arith.constant 64 : i32
      %dma_wait3A_124 = tpu.memref_slice %arg7[%add3A_110, %dma_wait3A_123] : memref<40x128xi32, #tpu.memory_space<vmem>> -> memref<1x64xi32, #tpu.memory_space<vmem>>
      %dma_wait3A_125 = tpu.memref_squeeze %dma_wait3A_124 : memref<1x64xi32, #tpu.memory_space<vmem>> -> memref<64xi32, #tpu.memory_space<vmem>>
      %dma_wait3A_126 = arith.constant 0 : i32
      %dma_wait3A_127 = arith.constant 0 : i32
      %dma_wait3A_128 = tpu.memref_slice %arg2[%dma_wait3A_126, %dma_wait3A_127] : memref<20480x128xf32, #tpu.memory_space<hbm>> -> memref<20480x128xf32, #tpu.memory_space<hbm>>
      tpu.wait_indirect_dma semaphore(%arg14 : memref<!tpu.dma_semaphore, #tpu.memory_space<semaphore_mem>>) src(%dma_wait3A_128 : memref<20480x128xf32, #tpu.memory_space<hbm>>) dst(%dma_wait3A_122 : memref<64x128xf32, #tpu.memory_space<vmem>>)
      %dma_start3A_129 = arith.constant 0 : i32
      %dma_start3A_130 = tpu.memref_slice %arg8[%add3A_110, %dma_start3A_129] : memref<40x128xi32, #tpu.memory_space<vmem>> -> memref<1x128xi32, #tpu.memory_space<vmem>>
      %dma_start3A_131 = tpu.memref_squeeze %dma_start3A_130 : memref<1x128xi32, #tpu.memory_space<vmem>> -> memref<128xi32, #tpu.memory_space<vmem>>
      %dma_start3A_132 = arith.constant 0 : i32
      %dma_start3A_133 = arith.constant 0 : i32
      %dma_start3A_134 = tpu.memref_slice %arg6[%dma_start3A_132, %dma_start3A_133] : memref<10240x128xf32, #tpu.memory_space<vmem_shared>> -> memref<10240x128xf32, #tpu.memory_space<vmem_shared>>
      tpu.enqueue_indirect_dma source(%arg10 : memref<128x128xf32, #tpu.memory_space<vmem>>) target(%dma_start3A_134 : memref<10240x128xf32, #tpu.memory_space<vmem_shared>>) offsets(%dma_start3A_131 : memref<128xi32, #tpu.memory_space<vmem>>) semaphore(%arg15 : memref<!tpu.dma_semaphore, #tpu.memory_space<semaphore_mem>>) {add = true}
      %dma_wait3A_135 = arith.constant 0 : i32
      %dma_wait3A_136 = tpu.memref_slice %arg8[%add3A_110, %dma_wait3A_135] : memref<40x128xi32, #tpu.memory_space<vmem>> -> memref<1x128xi32, #tpu.memory_space<vmem>>
      %dma_wait3A_137 = tpu.memref_squeeze %dma_wait3A_136 : memref<1x128xi32, #tpu.memory_space<vmem>> -> memref<128xi32, #tpu.memory_space<vmem>>
      %dma_wait3A_138 = arith.constant 0 : i32
      %dma_wait3A_139 = arith.constant 0 : i32
      %dma_wait3A_140 = tpu.memref_slice %arg6[%dma_wait3A_138, %dma_wait3A_139] : memref<10240x128xf32, #tpu.memory_space<vmem_shared>> -> memref<10240x128xf32, #tpu.memory_space<vmem_shared>>
      tpu.wait_indirect_dma semaphore(%arg15 : memref<!tpu.dma_semaphore, #tpu.memory_space<semaphore_mem>>) src(%arg10 : memref<128x128xf32, #tpu.memory_space<vmem>>) dst(%dma_wait3A_140 : memref<10240x128xf32, #tpu.memory_space<vmem_shared>>)
      %add3A_141 = arith.constant 2 : i32
      %add3A_142 = arith.addi %add3A_110, %add3A_141 : i32
      %lt3A_143 = arith.constant 40 : i32
      %lt3A_144 = arith.cmpi slt, %add3A_142, %lt3A_143 : i32
      %convert_element_type3A_145 = arith.extui %lt3A_144 : i1 to i32
      %cond3A_146 = arith.constant 0 : i32
      %cond3A_147 = arith.cmpi ne, %convert_element_type3A_145, %cond3A_146 : i32
      scf.if %cond3A_147 {
        %add3A_148 = arith.constant 2 : i32
        %add3A_149 = arith.addi %add3A_110, %add3A_148 : i32
        %dma_start3A_150 = arith.constant 0 : i32
        %dma_start3A_151 = arith.constant 0 : i32
        %dma_start3A_152 = tpu.memref_slice %arg10[%dma_start3A_150, %dma_start3A_151] : memref<128x128xf32, #tpu.memory_space<vmem>> -> memref<64x128xf32, #tpu.memory_space<vmem>>
        %dma_start3A_153 = arith.constant 0 : i32
        %dma_start3A_154 = tpu.memref_slice %arg7[%add3A_149, %dma_start3A_153] : memref<40x128xi32, #tpu.memory_space<vmem>> -> memref<1x64xi32, #tpu.memory_space<vmem>>
        %dma_start3A_155 = tpu.memref_squeeze %dma_start3A_154 : memref<1x64xi32, #tpu.memory_space<vmem>> -> memref<64xi32, #tpu.memory_space<vmem>>
        %dma_start3A_156 = arith.constant 0 : i32
        %dma_start3A_157 = arith.constant 0 : i32
        %dma_start3A_158 = tpu.memref_slice %arg2[%dma_start3A_156, %dma_start3A_157] : memref<20480x128xf32, #tpu.memory_space<hbm>> -> memref<20480x128xf32, #tpu.memory_space<hbm>>
        tpu.enqueue_indirect_dma source(%dma_start3A_158 : memref<20480x128xf32, #tpu.memory_space<hbm>>) target(%dma_start3A_152 : memref<64x128xf32, #tpu.memory_space<vmem>>) offsets(%dma_start3A_155 : memref<64xi32, #tpu.memory_space<vmem>>) semaphore(%arg12 : memref<!tpu.dma_semaphore, #tpu.memory_space<semaphore_mem>>)
        %dma_start3A_159 = arith.constant 64 : i32
        %dma_start3A_160 = arith.constant 0 : i32
        %dma_start3A_161 = tpu.memref_slice %arg10[%dma_start3A_159, %dma_start3A_160] : memref<128x128xf32, #tpu.memory_space<vmem>> -> memref<64x128xf32, #tpu.memory_space<vmem>>
        %dma_start3A_162 = arith.constant 64 : i32
        %dma_start3A_163 = tpu.memref_slice %arg7[%add3A_149, %dma_start3A_162] : memref<40x128xi32, #tpu.memory_space<vmem>> -> memref<1x64xi32, #tpu.memory_space<vmem>>
        %dma_start3A_164 = tpu.memref_squeeze %dma_start3A_163 : memref<1x64xi32, #tpu.memory_space<vmem>> -> memref<64xi32, #tpu.memory_space<vmem>>
        %dma_start3A_165 = arith.constant 0 : i32
        %dma_start3A_166 = arith.constant 0 : i32
        %dma_start3A_167 = tpu.memref_slice %arg2[%dma_start3A_165, %dma_start3A_166] : memref<20480x128xf32, #tpu.memory_space<hbm>> -> memref<20480x128xf32, #tpu.memory_space<hbm>>
        tpu.enqueue_indirect_dma source(%dma_start3A_167 : memref<20480x128xf32, #tpu.memory_space<hbm>>) target(%dma_start3A_161 : memref<64x128xf32, #tpu.memory_space<vmem>>) offsets(%dma_start3A_164 : memref<64xi32, #tpu.memory_space<vmem>>) semaphore(%arg14 : memref<!tpu.dma_semaphore, #tpu.memory_space<semaphore_mem>>)
      } else {
      }
    }
    %scan3A_61 = arith.constant 20 : i32
    "tpu.trace_stop"() : () -> ()
    "tpu.trace_start"() <{level = 10 : i32, message = "agg_copy_out"}> : () -> ()
    %barrier3A_62 = arith.constant 0 : index
    tpu.barrier barrier_id(%barrier3A_62)
    %mul3A_63 = arith.constant 10240 : i32
    %mul3A_64 = arith.muli %arg0, %mul3A_63 : i32
    %mul3A_65 = arith.constant 640 : i32
    %mul3A_66 = arith.muli %arg1, %mul3A_65 : i32
    %add3A_67 = arith.addi %mul3A_64, %mul3A_66 : i32
    %multiple_of3A_68 = tpu.assume_multiple %add3A_67, 8 : i32
    "tpu.region"() ({
      %run_scoped3A_69 = tpu.sem_alloc : memref<!tpu.dma_semaphore, #tpu.memory_space<semaphore_mem>>
      %dma_start3A_70 = arith.constant 0 : i32
      %dma_start3A_71 = tpu.memref_slice %arg5[%multiple_of3A_68, %dma_start3A_70] : memref<20480x128xf32, #tpu.memory_space<hbm>> -> memref<640x128xf32, #tpu.memory_space<hbm>>
      %dma_start3A_72 = arith.constant 0 : i32
      %dma_start3A_73 = tpu.memref_slice %arg6[%multiple_of3A, %dma_start3A_72] : memref<10240x128xf32, #tpu.memory_space<vmem_shared>> -> memref<640x128xf32, #tpu.memory_space<vmem_shared>>
      tpu.enqueue_dma source(%dma_start3A_73 : memref<640x128xf32, #tpu.memory_space<vmem_shared>>) target(%dma_start3A_71 : memref<640x128xf32, #tpu.memory_space<hbm>>) target_semaphore(%run_scoped3A_69 : memref<!tpu.dma_semaphore, #tpu.memory_space<semaphore_mem>>)
      %dma_wait3A = arith.constant 0 : i32
      %dma_wait3A_74 = tpu.memref_slice %arg5[%multiple_of3A_68, %dma_wait3A] : memref<20480x128xf32, #tpu.memory_space<hbm>> -> memref<640x128xf32, #tpu.memory_space<hbm>>
      %dma_wait3A_75 = arith.constant 0 : i32
      %dma_wait3A_76 = tpu.memref_slice %arg6[%multiple_of3A, %dma_wait3A_75] : memref<10240x128xf32, #tpu.memory_space<vmem_shared>> -> memref<640x128xf32, #tpu.memory_space<vmem_shared>>
      tpu.wait_dma2 semaphore(%run_scoped3A_69 : memref<!tpu.dma_semaphore, #tpu.memory_space<semaphore_mem>>) src(%dma_wait3A_76 : memref<640x128xf32, #tpu.memory_space<vmem_shared>>) dst(%dma_wait3A_74 : memref<640x128xf32, #tpu.memory_space<hbm>>)
      tpu.yield
    }) : () -> ()
    "tpu.trace_stop"() : () -> ()
    return
  }
}

#map = affine_map<(d0, d1) -> (0, 0, 0)>
#map1 = affine_map<(d0, d1) -> (0)>
module attributes {stable_mosaic.version = 14 : i64} {
  func.func @_sc_degrees(%arg0: i32, %arg1: i32, %arg2: memref<2x1280x128xi32, #tpu.memory_space<hbm>>, %arg3: memref<128xf32, #tpu.memory_space<hbm>>, %arg4: memref<10240xf32, #tpu.memory_space<hbm>>, %arg5: memref<40960xf32, #tpu.memory_space<hbm>>, %arg6: memref<10240xf32, #tpu.memory_space<vmem_shared>>, %arg7: memref<10240xf32, #tpu.memory_space<vmem_shared>>, %arg8: memref<128xf32, #tpu.memory_space<vmem>>, %arg9: memref<80x128xi32, #tpu.memory_space<vmem>>, %arg10: memref<!tpu.dma_semaphore, #tpu.memory_space<semaphore_mem>>, %arg11: memref<!tpu.dma_semaphore, #tpu.memory_space<semaphore_mem>>) attributes {dimension_semantics = [#tpu.dimension_semantics<core_parallel>, #tpu.dimension_semantics<subcore_parallel>], iteration_bounds = array<i64: 2, 16>, scalar_prefetch = 0 : i64, scratch_operands = 6 : i64, tpu.core_type = #tpu.core_type<sc_vector_subcore>, window_params = [{transform_indices = #map}, {transform_indices = #map1}, {transform_indices = #map1}, {transform_indices = #map1}]} {
    %mul3A = arith.constant 640 : i32
    %mul3A_0 = arith.muli %arg1, %mul3A : i32
    %multiple_of3A = tpu.assume_multiple %mul3A_0, 8 : i32
    "tpu.region"() ({
      %run_scoped3A = tpu.sem_alloc : memref<!tpu.dma_semaphore, #tpu.memory_space<semaphore_mem>>
      %dma_start3A = tpu.memref_slice %arg6[%multiple_of3A] : memref<10240xf32, #tpu.memory_space<vmem_shared>> -> memref<640xf32, #tpu.memory_space<vmem_shared>>
      %dma_start3A_31 = tpu.memref_slice %arg4[%multiple_of3A] : memref<10240xf32, #tpu.memory_space<hbm>> -> memref<640xf32, #tpu.memory_space<hbm>>
      tpu.enqueue_dma source(%dma_start3A_31 : memref<640xf32, #tpu.memory_space<hbm>>) target(%dma_start3A : memref<640xf32, #tpu.memory_space<vmem_shared>>) target_semaphore(%run_scoped3A : memref<!tpu.dma_semaphore, #tpu.memory_space<semaphore_mem>>)
      %dma_wait3A = tpu.memref_slice %arg6[%multiple_of3A] : memref<10240xf32, #tpu.memory_space<vmem_shared>> -> memref<640xf32, #tpu.memory_space<vmem_shared>>
      %dma_wait3A_32 = tpu.memref_slice %arg4[%multiple_of3A] : memref<10240xf32, #tpu.memory_space<hbm>> -> memref<640xf32, #tpu.memory_space<hbm>>
      tpu.wait_dma2 semaphore(%run_scoped3A : memref<!tpu.dma_semaphore, #tpu.memory_space<semaphore_mem>>) src(%dma_wait3A_32 : memref<640xf32, #tpu.memory_space<hbm>>) dst(%dma_wait3A : memref<640xf32, #tpu.memory_space<vmem_shared>>)
      tpu.yield
    }) : () -> ()
    "tpu.region"() ({
      %run_scoped3A = tpu.sem_alloc : memref<!tpu.dma_semaphore, #tpu.memory_space<semaphore_mem>>
      %dma_start3A = tpu.memref_slice %arg7[%multiple_of3A] : memref<10240xf32, #tpu.memory_space<vmem_shared>> -> memref<640xf32, #tpu.memory_space<vmem_shared>>
      %dma_start3A_31 = tpu.memref_slice %arg4[%multiple_of3A] : memref<10240xf32, #tpu.memory_space<hbm>> -> memref<640xf32, #tpu.memory_space<hbm>>
      tpu.enqueue_dma source(%dma_start3A_31 : memref<640xf32, #tpu.memory_space<hbm>>) target(%dma_start3A : memref<640xf32, #tpu.memory_space<vmem_shared>>) target_semaphore(%run_scoped3A : memref<!tpu.dma_semaphore, #tpu.memory_space<semaphore_mem>>)
      %dma_wait3A = tpu.memref_slice %arg7[%multiple_of3A] : memref<10240xf32, #tpu.memory_space<vmem_shared>> -> memref<640xf32, #tpu.memory_space<vmem_shared>>
      %dma_wait3A_32 = tpu.memref_slice %arg4[%multiple_of3A] : memref<10240xf32, #tpu.memory_space<hbm>> -> memref<640xf32, #tpu.memory_space<hbm>>
      tpu.wait_dma2 semaphore(%run_scoped3A : memref<!tpu.dma_semaphore, #tpu.memory_space<semaphore_mem>>) src(%dma_wait3A_32 : memref<640xf32, #tpu.memory_space<hbm>>) dst(%dma_wait3A : memref<640xf32, #tpu.memory_space<vmem_shared>>)
      tpu.yield
    }) : () -> ()
    "tpu.region"() ({
      %run_scoped3A = tpu.sem_alloc : memref<!tpu.dma_semaphore, #tpu.memory_space<semaphore_mem>>
      tpu.enqueue_dma source(%arg3 : memref<128xf32, #tpu.memory_space<hbm>>) target(%arg8 : memref<128xf32, #tpu.memory_space<vmem>>) target_semaphore(%run_scoped3A : memref<!tpu.dma_semaphore, #tpu.memory_space<semaphore_mem>>)
      tpu.wait_dma2 semaphore(%run_scoped3A : memref<!tpu.dma_semaphore, #tpu.memory_space<semaphore_mem>>) src(%arg3 : memref<128xf32, #tpu.memory_space<hbm>>) dst(%arg8 : memref<128xf32, #tpu.memory_space<vmem>>)
      tpu.yield
    }) : () -> ()
    %eq3A = arith.constant 0 : i32
    %eq3A_1 = arith.cmpi eq, %arg0, %eq3A : i32
    %convert_element_type3A = arith.extui %eq3A_1 : i1 to i32
    %cond3A = arith.constant 0 : i32
    %cond3A_2 = arith.cmpi ne, %convert_element_type3A, %cond3A : i32
    scf.if %cond3A_2 {
      %mul3A_31 = arith.constant 80 : i32
      %mul3A_32 = arith.muli %arg1, %mul3A_31 : i32
      %run_scoped3A = arith.constant 0 : i32
      "tpu.region"() ({
        %run_scoped3A_33 = tpu.sem_alloc : memref<!tpu.dma_semaphore, #tpu.memory_space<semaphore_mem>>
        %dma_start3A = arith.constant 0 : i32
        %dma_start3A_34 = tpu.memref_slice %arg2[%run_scoped3A, %mul3A_32, %dma_start3A] : memref<2x1280x128xi32, #tpu.memory_space<hbm>> -> memref<1x80x128xi32, #tpu.memory_space<hbm>>
        %dma_start3A_35 = tpu.memref_squeeze %dma_start3A_34 : memref<1x80x128xi32, #tpu.memory_space<hbm>> -> memref<80x128xi32, #tpu.memory_space<hbm>>
        %dma_start3A_36 = arith.constant 0 : i32
        %dma_start3A_37 = tpu.memref_slice %arg2[%run_scoped3A, %mul3A_32, %dma_start3A_36] : memref<2x1280x128xi32, #tpu.memory_space<hbm>> -> memref<1x80x128xi32, #tpu.memory_space<hbm>>
        %dma_start3A_38 = tpu.memref_squeeze %dma_start3A_37 : memref<1x80x128xi32, #tpu.memory_space<hbm>> -> memref<80x128xi32, #tpu.memory_space<hbm>>
        tpu.enqueue_dma source(%dma_start3A_38 : memref<80x128xi32, #tpu.memory_space<hbm>>) target(%arg9 : memref<80x128xi32, #tpu.memory_space<vmem>>) target_semaphore(%run_scoped3A_33 : memref<!tpu.dma_semaphore, #tpu.memory_space<semaphore_mem>>)
        %dma_wait3A = arith.constant 0 : i32
        %dma_wait3A_39 = tpu.memref_slice %arg2[%run_scoped3A, %mul3A_32, %dma_wait3A] : memref<2x1280x128xi32, #tpu.memory_space<hbm>> -> memref<1x80x128xi32, #tpu.memory_space<hbm>>
        %dma_wait3A_40 = tpu.memref_squeeze %dma_wait3A_39 : memref<1x80x128xi32, #tpu.memory_space<hbm>> -> memref<80x128xi32, #tpu.memory_space<hbm>>
        %dma_wait3A_41 = arith.constant 0 : i32
        %dma_wait3A_42 = tpu.memref_slice %arg2[%run_scoped3A, %mul3A_32, %dma_wait3A_41] : memref<2x1280x128xi32, #tpu.memory_space<hbm>> -> memref<1x80x128xi32, #tpu.memory_space<hbm>>
        %dma_wait3A_43 = tpu.memref_squeeze %dma_wait3A_42 : memref<1x80x128xi32, #tpu.memory_space<hbm>> -> memref<80x128xi32, #tpu.memory_space<hbm>>
        tpu.wait_dma2 semaphore(%run_scoped3A_33 : memref<!tpu.dma_semaphore, #tpu.memory_space<semaphore_mem>>) src(%dma_wait3A_43 : memref<80x128xi32, #tpu.memory_space<hbm>>) dst(%arg9 : memref<80x128xi32, #tpu.memory_space<vmem>>)
        tpu.yield
      }) : () -> ()
    } else {
    }
    %eq3A_3 = arith.constant 1 : i32
    %eq3A_4 = arith.cmpi eq, %arg0, %eq3A_3 : i32
    %convert_element_type3A_5 = arith.extui %eq3A_4 : i1 to i32
    %cond3A_6 = arith.constant 0 : i32
    %cond3A_7 = arith.cmpi ne, %convert_element_type3A_5, %cond3A_6 : i32
    scf.if %cond3A_7 {
      %mul3A_31 = arith.constant 80 : i32
      %mul3A_32 = arith.muli %arg1, %mul3A_31 : i32
      %run_scoped3A = arith.constant 1 : i32
      "tpu.region"() ({
        %run_scoped3A_33 = tpu.sem_alloc : memref<!tpu.dma_semaphore, #tpu.memory_space<semaphore_mem>>
        %dma_start3A = arith.constant 0 : i32
        %dma_start3A_34 = tpu.memref_slice %arg2[%run_scoped3A, %mul3A_32, %dma_start3A] : memref<2x1280x128xi32, #tpu.memory_space<hbm>> -> memref<1x80x128xi32, #tpu.memory_space<hbm>>
        %dma_start3A_35 = tpu.memref_squeeze %dma_start3A_34 : memref<1x80x128xi32, #tpu.memory_space<hbm>> -> memref<80x128xi32, #tpu.memory_space<hbm>>
        %dma_start3A_36 = arith.constant 0 : i32
        %dma_start3A_37 = tpu.memref_slice %arg2[%run_scoped3A, %mul3A_32, %dma_start3A_36] : memref<2x1280x128xi32, #tpu.memory_space<hbm>> -> memref<1x80x128xi32, #tpu.memory_space<hbm>>
        %dma_start3A_38 = tpu.memref_squeeze %dma_start3A_37 : memref<1x80x128xi32, #tpu.memory_space<hbm>> -> memref<80x128xi32, #tpu.memory_space<hbm>>
        tpu.enqueue_dma source(%dma_start3A_38 : memref<80x128xi32, #tpu.memory_space<hbm>>) target(%arg9 : memref<80x128xi32, #tpu.memory_space<vmem>>) target_semaphore(%run_scoped3A_33 : memref<!tpu.dma_semaphore, #tpu.memory_space<semaphore_mem>>)
        %dma_wait3A = arith.constant 0 : i32
        %dma_wait3A_39 = tpu.memref_slice %arg2[%run_scoped3A, %mul3A_32, %dma_wait3A] : memref<2x1280x128xi32, #tpu.memory_space<hbm>> -> memref<1x80x128xi32, #tpu.memory_space<hbm>>
        %dma_wait3A_40 = tpu.memref_squeeze %dma_wait3A_39 : memref<1x80x128xi32, #tpu.memory_space<hbm>> -> memref<80x128xi32, #tpu.memory_space<hbm>>
        %dma_wait3A_41 = arith.constant 0 : i32
        %dma_wait3A_42 = tpu.memref_slice %arg2[%run_scoped3A, %mul3A_32, %dma_wait3A_41] : memref<2x1280x128xi32, #tpu.memory_space<hbm>> -> memref<1x80x128xi32, #tpu.memory_space<hbm>>
        %dma_wait3A_43 = tpu.memref_squeeze %dma_wait3A_42 : memref<1x80x128xi32, #tpu.memory_space<hbm>> -> memref<80x128xi32, #tpu.memory_space<hbm>>
        tpu.wait_dma2 semaphore(%run_scoped3A_33 : memref<!tpu.dma_semaphore, #tpu.memory_space<semaphore_mem>>) src(%dma_wait3A_43 : memref<80x128xi32, #tpu.memory_space<hbm>>) dst(%arg9 : memref<80x128xi32, #tpu.memory_space<vmem>>)
        tpu.yield
      }) : () -> ()
    } else {
    }
    %barrier3A = arith.constant 0 : index
    tpu.barrier barrier_id(%barrier3A)
    %scan3A = arith.constant 0 : i32
    %scan3A_8 = arith.constant 0 : i32
    %scan3A_9 = arith.constant 40 : i32
    %scan3A_10 = arith.addi %scan3A_8, %scan3A_9 : i32
    %scan3A_11 = arith.constant 1 : i32
    scf.for %scan3A_31 = %scan3A_8 to %scan3A_10 step %scan3A_11  : i32 {
      %mul3A_32 = arith.constant 2 : i32
      %mul3A_33 = arith.muli %scan3A_31, %mul3A_32 : i32
      %add3A_34 = arith.constant 0 : i32
      %add3A_35 = arith.addi %mul3A_33, %add3A_34 : i32
      "tpu.region"() ({
        %run_scoped3A = tpu.sem_alloc : memref<!tpu.dma_semaphore, #tpu.memory_space<semaphore_mem>>
        %dma_start3A = arith.constant 0 : i32
        %dma_start3A_40 = tpu.memref_slice %arg9[%add3A_35, %dma_start3A] : memref<80x128xi32, #tpu.memory_space<vmem>> -> memref<1x128xi32, #tpu.memory_space<vmem>>
        %dma_start3A_41 = tpu.memref_squeeze %dma_start3A_40 : memref<1x128xi32, #tpu.memory_space<vmem>> -> memref<128xi32, #tpu.memory_space<vmem>>
        %dma_start3A_42 = arith.constant 0 : i32
        %dma_start3A_43 = tpu.memref_slice %arg6[%dma_start3A_42] : memref<10240xf32, #tpu.memory_space<vmem_shared>> -> memref<10240xf32, #tpu.memory_space<vmem_shared>>
        tpu.enqueue_indirect_dma source(%arg8 : memref<128xf32, #tpu.memory_space<vmem>>) target(%dma_start3A_43 : memref<10240xf32, #tpu.memory_space<vmem_shared>>) offsets(%dma_start3A_41 : memref<128xi32, #tpu.memory_space<vmem>>) semaphore(%run_scoped3A : memref<!tpu.dma_semaphore, #tpu.memory_space<semaphore_mem>>) {add = true}
        %dma_wait3A = arith.constant 0 : i32
        %dma_wait3A_44 = tpu.memref_slice %arg9[%add3A_35, %dma_wait3A] : memref<80x128xi32, #tpu.memory_space<vmem>> -> memref<1x128xi32, #tpu.memory_space<vmem>>
        %dma_wait3A_45 = tpu.memref_squeeze %dma_wait3A_44 : memref<1x128xi32, #tpu.memory_space<vmem>> -> memref<128xi32, #tpu.memory_space<vmem>>
        %dma_wait3A_46 = arith.constant 0 : i32
        %dma_wait3A_47 = tpu.memref_slice %arg6[%dma_wait3A_46] : memref<10240xf32, #tpu.memory_space<vmem_shared>> -> memref<10240xf32, #tpu.memory_space<vmem_shared>>
        tpu.wait_indirect_dma semaphore(%run_scoped3A : memref<!tpu.dma_semaphore, #tpu.memory_space<semaphore_mem>>) src(%arg8 : memref<128xf32, #tpu.memory_space<vmem>>) dst(%dma_wait3A_47 : memref<10240xf32, #tpu.memory_space<vmem_shared>>)
        tpu.yield
      }) : () -> ()
      %mul3A_36 = arith.constant 2 : i32
      %mul3A_37 = arith.muli %scan3A_31, %mul3A_36 : i32
      %add3A_38 = arith.constant 1 : i32
      %add3A_39 = arith.addi %mul3A_37, %add3A_38 : i32
      "tpu.region"() ({
        %run_scoped3A = tpu.sem_alloc : memref<!tpu.dma_semaphore, #tpu.memory_space<semaphore_mem>>
        %dma_start3A = arith.constant 0 : i32
        %dma_start3A_40 = tpu.memref_slice %arg9[%add3A_39, %dma_start3A] : memref<80x128xi32, #tpu.memory_space<vmem>> -> memref<1x128xi32, #tpu.memory_space<vmem>>
        %dma_start3A_41 = tpu.memref_squeeze %dma_start3A_40 : memref<1x128xi32, #tpu.memory_space<vmem>> -> memref<128xi32, #tpu.memory_space<vmem>>
        %dma_start3A_42 = arith.constant 0 : i32
        %dma_start3A_43 = tpu.memref_slice %arg7[%dma_start3A_42] : memref<10240xf32, #tpu.memory_space<vmem_shared>> -> memref<10240xf32, #tpu.memory_space<vmem_shared>>
        tpu.enqueue_indirect_dma source(%arg8 : memref<128xf32, #tpu.memory_space<vmem>>) target(%dma_start3A_43 : memref<10240xf32, #tpu.memory_space<vmem_shared>>) offsets(%dma_start3A_41 : memref<128xi32, #tpu.memory_space<vmem>>) semaphore(%run_scoped3A : memref<!tpu.dma_semaphore, #tpu.memory_space<semaphore_mem>>) {add = true}
        %dma_wait3A = arith.constant 0 : i32
        %dma_wait3A_44 = tpu.memref_slice %arg9[%add3A_39, %dma_wait3A] : memref<80x128xi32, #tpu.memory_space<vmem>> -> memref<1x128xi32, #tpu.memory_space<vmem>>
        %dma_wait3A_45 = tpu.memref_squeeze %dma_wait3A_44 : memref<1x128xi32, #tpu.memory_space<vmem>> -> memref<128xi32, #tpu.memory_space<vmem>>
        %dma_wait3A_46 = arith.constant 0 : i32
        %dma_wait3A_47 = tpu.memref_slice %arg7[%dma_wait3A_46] : memref<10240xf32, #tpu.memory_space<vmem_shared>> -> memref<10240xf32, #tpu.memory_space<vmem_shared>>
        tpu.wait_indirect_dma semaphore(%run_scoped3A : memref<!tpu.dma_semaphore, #tpu.memory_space<semaphore_mem>>) src(%arg8 : memref<128xf32, #tpu.memory_space<vmem>>) dst(%dma_wait3A_47 : memref<10240xf32, #tpu.memory_space<vmem_shared>>)
        tpu.yield
      }) : () -> ()
    }
    %scan3A_12 = arith.constant 40 : i32
    %barrier3A_13 = arith.constant 0 : index
    tpu.barrier barrier_id(%barrier3A_13)
    %mul3A_14 = arith.constant 2 : i32
    %mul3A_15 = arith.muli %mul3A_14, %arg0 : i32
    %mul3A_16 = arith.constant 10240 : i32
    %mul3A_17 = arith.muli %mul3A_15, %mul3A_16 : i32
    %mul3A_18 = arith.constant 640 : i32
    %mul3A_19 = arith.muli %arg1, %mul3A_18 : i32
    %add3A = arith.addi %mul3A_17, %mul3A_19 : i32
    %multiple_of3A_20 = tpu.assume_multiple %add3A, 8 : i32
    %mul3A_21 = arith.constant 2 : i32
    %mul3A_22 = arith.muli %mul3A_21, %arg0 : i32
    %add3A_23 = arith.constant 1 : i32
    %add3A_24 = arith.addi %mul3A_22, %add3A_23 : i32
    %mul3A_25 = arith.constant 10240 : i32
    %mul3A_26 = arith.muli %add3A_24, %mul3A_25 : i32
    %mul3A_27 = arith.constant 640 : i32
    %mul3A_28 = arith.muli %arg1, %mul3A_27 : i32
    %add3A_29 = arith.addi %mul3A_26, %mul3A_28 : i32
    %multiple_of3A_30 = tpu.assume_multiple %add3A_29, 8 : i32
    "tpu.region"() ({
      %run_scoped3A = tpu.sem_alloc : memref<!tpu.dma_semaphore, #tpu.memory_space<semaphore_mem>>
      %dma_start3A = tpu.memref_slice %arg5[%multiple_of3A_20] : memref<40960xf32, #tpu.memory_space<hbm>> -> memref<640xf32, #tpu.memory_space<hbm>>
      %dma_start3A_31 = tpu.memref_slice %arg6[%multiple_of3A] : memref<10240xf32, #tpu.memory_space<vmem_shared>> -> memref<640xf32, #tpu.memory_space<vmem_shared>>
      tpu.enqueue_dma source(%dma_start3A_31 : memref<640xf32, #tpu.memory_space<vmem_shared>>) target(%dma_start3A : memref<640xf32, #tpu.memory_space<hbm>>) target_semaphore(%run_scoped3A : memref<!tpu.dma_semaphore, #tpu.memory_space<semaphore_mem>>)
      %dma_wait3A = tpu.memref_slice %arg5[%multiple_of3A_20] : memref<40960xf32, #tpu.memory_space<hbm>> -> memref<640xf32, #tpu.memory_space<hbm>>
      %dma_wait3A_32 = tpu.memref_slice %arg6[%multiple_of3A] : memref<10240xf32, #tpu.memory_space<vmem_shared>> -> memref<640xf32, #tpu.memory_space<vmem_shared>>
      tpu.wait_dma2 semaphore(%run_scoped3A : memref<!tpu.dma_semaphore, #tpu.memory_space<semaphore_mem>>) src(%dma_wait3A_32 : memref<640xf32, #tpu.memory_space<vmem_shared>>) dst(%dma_wait3A : memref<640xf32, #tpu.memory_space<hbm>>)
      tpu.yield
    }) : () -> ()
    "tpu.region"() ({
      %run_scoped3A = tpu.sem_alloc : memref<!tpu.dma_semaphore, #tpu.memory_space<semaphore_mem>>
      %dma_start3A = tpu.memref_slice %arg5[%multiple_of3A_30] : memref<40960xf32, #tpu.memory_space<hbm>> -> memref<640xf32, #tpu.memory_space<hbm>>
      %dma_start3A_31 = tpu.memref_slice %arg7[%multiple_of3A] : memref<10240xf32, #tpu.memory_space<vmem_shared>> -> memref<640xf32, #tpu.memory_space<vmem_shared>>
      tpu.enqueue_dma source(%dma_start3A_31 : memref<640xf32, #tpu.memory_space<vmem_shared>>) target(%dma_start3A : memref<640xf32, #tpu.memory_space<hbm>>) target_semaphore(%run_scoped3A : memref<!tpu.dma_semaphore, #tpu.memory_space<semaphore_mem>>)
      %dma_wait3A = tpu.memref_slice %arg5[%multiple_of3A_30] : memref<40960xf32, #tpu.memory_space<hbm>> -> memref<640xf32, #tpu.memory_space<hbm>>
      %dma_wait3A_32 = tpu.memref_slice %arg7[%multiple_of3A] : memref<10240xf32, #tpu.memory_space<vmem_shared>> -> memref<640xf32, #tpu.memory_space<vmem_shared>>
      tpu.wait_dma2 semaphore(%run_scoped3A : memref<!tpu.dma_semaphore, #tpu.memory_space<semaphore_mem>>) src(%dma_wait3A_32 : memref<640xf32, #tpu.memory_space<vmem_shared>>) dst(%dma_wait3A : memref<640xf32, #tpu.memory_space<hbm>>)
      tpu.yield
    }) : () -> ()
    return
  }
}

module attributes {stable_mosaic.version = 14 : i64} {
  func.func @_tc1_body(%arg0: i32, %arg1: memref<256x256xf32, #tpu.memory_space<vmem>>, %arg2: memref<256x256xf32, #tpu.memory_space<vmem>>, %arg3: memref<256x1xf32, #tpu.memory_space<vmem>>, %arg4: memref<256x1xf32, #tpu.memory_space<vmem>>, %arg5: memref<256x1xf32, #tpu.memory_space<vmem>>, %arg6: memref<256x1xf32, #tpu.memory_space<vmem>>, %arg7: memref<2x256x128xf32, #tpu.memory_space<vmem>>, %arg8: memref<256x1xf32, #tpu.memory_space<vmem>>, %arg9: memref<256x1xf32, #tpu.memory_space<vmem>>) attributes {dimension_semantics = [#tpu.dimension_semantics<arbitrary>], iteration_bounds = array<i64: 40>, scalar_prefetch = 0 : i64, scratch_operands = 0 : i64, tpu.core_type = #tpu.core_type<tc>, window_params = [{transform_indices = @transform_0, window_bounds = array<i64: 256, 256>}, {pipeline_mode = #tpu.pipeline_mode<synchronous>, transform_indices = @transform_1, window_bounds = array<i64: 256, 256>}, {transform_indices = @transform_2, window_bounds = array<i64: 256, 1>}, {transform_indices = @transform_3, window_bounds = array<i64: 256, 1>}, {transform_indices = @transform_4, window_bounds = array<i64: 256, 1>}, {transform_indices = @transform_5, window_bounds = array<i64: 256, 1>}, {transform_indices = @transform_6, window_bounds = array<i64: 2, 256, 128>}, {transform_indices = @transform_7, window_bounds = array<i64: 256, 1>}, {transform_indices = @transform_8, window_bounds = array<i64: 256, 1>}]} {
    %get3A = arith.constant 0 : index
    %get3A_0 = arith.constant 0 : index
    %get3A_1 = vector.load %arg3[%get3A, %get3A_0] : memref<256x1xf32, #tpu.memory_space<vmem>>, vector<256x1xf32>
    %get3A_2 = arith.constant 0 : index
    %get3A_3 = arith.constant 0 : index
    %get3A_4 = vector.load %arg4[%get3A_2, %get3A_3] : memref<256x1xf32, #tpu.memory_space<vmem>>, vector<256x1xf32>
    %add3A = arith.addf %get3A_1, %get3A_4 : vector<256x1xf32>
    %max3A = arith.constant 1.000000e+00 : f32
    %max3A_5 = vector.broadcast %max3A : f32 to vector<256x1xf32>
    %max3A_6 = arith.maximumf %add3A, %max3A_5 : vector<256x1xf32>
    %rsqrt3A = math.rsqrt %max3A_6 : vector<256x1xf32>
    %get3A_7 = arith.constant 0 : index
    %get3A_8 = arith.constant 0 : index
    %get3A_9 = vector.load %arg5[%get3A_7, %get3A_8] : memref<256x1xf32, #tpu.memory_space<vmem>>, vector<256x1xf32>
    %get3A_10 = arith.constant 0 : index
    %get3A_11 = arith.constant 0 : index
    %get3A_12 = vector.load %arg6[%get3A_10, %get3A_11] : memref<256x1xf32, #tpu.memory_space<vmem>>, vector<256x1xf32>
    %add3A_13 = arith.addf %get3A_9, %get3A_12 : vector<256x1xf32>
    %max3A_14 = arith.constant 1.000000e+00 : f32
    %max3A_15 = vector.broadcast %max3A_14 : f32 to vector<256x1xf32>
    %max3A_16 = arith.maximumf %add3A_13, %max3A_15 : vector<256x1xf32>
    %rsqrt3A_17 = math.rsqrt %max3A_16 : vector<256x1xf32>
    %swap3A = arith.constant 0 : index
    %swap3A_18 = arith.constant 0 : index
    %swap3A_19 = vector.load %arg8[%swap3A, %swap3A_18] : memref<256x1xf32, #tpu.memory_space<vmem>>, vector<256x1xf32>
    tpu.vector_store %arg8[%swap3A, %swap3A_18], %rsqrt3A {strides = array<i32>} : memref<256x1xf32, #tpu.memory_space<vmem>>, vector<256x1xf32>,
    %swap3A_20 = arith.constant 0 : index
    %swap3A_21 = arith.constant 0 : index
    %swap3A_22 = vector.load %arg9[%swap3A_20, %swap3A_21] : memref<256x1xf32, #tpu.memory_space<vmem>>, vector<256x1xf32>
    tpu.vector_store %arg9[%swap3A_20, %swap3A_21], %rsqrt3A_17 {strides = array<i32>} : memref<256x1xf32, #tpu.memory_space<vmem>>, vector<256x1xf32>,
    %get3A_23 = arith.constant 0 : index
    %get3A_24 = arith.constant 0 : index
    %get3A_25 = vector.load %arg1[%get3A_23, %get3A_24] : memref<256x256xf32, #tpu.memory_space<vmem>>, vector<256x256xf32>
    %get3A_26 = arith.constant 0 : index
    %get3A_27 = arith.constant 0 : index
    %get3A_28 = vector.load %arg2[%get3A_26, %get3A_27] : memref<256x256xf32, #tpu.memory_space<vmem>>, vector<256x256xf32>
    %dot_general3A = arith.constant dense<0.000000e+00> : vector<256x256xf32>
    %dot_general3A_29 = tpu.matmul %get3A_25, %get3A_28, %dot_general3A {dimension_numbers = #tpu.dot_dimension_numbers<[1], [0], [0], [1], [0, 0, 1, 1], [], []>, transpose_lhs_hint = false} : vector<256x256xf32>, vector<256x256xf32>, vector<256x256xf32> -> vector<256x256xf32>
    %mul3A = vector.broadcast %rsqrt3A : vector<256x1xf32> to vector<256x256xf32>
    %mul3A_30 = arith.mulf %dot_general3A_29, %mul3A : vector<256x256xf32>
    %slice3A = vector.extract_strided_slice %mul3A_30 {offsets = [0, 0], sizes = [256, 128], strides = [1, 1]} : vector<256x256xf32> to vector<256x128xf32>
    %swap3A_31 = arith.constant 0 : index
    %swap3A_32 = arith.constant 0 : index
    %swap3A_33 = arith.constant 0 : index
    %swap3A_34 = vector.load %arg7[%swap3A_31, %swap3A_32, %swap3A_33] : memref<2x256x128xf32, #tpu.memory_space<vmem>>, vector<1x256x128xf32>
    %swap3A_35 = vector.shape_cast %swap3A_34 : vector<1x256x128xf32> to vector<256x128xf32>
    %swap3A_36 = vector.shape_cast %slice3A : vector<256x128xf32> to vector<1x256x128xf32>
    tpu.vector_store %arg7[%swap3A_31, %swap3A_32, %swap3A_33], %swap3A_36 {strides = array<i32>} : memref<2x256x128xf32, #tpu.memory_space<vmem>>, vector<1x256x128xf32>,
    %slice3A_37 = vector.extract_strided_slice %mul3A_30 {offsets = [0, 128], sizes = [256, 128], strides = [1, 1]} : vector<256x256xf32> to vector<256x128xf32>
    %swap3A_38 = arith.constant 1 : index
    %swap3A_39 = arith.constant 0 : index
    %swap3A_40 = arith.constant 0 : index
    %swap3A_41 = vector.load %arg7[%swap3A_38, %swap3A_39, %swap3A_40] : memref<2x256x128xf32, #tpu.memory_space<vmem>>, vector<1x256x128xf32>
    %swap3A_42 = vector.shape_cast %swap3A_41 : vector<1x256x128xf32> to vector<256x128xf32>
    %swap3A_43 = vector.shape_cast %slice3A_37 : vector<256x128xf32> to vector<1x256x128xf32>
    tpu.vector_store %arg7[%swap3A_38, %swap3A_39, %swap3A_40], %swap3A_43 {strides = array<i32>} : memref<2x256x128xf32, #tpu.memory_space<vmem>>, vector<1x256x128xf32>,
    return
  }
  func.func @transform_0(%arg0: i32) -> (i32, i32) {
    %c0_i32 = arith.constant 0 : i32
    %c0_i32_0 = arith.constant 0 : i32
    return %arg0, %c0_i32 : i32, i32
  }
  func.func @transform_1(%arg0: i32) -> (i32, i32) {
    %c0_i32 = arith.constant 0 : i32
    %c0_i32_0 = arith.constant 0 : i32
    %c0_i32_1 = arith.constant 0 : i32
    return %c0_i32, %c0_i32_0 : i32, i32
  }
  func.func @transform_2(%arg0: i32) -> (i32, i32) {
    %c0_i32 = arith.constant 0 : i32
    %c0_i32_0 = arith.constant 0 : i32
    return %arg0, %c0_i32 : i32, i32
  }
  func.func @transform_3(%arg0: i32) -> (i32, i32) {
    %c0_i32 = arith.constant 0 : i32
    %c0_i32_0 = arith.constant 0 : i32
    return %arg0, %c0_i32 : i32, i32
  }
  func.func @transform_4(%arg0: i32) -> (i32, i32) {
    %c0_i32 = arith.constant 0 : i32
    %c0_i32_0 = arith.constant 0 : i32
    return %arg0, %c0_i32 : i32, i32
  }
  func.func @transform_5(%arg0: i32) -> (i32, i32) {
    %c0_i32 = arith.constant 0 : i32
    %c0_i32_0 = arith.constant 0 : i32
    return %arg0, %c0_i32 : i32, i32
  }
  func.func @transform_6(%arg0: i32) -> (i32, i32, i32) {
    %c0_i32 = arith.constant 0 : i32
    %c0_i32_0 = arith.constant 0 : i32
    %c0_i32_1 = arith.constant 0 : i32
    return %c0_i32, %arg0, %c0_i32_0 : i32, i32, i32
  }
  func.func @transform_7(%arg0: i32) -> (i32, i32) {
    %c0_i32 = arith.constant 0 : i32
    %c0_i32_0 = arith.constant 0 : i32
    return %arg0, %c0_i32 : i32, i32
  }
  func.func @transform_8(%arg0: i32) -> (i32, i32) {
    %c0_i32 = arith.constant 0 : i32
    %c0_i32_0 = arith.constant 0 : i32
    return %arg0, %c0_i32 : i32, i32
  }
}

module attributes {stable_mosaic.version = 14 : i64} {
  func.func @_tc2_body(%arg0: i32, %arg1: memref<2x256x128xf32, #tpu.memory_space<vmem>>, %arg2: memref<256x1xf32, #tpu.memory_space<vmem>>, %arg3: memref<256x1xf32, #tpu.memory_space<vmem>>, %arg4: memref<1x2x128xf32, #tpu.memory_space<vmem>>, %arg5: memref<2x128x128xf32, #tpu.memory_space<vmem>>, %arg6: memref<2x256x128xf32, #tpu.memory_space<vmem>>) attributes {dimension_semantics = [#tpu.dimension_semantics<arbitrary>], iteration_bounds = array<i64: 40>, scalar_prefetch = 0 : i64, scratch_operands = 0 : i64, tpu.core_type = #tpu.core_type<tc>, window_params = [{transform_indices = @transform_0, window_bounds = array<i64: 2, 256, 128>}, {transform_indices = @transform_1, window_bounds = array<i64: 256, 1>}, {transform_indices = @transform_2, window_bounds = array<i64: 256, 1>}, {pipeline_mode = #tpu.pipeline_mode<synchronous>, transform_indices = @transform_3, window_bounds = array<i64: 1, 2, 128>}, {pipeline_mode = #tpu.pipeline_mode<synchronous>, transform_indices = @transform_4, window_bounds = array<i64: 2, 128, 128>}, {transform_indices = @transform_5, window_bounds = array<i64: 2, 256, 128>}]} {
    %get3A = arith.constant 0 : index
    %get3A_0 = arith.constant 0 : index
    %get3A_1 = vector.load %arg3[%get3A, %get3A_0] : memref<256x1xf32, #tpu.memory_space<vmem>>, vector<256x1xf32>
    %get3A_2 = arith.constant 0 : index
    %get3A_3 = arith.constant 0 : index
    %get3A_4 = vector.load %arg2[%get3A_2, %get3A_3] : memref<256x1xf32, #tpu.memory_space<vmem>>, vector<256x1xf32>
    %get3A_5 = arith.constant 0 : index
    %get3A_6 = arith.constant 0 : index
    %get3A_7 = arith.constant 0 : index
    %get3A_8 = vector.load %arg1[%get3A_5, %get3A_6, %get3A_7] : memref<2x256x128xf32, #tpu.memory_space<vmem>>, vector<1x256x128xf32>
    %get3A_9 = vector.shape_cast %get3A_8 : vector<1x256x128xf32> to vector<256x128xf32>
    %mul3A = vector.broadcast %get3A_1 : vector<256x1xf32> to vector<256x128xf32>
    %mul3A_10 = arith.mulf %get3A_9, %mul3A : vector<256x128xf32>
    %get3A_11 = arith.constant 0 : index
    %get3A_12 = arith.constant 0 : index
    %get3A_13 = arith.constant 0 : index
    %get3A_14 = vector.load %arg4[%get3A_11, %get3A_12, %get3A_13] : memref<1x2x128xf32, #tpu.memory_space<vmem>>, vector<1x1x128xf32>
    %get3A_15 = vector.shape_cast %get3A_14 : vector<1x1x128xf32> to vector<1x128xf32>
    %add3A = vector.broadcast %get3A_15 : vector<1x128xf32> to vector<256x128xf32>
    %add3A_16 = arith.addf %mul3A_10, %add3A : vector<256x128xf32>
    %gt3A = arith.constant 0.000000e+00 : f32
    %gt3A_17 = vector.broadcast %gt3A : f32 to vector<256x128xf32>
    %gt3A_18 = arith.cmpf ogt, %add3A_16, %gt3A_17 : vector<256x128xf32>
    %min3A = arith.constant 0.000000e+00 : f32
    %min3A_19 = vector.broadcast %min3A : f32 to vector<256x128xf32>
    %min3A_20 = arith.minimumf %add3A_16, %min3A_19 : vector<256x128xf32>
    %exp3A = math.exp %min3A_20 : vector<256x128xf32>
    %sub3A = arith.constant 1.000000e+00 : f32
    %sub3A_21 = vector.broadcast %sub3A : f32 to vector<256x128xf32>
    %sub3A_22 = arith.subf %exp3A, %sub3A_21 : vector<256x128xf32>
    %select_n3A = arith.select %gt3A_18, %add3A_16, %sub3A_22 : vector<256x128xi1>, vector<256x128xf32>
    %mul3A_23 = vector.broadcast %get3A_4 : vector<256x1xf32> to vector<256x128xf32>
    %mul3A_24 = arith.mulf %select_n3A, %mul3A_23 : vector<256x128xf32>
    %get3A_25 = arith.constant 1 : index
    %get3A_26 = arith.constant 0 : index
    %get3A_27 = arith.constant 0 : index
    %get3A_28 = vector.load %arg1[%get3A_25, %get3A_26, %get3A_27] : memref<2x256x128xf32, #tpu.memory_space<vmem>>, vector<1x256x128xf32>
    %get3A_29 = vector.shape_cast %get3A_28 : vector<1x256x128xf32> to vector<256x128xf32>
    %mul3A_30 = vector.broadcast %get3A_1 : vector<256x1xf32> to vector<256x128xf32>
    %mul3A_31 = arith.mulf %get3A_29, %mul3A_30 : vector<256x128xf32>
    %get3A_32 = arith.constant 0 : index
    %get3A_33 = arith.constant 1 : index
    %get3A_34 = arith.constant 0 : index
    %get3A_35 = vector.load %arg4[%get3A_32, %get3A_33, %get3A_34] : memref<1x2x128xf32, #tpu.memory_space<vmem>>, vector<1x1x128xf32>
    %get3A_36 = vector.shape_cast %get3A_35 : vector<1x1x128xf32> to vector<1x128xf32>
    %add3A_37 = vector.broadcast %get3A_36 : vector<1x128xf32> to vector<256x128xf32>
    %add3A_38 = arith.addf %mul3A_31, %add3A_37 : vector<256x128xf32>
    %gt3A_39 = arith.constant 0.000000e+00 : f32
    %gt3A_40 = vector.broadcast %gt3A_39 : f32 to vector<256x128xf32>
    %gt3A_41 = arith.cmpf ogt, %add3A_38, %gt3A_40 : vector<256x128xf32>
    %min3A_42 = arith.constant 0.000000e+00 : f32
    %min3A_43 = vector.broadcast %min3A_42 : f32 to vector<256x128xf32>
    %min3A_44 = arith.minimumf %add3A_38, %min3A_43 : vector<256x128xf32>
    %exp3A_45 = math.exp %min3A_44 : vector<256x128xf32>
    %sub3A_46 = arith.constant 1.000000e+00 : f32
    %sub3A_47 = vector.broadcast %sub3A_46 : f32 to vector<256x128xf32>
    %sub3A_48 = arith.subf %exp3A_45, %sub3A_47 : vector<256x128xf32>
    %select_n3A_49 = arith.select %gt3A_41, %add3A_38, %sub3A_48 : vector<256x128xi1>, vector<256x128xf32>
    %mul3A_50 = vector.broadcast %get3A_4 : vector<256x1xf32> to vector<256x128xf32>
    %mul3A_51 = arith.mulf %select_n3A_49, %mul3A_50 : vector<256x128xf32>
    %get3A_52 = arith.constant 0 : index
    %get3A_53 = arith.constant 0 : index
    %get3A_54 = arith.constant 0 : index
    %get3A_55 = vector.load %arg5[%get3A_52, %get3A_53, %get3A_54] : memref<2x128x128xf32, #tpu.memory_space<vmem>>, vector<1x128x128xf32>
    %get3A_56 = vector.shape_cast %get3A_55 : vector<1x128x128xf32> to vector<128x128xf32>
    %dot_general3A = arith.constant dense<0.000000e+00> : vector<256x128xf32>
    %dot_general3A_57 = tpu.matmul %mul3A_24, %get3A_56, %dot_general3A {dimension_numbers = #tpu.dot_dimension_numbers<[1], [0], [0], [1], [0, 0, 1, 1], [], []>, transpose_lhs_hint = false} : vector<256x128xf32>, vector<128x128xf32>, vector<256x128xf32> -> vector<256x128xf32>
    %get3A_58 = arith.constant 1 : index
    %get3A_59 = arith.constant 0 : index
    %get3A_60 = arith.constant 0 : index
    %get3A_61 = vector.load %arg5[%get3A_58, %get3A_59, %get3A_60] : memref<2x128x128xf32, #tpu.memory_space<vmem>>, vector<1x128x128xf32>
    %get3A_62 = vector.shape_cast %get3A_61 : vector<1x128x128xf32> to vector<128x128xf32>
    %dot_general3A_63 = arith.constant dense<0.000000e+00> : vector<256x128xf32>
    %dot_general3A_64 = tpu.matmul %mul3A_51, %get3A_62, %dot_general3A_63 {dimension_numbers = #tpu.dot_dimension_numbers<[1], [0], [0], [1], [0, 0, 1, 1], [], []>, transpose_lhs_hint = false} : vector<256x128xf32>, vector<128x128xf32>, vector<256x128xf32> -> vector<256x128xf32>
    %add3A_65 = arith.addf %dot_general3A_57, %dot_general3A_64 : vector<256x128xf32>
    %swap3A = arith.constant 0 : index
    %swap3A_66 = arith.constant 0 : index
    %swap3A_67 = arith.constant 0 : index
    %swap3A_68 = vector.load %arg6[%swap3A, %swap3A_66, %swap3A_67] : memref<2x256x128xf32, #tpu.memory_space<vmem>>, vector<1x256x128xf32>
    %swap3A_69 = vector.shape_cast %swap3A_68 : vector<1x256x128xf32> to vector<256x128xf32>
    %swap3A_70 = vector.shape_cast %add3A_65 : vector<256x128xf32> to vector<1x256x128xf32>
    tpu.vector_store %arg6[%swap3A, %swap3A_66, %swap3A_67], %swap3A_70 {strides = array<i32>} : memref<2x256x128xf32, #tpu.memory_space<vmem>>, vector<1x256x128xf32>,
    %swap3A_71 = arith.constant 1 : index
    %swap3A_72 = arith.constant 0 : index
    %swap3A_73 = arith.constant 0 : index
    %swap3A_74 = vector.load %arg6[%swap3A_71, %swap3A_72, %swap3A_73] : memref<2x256x128xf32, #tpu.memory_space<vmem>>, vector<1x256x128xf32>
    %swap3A_75 = vector.shape_cast %swap3A_74 : vector<1x256x128xf32> to vector<256x128xf32>
    %swap3A_76 = vector.shape_cast %add3A_65 : vector<256x128xf32> to vector<1x256x128xf32>
    tpu.vector_store %arg6[%swap3A_71, %swap3A_72, %swap3A_73], %swap3A_76 {strides = array<i32>} : memref<2x256x128xf32, #tpu.memory_space<vmem>>, vector<1x256x128xf32>,
    return
  }
  func.func @transform_0(%arg0: i32) -> (i32, i32, i32) {
    %c0_i32 = arith.constant 0 : i32
    %c0_i32_0 = arith.constant 0 : i32
    %c0_i32_1 = arith.constant 0 : i32
    return %c0_i32, %arg0, %c0_i32_0 : i32, i32, i32
  }
  func.func @transform_1(%arg0: i32) -> (i32, i32) {
    %c0_i32 = arith.constant 0 : i32
    %c0_i32_0 = arith.constant 0 : i32
    return %arg0, %c0_i32 : i32, i32
  }
  func.func @transform_2(%arg0: i32) -> (i32, i32) {
    %c0_i32 = arith.constant 0 : i32
    %c0_i32_0 = arith.constant 0 : i32
    return %arg0, %c0_i32 : i32, i32
  }
  func.func @transform_3(%arg0: i32) -> (i32, i32, i32) {
    %c0_i32 = arith.constant 0 : i32
    %c0_i32_0 = arith.constant 0 : i32
    %c0_i32_1 = arith.constant 0 : i32
    %c0_i32_2 = arith.constant 0 : i32
    return %c0_i32, %c0_i32_0, %c0_i32_1 : i32, i32, i32
  }
  func.func @transform_4(%arg0: i32) -> (i32, i32, i32) {
    %c0_i32 = arith.constant 0 : i32
    %c0_i32_0 = arith.constant 0 : i32
    %c0_i32_1 = arith.constant 0 : i32
    %c0_i32_2 = arith.constant 0 : i32
    return %c0_i32, %c0_i32_0, %c0_i32_1 : i32, i32, i32
  }
  func.func @transform_5(%arg0: i32) -> (i32, i32, i32) {
    %c0_i32 = arith.constant 0 : i32
    %c0_i32_0 = arith.constant 0 : i32
    %c0_i32_1 = arith.constant 0 : i32
    return %c0_i32, %arg0, %c0_i32_0 : i32, i32, i32
  }
}

module attributes {stable_mosaic.version = 14 : i64} {
  func.func @_tc3_body(%arg0: i32, %arg1: memref<2x256x128xf32, #tpu.memory_space<vmem>>, %arg2: memref<256x1xf32, #tpu.memory_space<vmem>>, %arg3: memref<1x128xf32, #tpu.memory_space<vmem>>, %arg4: memref<256x128xf32, #tpu.memory_space<vmem>>) attributes {dimension_semantics = [#tpu.dimension_semantics<arbitrary>], iteration_bounds = array<i64: 40>, scalar_prefetch = 0 : i64, scratch_operands = 0 : i64, tpu.core_type = #tpu.core_type<tc>, window_params = [{transform_indices = @transform_0, window_bounds = array<i64: 2, 256, 128>}, {transform_indices = @transform_1, window_bounds = array<i64: 256, 1>}, {pipeline_mode = #tpu.pipeline_mode<synchronous>, transform_indices = @transform_2, window_bounds = array<i64: 1, 128>}, {transform_indices = @transform_3, window_bounds = array<i64: 256, 128>}]} {
    %get3A = arith.constant 0 : index
    %get3A_0 = arith.constant 0 : index
    %get3A_1 = arith.constant 0 : index
    %get3A_2 = vector.load %arg1[%get3A, %get3A_0, %get3A_1] : memref<2x256x128xf32, #tpu.memory_space<vmem>>, vector<1x256x128xf32>
    %get3A_3 = vector.shape_cast %get3A_2 : vector<1x256x128xf32> to vector<256x128xf32>
    %get3A_4 = arith.constant 1 : index
    %get3A_5 = arith.constant 0 : index
    %get3A_6 = arith.constant 0 : index
    %get3A_7 = vector.load %arg1[%get3A_4, %get3A_5, %get3A_6] : memref<2x256x128xf32, #tpu.memory_space<vmem>>, vector<1x256x128xf32>
    %get3A_8 = vector.shape_cast %get3A_7 : vector<1x256x128xf32> to vector<256x128xf32>
    %add3A = arith.addf %get3A_3, %get3A_8 : vector<256x128xf32>
    %get3A_9 = arith.constant 0 : index
    %get3A_10 = arith.constant 0 : index
    %get3A_11 = vector.load %arg2[%get3A_9, %get3A_10] : memref<256x1xf32, #tpu.memory_space<vmem>>, vector<256x1xf32>
    %mul3A = vector.broadcast %get3A_11 : vector<256x1xf32> to vector<256x128xf32>
    %mul3A_12 = arith.mulf %add3A, %mul3A : vector<256x128xf32>
    %get3A_13 = arith.constant 0 : index
    %get3A_14 = arith.constant 0 : index
    %get3A_15 = vector.load %arg3[%get3A_13, %get3A_14] : memref<1x128xf32, #tpu.memory_space<vmem>>, vector<1x128xf32>
    %add3A_16 = vector.broadcast %get3A_15 : vector<1x128xf32> to vector<256x128xf32>
    %add3A_17 = arith.addf %mul3A_12, %add3A_16 : vector<256x128xf32>
    %gt3A = arith.constant 0.000000e+00 : f32
    %gt3A_18 = vector.broadcast %gt3A : f32 to vector<256x128xf32>
    %gt3A_19 = arith.cmpf ogt, %add3A_17, %gt3A_18 : vector<256x128xf32>
    %min3A = arith.constant 0.000000e+00 : f32
    %min3A_20 = vector.broadcast %min3A : f32 to vector<256x128xf32>
    %min3A_21 = arith.minimumf %add3A_17, %min3A_20 : vector<256x128xf32>
    %exp3A = math.exp %min3A_21 : vector<256x128xf32>
    %sub3A = arith.constant 1.000000e+00 : f32
    %sub3A_22 = vector.broadcast %sub3A : f32 to vector<256x128xf32>
    %sub3A_23 = arith.subf %exp3A, %sub3A_22 : vector<256x128xf32>
    %select_n3A = arith.select %gt3A_19, %add3A_17, %sub3A_23 : vector<256x128xi1>, vector<256x128xf32>
    %swap3A = arith.constant 0 : index
    %swap3A_24 = arith.constant 0 : index
    %swap3A_25 = vector.load %arg4[%swap3A, %swap3A_24] : memref<256x128xf32, #tpu.memory_space<vmem>>, vector<256x128xf32>
    tpu.vector_store %arg4[%swap3A, %swap3A_24], %select_n3A {strides = array<i32>} : memref<256x128xf32, #tpu.memory_space<vmem>>, vector<256x128xf32>,
    return
  }
  func.func @transform_0(%arg0: i32) -> (i32, i32, i32) {
    %c0_i32 = arith.constant 0 : i32
    %c0_i32_0 = arith.constant 0 : i32
    %c0_i32_1 = arith.constant 0 : i32
    return %c0_i32, %arg0, %c0_i32_0 : i32, i32, i32
  }
  func.func @transform_1(%arg0: i32) -> (i32, i32) {
    %c0_i32 = arith.constant 0 : i32
    %c0_i32_0 = arith.constant 0 : i32
    return %arg0, %c0_i32 : i32, i32
  }
  func.func @transform_2(%arg0: i32) -> (i32, i32) {
    %c0_i32 = arith.constant 0 : i32
    %c0_i32_0 = arith.constant 0 : i32
    %c0_i32_1 = arith.constant 0 : i32
    return %c0_i32, %c0_i32_0 : i32, i32
  }
  func.func @transform_3(%arg0: i32) -> (i32, i32) {
    %c0_i32 = arith.constant 0 : i32
    %c0_i32_0 = arith.constant 0 : i32
    return %arg0, %c0_i32 : i32, i32
  }
}

</mosaic_0001>

<sc_bundles>
// kernel: kernel.11.cloned.1.call-start
scs
__scs_entry_jumppad:
0x0: {  	(pc) =	sbr.rel $0x88, $3  }
0x1: {  	(tag) =	ssettag $0x0;
	lr =	simm.s32 $0x1  }
0x2: {  	[smem:$0x3F9B] =	sst lr;
	_ =	strace $0xD0000000  }
0x3: {  	_ = 	snop  }
0x4: {  	_ = 	snop  }
0x5: {  	_ = 	snop  }
0x6: {  	_ = 	snop  }
0x7: {  	_ = 	snop  }
__scs_overlays_trampoline_lowered:
0x8: {  	[smem:$0x3FAA] =	sst s0  }
0x9: {  	[smem:$0x3FAB] =	sst s1  }
0xa: {  	[smem:$0x3FAC] =	sst s2  }
0xb: {  	[smem:$0x3FAD] =	sst s3  }
0xc: {  	[smem:$0x3FAE] =	sst s4  }
0xd: {  	[smem:$0x3FAF] =	sst s5  }
0xe: {  	[smem:$0x3FB0] =	sst s6  }
0xf: {  	[smem:$0x3FB1] =	sst s7  }
0x10: {  	[smem:$0x3FB2] =	sst s8  }
0x11: {  	[smem:$0x3FB3] =	sst s9;
	s0 =	simm.s32 @!p0 $0x0  }
0x12: {  	s1 =	sld [smem:$0x3F99];
	s0 =	simm.s32 @p0 $0x1  }
0x13: {  	[smem:$0x3FB4] =	sst s0;
	s0 =	simm.s32 @!p1 $0x0  }
0x14: {  	s2 =	sld [smem:$0x3F98];
	s0 =	simm.s32 @p1 $0x1  }
0x15: {  	[smem:$0x3FB5] =	sst s0;
	s0 =	simm.s32 @!p2 $0x0  }
0x16: {  	s3 =	sld [smem:$0x3FDB];
	s0 =	simm.s32 @p2 $0x1  }
0x17: {  	s4 =	simm.s32 $0x1BF5;
	[smem:$0x3FB7] =	sst s0  }
0x18: {  	s0 =	sld [smem:$0x3F9A];
	_ =	swait.ge [sflag:s4], $0x0  }
0x19: {  	s7 =	sld [smem:$0x3F9B]  }
0x1a: {  	s8 =	sadd.s32 $0xFFFFE003, lr  }
0x1b: {  	s9 =	sadd.s32 $0xFFFFFEF7, lr;
	s5 =	simm.s32 $0xFFFFFFFF;
	p2 =	slt.u32 s8, $0xFFFFF086  }
0x1c: {  	p1 =	slt.u32 s9, $0xF7A;
	s5 =	simm.s32 @!p2 $0x0  }
0x1d: {  	s5 =	simm.s32 @p1 $0x1;
	p0 =	seq.s32 s7, s2  }
0x1e: {  	s7 =	smul.u32 @!p0 $0xF7A, s2;
	p2 =	seq.s32 @!p0 s5, $0x0  }
0x1f: {  	s9 =	smul.u32 $0xF7A, s1;
	s8 =	simm.s32 @!p0 $0x1BF5;
	p2 =	por !p2, p0  }
0x20: {  	[sflag:s8] =	ssyncset.s32 @!p0 $0xFFFFF086;
	s6 =	sadd.s32 @!p0 s3, s7;
	s7 =	simm.s32 @!p0 $0x108  }
0x21: {  	s3 =	sadd.s32 s3, s9;
	s6 =	sadd.s32 @!p0 $0x88, s6;
	s7 =	simm.s32 @p2 $0x1082  }
0x22: {  	[simem:s7], [sflag:s8] =	dma.local @!p0 [hbm:s6], $0xF7A  }
0x23: {  	s9 =	sor.u32 $0xD0000000, s2;
	s6 =	simm.s32 $0x108;
	_ =	swait.ge @!p0 [sflag:s8], $0x0  }
0x24: {  	s3 =	sadd.s32 $0x88, s3;
	s6 =	simm.s32 @!p1 $0x1082;
	[sflag:s4] =	ssyncset.s32 $0xFFFFF086  }
0x25: {  	[simem:s6], [sflag:s4] =	dma.local [hbm:s3], $0xF7A  }
0x26: {  	[smem:$0x3F9B] =	sst s1;
	(tag) =	ssettag s2;
	_ =	strace s9  }
0x27: {  	s1 =	sld [smem:$0x3FAB]  }
0x28: {  	s2 =	sld [smem:$0x3FAC]  }
0x29: {  	s4 =	sld [smem:$0x3FAE]  }
0x2a: {  	p0 =	seq.s32 s5, $0x0;
	s5 =	sld [smem:$0x3FAF]  }
0x2b: {  	s6 =	sld [smem:$0x3FB0]  }
0x2c: {  	s7 =	sld [smem:$0x3FB1]  }
0x2d: {  	s3 =	simm.s32 $0x108;
	s8 =	sld [smem:$0x3FB2]  }
0x2e: {  	s3 =	simm.s32 @!p0 $0x1082;
	s9 =	sld [smem:$0x3FB3]  }
0x2f: {  	lr =	sadd.s32 s0, s3;
	s0 =	sld [smem:$0x3FAA]  }
0x30: {  	s3 =	sld [smem:$0x3FAD]  }
0x31: {  	[smem:$0x3FB6] =	sst s10  }
0x32: {  	s10 =	sld [smem:$0x3FB4];
	_ =	sdelay $0x3  }
0x33: {  	p0 =	seq.s32 s10, $0x1;
	s10 =	sld [smem:$0x3FB6];
	_ =	sdelay $0x3  }
0x34: {  	[smem:$0x3FB6] =	sst s10  }
0x35: {  	s10 =	sld [smem:$0x3FB5];
	_ =	sdelay $0x3  }
0x36: {  	p1 =	seq.s32 s10, $0x1;
	s10 =	sld [smem:$0x3FB6];
	_ =	sdelay $0x3  }
0x37: {  	[smem:$0x3FB6] =	sst s10  }
0x38: {  	s10 =	sld [smem:$0x3FB7]  }
0x39: {  	_ = 	snop;
	(pc) =	sbr.ind lr, $3  }
0x3a: {  	_ = 	snop  }
0x3b: {  	_ = 	snop  }
0x3c: {  	p2 =	seq.s32 s10, $0x1;
	s10 =	sld [smem:$0x3FB6]  }
0x3d: {  	_ =	shalt  }
0x3e: {  	_ =	shalt  }
0x3f: {  	_ =	shalt  }
0x40: {  	_ =	shalt  }
0x41: {  	_ =	shalt  }
0x42: {  	_ =	shalt  }
0x43: {  	_ =	shalt  }
0x44: {  	_ =	shalt  }
0x45: {  	_ =	shalt  }
0x46: {  	_ =	shalt  }
0x47: {  	_ =	shalt  }
0x48: {  	_ =	shalt  }
0x49: {  	_ =	shalt  }
0x4a: {  	_ =	shalt  }
0x4b: {  	_ =	shalt  }
0x4c: {  	_ =	shalt  }
0x4d: {  	_ =	shalt  }
0x4e: {  	_ =	shalt  }
0x4f: {  	_ =	shalt  }
0x50: {  	_ =	shalt  }
0x51: {  	_ =	shalt  }
0x52: {  	_ =	shalt  }
0x53: {  	_ =	shalt  }
0x54: {  	_ =	shalt  }
0x55: {  	_ =	shalt  }
0x56: {  	_ =	shalt  }
0x57: {  	_ =	shalt  }
0x58: {  	_ =	shalt  }
0x59: {  	_ =	shalt  }
0x5a: {  	_ =	shalt  }
0x5b: {  	_ =	shalt  }
0x5c: {  	_ =	shalt  }
0x5d: {  	_ =	shalt  }
0x5e: {  	_ =	shalt  }
0x5f: {  	_ =	shalt  }
0x60: {  	_ =	shalt  }
0x61: {  	_ =	shalt  }
0x62: {  	_ =	shalt  }
0x63: {  	_ =	shalt  }
0x64: {  	_ =	shalt  }
0x65: {  	_ =	shalt  }
0x66: {  	_ =	shalt  }
0x67: {  	_ =	shalt  }
0x68: {  	_ =	shalt  }
0x69: {  	_ =	shalt  }
0x6a: {  	_ =	shalt  }
0x6b: {  	_ =	shalt  }
0x6c: {  	_ =	shalt  }
0x6d: {  	_ =	shalt  }
0x6e: {  	_ =	shalt  }
0x6f: {  	_ =	shalt  }
0x70: {  	_ =	shalt  }
0x71: {  	_ =	shalt  }
0x72: {  	_ =	shalt  }
0x73: {  	_ =	shalt  }
0x74: {  	_ =	shalt  }
0x75: {  	_ =	shalt  }
0x76: {  	_ =	shalt  }
0x77: {  	_ =	shalt  }
0x78: {  	_ =	shalt  }
0x79: {  	_ =	shalt  }
0x7a: {  	_ =	shalt  }
0x7b: {  	_ =	shalt  }
0x7c: {  	_ =	shalt  }
0x7d: {  	_ =	shalt  }
0x7e: {  	_ =	shalt  }
0x7f: {  	_ =	shalt  }
0x80: {  	_ =	shalt  }
0x81: {  	_ =	shalt  }
0x82: {  	_ =	shalt  }
0x83: {  	_ =	shalt  }
0x84: {  	_ =	shalt  }
0x85: {  	_ =	shalt  }
0x86: {  	_ =	shalt  }
0x87: {  	_ =	shalt  }
.Lfunc_end0:
.L_simem_size_0:
called_computation.1_lowered:
.L_overlay_start_0:
0x88: {  	s2 =	sld [smem:$0x3FD9]  }
0x89: {  	s3 =	sld [smem:$0x3FFE];
	_ =	sdelay $0x1  }
0x8a: {  	s1 =	srdreg.scid  }
0x8b: {  	s0 =	sand.u32 $0x1, s1  }
0x8c: {  	s17 =	sshll.u32 s0, $0xA;
	s2 =	sadd.s32 s3, s2  }
0x8d: {  	s2 =	sadd.s32 s2, s17  }
0x8e: {  	[smem:$0x3FC2] =	sst s2  }
0x8f: {  	_ = 	snop  }
0x90: {  	s2 =	sld [smem:$0x3FD0];
	(tm) =	ssettm $0x1  }
0x91: {  	s18 =	sld [smem:$0x3FFB];
	_ =	sdelay $0x3  }
0x92: {  	_ =	strace s18  }
0x93: {  	s3 =	sld [smem:$0x3FFC];
	_ =	sdelay $0x3  }
0x94: {  	_ =	strace s3  }
0x95: {  	s3 =	sld [smem:$0x3FFD];
	_ =	sdelay $0x3  }
0x96: {  	_ =	strace s3  }
0x97: {  	_ =	strace $0x8FFFFFFF  }
0x98: {  	s19 =	sld [smem:$0x3FDB];
	_ =	sdelay $0x1  }
0x99: {  	s4 =	simm.s32 $_scs_section_size  }
0x9a: {  	s5 =	simm.s32 $_size__tile_overlayer_lowered;
	s6 =	simm.s32 $_tile_overlayer_lowered  }
0x9b: {  	s22 =	simm.s32 $0x1BFF;
	s21 =	sshll.u32 s6, $0x1;
	s3 =	sadd.s32 s4, s19  }
0x9c: {  	s7 =	simm.s32 $0x0;
	s20 =	sshll.u32 s5, $0x1;
	s5 =	sadd.s32 s21, s3  }
0x9d: {  	[timem:s7], [sflag:s22] =	dma.local [hbm:s5], s20  }
0x9e: {  	_ =	swait.ge [sflag:s22], s20  }
0x9f: {  	s4 =	ssub.s32 $0x0, s20;
	[sflag:s22] =	ssyncset.done $0x0  }
0xa0: {  	[sflag:s22] =	ssyncadd.s32 s4;
	_ =	sdelay $0x1  }
0xa1: {  	s23 =	simm.s32 $0x1B8B  }
0xa2: {  	_ =	swait.ge [sflag:s23], $0x1  }
0xa3: {  	[sflag:s23] =	ssyncset.done $0x0  }
0xa4: {  	s25 =	simm.s32 $0x1B8E;
	s24 =	sld [smem:$0x3FFE];
	[sflag:s23] =	ssyncadd.s32 $0xFFFFFFFF  }
0xa5: {  	s26 =	simm.s32 $execute0_lowered;
	[smem:$0x3FD2] =	sst s25  }
0xa6: {  	s5 =	sshll.u32 s26, $0x1;
	_ =	strace $0x80000049;
	[dreg:$0x1] =	wrdreg $0xFFFFFFFF  }
0xa7: {  	s28 =	simm.s32 $_size_execute0_lowered;
	s3 =	sadd.s32 s3, s5;
	[dreg:$0x0] =	wrdreg $0x0  }
0xa8: {  	s5 =	sshll.u32 s28, $0x1;
	[dreg:$0x2] =	wrdreg s3  }
0xa9: {  	[dreg:$0x3] =	wrdreg s5  }
0xaa: {  	[dreg:$0x4] =	wrdreg $0xC0  }
0xab: {  	_ =	task [dreg:s7], $0x5FFFF  }
0xac: {  	[dreg:$0x1] =	wrdreg $0xFFFFFFFF  }
0xad: {  	[dreg:$0x0] =	wrdreg $0x60  }
0xae: {  	[dreg:$0x2] =	wrdreg s24  }
0xaf: {  	[dreg:$0x3] =	wrdreg s2  }
0xb0: {  	[dreg:$0x4] =	wrdreg $0x0  }
0xb1: {  	[dreg:$0x5] =	wrdreg $0x9  }
0xb2: {  	_ =	task.clear_ibuf [dreg:s7], $0x6FFFF;
	_ =	strace $0x90000049  }
0xb3: {  	s29 =	simm.s32 $0x9;
	_ =	strace $0x80000051  }
0xb4: {  	_ =	swait.ge [sflag:s29], $0x1  }
0xb5: {  	[sflag:s29] =	ssyncadd.s32 $0xFFFFFFFF  }
0xb6: {  	_ =	strace $0x90000051  }
0xb7: {  	_ =	sfence  }
0xb8: {  	s30 =	sld [smem:$0x0];
	_ =	sdelay $0x2  }
0xb9: {  	s31 =	sshll.u32 s1, $0xD;
	s1 =	sshrl.u32 s1, $0x2  }
0xba: {  	s3 =	sand.u32 $0x4000, s31;
	s1 =	sadd.s32 s1, s30  }
0xbb: {  	s0 =	sor.u32 s3, s0;
	s1 =	sshll.u32 s1, $0x11  }
0xbc: {  	s0 =	sor.u32 s1, s0  }
0xbd: {  	s0 =	sadd.s32 $0x8F2B, s0  }
0xbe: {  	[sflag:s0] =	ssyncadd.remote.s32 $0x1  }
0xbf: {  	_ =	sfence.sel $0xFFFF  }
0xc0: {  	[dreg:$0x0] =	wrdreg $0xFFFFFFFF;
	(pc) =	sbr.abs _section_cstart, $3  }
0xc1: {  	[dreg:$0x1] =	wrdreg $0xFFFFFFFF  }
0xc2: {  	_ =	task.clear_ibuf [dreg:s7], $0x2FFFF;
	_ =	strace $0x9FFFFFFF  }
0xc3: {  	(tm) =	ssettm $0x7FFFFFFF  }
tec
execute0_lowered:
.L_overlay_start_1:
0x0: {  	(tag) =	ssettag $0x1  }
0x1: {  	s0 =	rddreg [dreg:$0x0]  }
0x2: {  	s1 =	rddreg [dreg:$0x1]  }
0x3: {  	s2 =	rddreg [dreg:$0x2]  }
0x4: {  	s10 =	stileid.u32;
	s4 =	srdreg.scid;
	s7 =	simm.s32 $0x0  }
0x5: {  	s14 =	simm.s32 $0x6;
	s15 =	simm.s32 $0x14000;
	s16 =	simm.s32 $0x15400  }
0x6: {  	s17 =	simm.s32 $0x40;
	s18 =	simm.s32 $0x16800;
	s19 =	simm.s32 $0x14040  }
0x7: {  	s20 =	simm.s32 $0x18800;
	s28 =	simm.s32 $0x80;
	s29 =	simm.s32 $0x5  }
0x8: {  	s30 =	simm.s32 $0x2;
	s31 =	simm.s32 $0x4;
	s3 =	smul.u32 $0x2800, s10  }
0x9: {  	s5 =	sand.u32 $0x1, s4;
	s6 =	smul.u32 $0x280, s10;
	[smem:$0x7FF] =	sst s7  }
0xa: {  	s4 =	sadd.s32 $0xA3A00, s0;
	s9 =	smul.u32 $0x50000, s10;
	s26 =	sshll.u32 s10, $0x6  }
0xb: {  	s7 =	smul.u32 $0x2800, s5;
	_ =	strace $0x8000004A;
	s5 =	ssub.s32 $0x2, s5  }
0xc: {  	s12 =	sor.u32 $0x1C06, s26;
	s26 =	simm.s32 $0x3;
	s8 =	sadd.s32 s3, s0  }
0xd: {  	s21 =	sshrl.u32 s5, $0x1;
	s3 =	sshrl.u32 s3, $0x3;
	s9 =	sshrl.u32 s9, $0x2  }
0xe: {  	s6 =	sadd.s32 s6, s7;
	s22 =	sadd.s32 s9, s2;
	s23 =	sadd.s32 $0x1E00, s8  }
0xf: {  	s6 =	sshll.u32 s6, $0x4;
	[dreg:$0x4] =	wrdreg s23;
	s13 =	sshrl.u32 s22, $0x3  }
0x10: {  	s22 =	simm.s32 $0x1A800;
	s23 =	simm.s32 $0x140C0;
	s0 =	sadd.s32 s6, s0  }
0x11: {  	s6 =	ssub.s32 s5, s21;
	s5 =	sadd.s32 s1, s3;
	s21 =	simm.s32 $0x14080  }
0x12: {  	s1 =	simm.s32 $0x16780;
	s3 =	simm.s32 $0x0;
	s24 =	sadd.s32 $0x5000, s5  }
0x13: {  	s25 =	sadd.s32 $0x280, s5;
	s9 =	sadd.s32 $0x5280, s5;
	s10 =	sadd.s32 $0x29E00, s0  }
0x14: {  	s11 =	smax.u32 s6, $0x1;
	s0 =	simm.s32 $0x16700;
	[dreg:$0x5] =	wrdreg s24  }
0x15: {  	v0 =	vmov s7;
	[dreg:$0x6] =	wrdreg s25;
	s24 =	simm.s32 $0x1C800;
	s25 =	simm.s32 $0x1  }
.LBB2_1:
0x16: {  	_ =	strace $0x8000004B  }
0x17: {  	s6 =	rddreg [dreg:$0x4]  }
0x18: {  	[spmem:s13], [sflag:s12] =	dma.local [hbm:s6], $0x2800  }
0x19: {  	_ =	swait.ge [sflag:s14], $0x2800  }
0x1a: {  	[sflag:s14] =	ssyncset.done $0x0  }
0x1b: {  	[sflag:s14] =	ssyncadd.s32 $0xFFFFD800  }
0x1c: {  	[bflag:$0x0] =	sbarrier.arrive $0xFFFF  }
0x1d: {  	_ =	strace $0x9000004B  }
0x1e: {  	s8 =	simm.s32 $0x0;
	_ =	strace $0x8000004C  }
0x1f: {  	[tilespmem:s15], [sflag:$0x6] =	stream.linear.gather [hbm4b:s5+s8], $0x1400, $0x200038;
	[tilespmem:$0x1E800] =	vst v63  }
0x20: {  	_ =	swait.ge [sflag:s14], $0x1400  }
0x21: {  	[sflag:s14] =	ssyncset.done $0x0  }
0x22: {  	s7 =	rddreg [dreg:$0x5];
	[sflag:s14] =	ssyncadd.s32 $0xFFFFEC00  }
0x23: {  	[tilespmem:s16], [sflag:$0x6] =	stream.linear.gather [hbm4b:s7+s8], $0x1400, $0x200038;
	[tilespmem:$0x1E800] =	vst v63  }
0x24: {  	_ =	swait.ge [sflag:s14], $0x1400  }
0x25: {  	[sflag:s14] =	ssyncset.done $0x0  }
0x26: {  	[sflag:s14] =	ssyncadd.s32 $0xFFFFEC00  }
0x27: {  	s6 =	simm.s32 $0x0;
	_ =	strace $0x9000004C  }
0x28: {  	v3 =	vld [tilespmem:s6+$0x14000]  }
0x29: {  	v5 =	vld [tilespmem:s6+$0x14010]  }
0x2a: {  	v4 =	vld [tilespmem:s6+$0x14020]  }
0x2b: {  	v2 =	vld [tilespmem:s6+$0x14030]  }
0x2c: {  	v1 =	vld [tilespmem:s6+$0x14040]  }
0x2d: {  	v6 =	vadd.s32 v0, v3;
	v3 =	vld [tilespmem:s6+$0x14050]  }
0x2e: {  	s7 =	simm.s32 $0x200;
	[tilespmem:s6+$0x14000] =	vst v6;
	v6 =	vadd.s32 v0, v5;
	v5 =	vld [tilespmem:s6+$0x14060]  }
.LBB2_2:
0x2f: {  	s8 =	sshra.s32 s7, $0x2;
	p0 =	sne.s32 s7, $0x4E00;
	[tilespmem:s6+$0x14010] =	vst v6;
	v4 =	vadd.s32 v0, v4;
	v6 =	vld [tilespmem:s6+$0x14070]  }
0x30: {  	v7 =	vld [tilespmem:s8+$0x14000];
	[tilespmem:s6+$0x14020] =	vst v4;
	v2 =	vadd.s32 v0, v2  }
0x31: {  	v8 =	vld [tilespmem:s8+$0x14010];
	[tilespmem:s6+$0x14030] =	vst v2;
	v1 =	vadd.s32 v0, v1  }
.Ltmp0:
0x32: {  	v4 =	vld [tilespmem:s8+$0x14020];
	[tilespmem:s6+$0x14040] =	vst v1;
	v1 =	vadd.s32 v0, v3;
	(pc) =	sbr.rel @p0 .LBB2_2-.Ltmp0, $4  }
0x33: {  	v2 =	vld [tilespmem:s8+$0x14030];
	[tilespmem:s6+$0x14050] =	vst v1;
	v3 =	vadd.s32 v0, v5  }
0x34: {  	v1 =	vld [tilespmem:s8+$0x14040];
	[tilespmem:s6+$0x14060] =	vst v3;
	v5 =	vadd.s32 v0, v6  }
0x35: {  	v6 =	vadd.s32 v0, v7;
	v3 =	vld [tilespmem:s8+$0x14050];
	[tilespmem:s6+$0x14070] =	vst v5;
	s6 =	smov.u32 s8  }
0x36: {  	s7 =	sadd.s32 $0x200, s7;
	[tilespmem:s6+$0x14000] =	vst v6;
	v6 =	vadd.s32 v0, v8;
	v5 =	vld [tilespmem:s6+$0x14060]  }
0x37: {  	[tilespmem:s6+$0x14010] =	vst v6;
	v4 =	vadd.s32 v0, v4;
	v63 =	vld [tilespmem:s6+$0x14070]  }
0x38: {  	[tilespmem:s6+$0x14020] =	vst v4;
	v2 =	vadd.s32 v0, v2  }
0x39: {  	[tilespmem:s6+$0x14030] =	vst v2;
	v1 =	vadd.s32 v0, v1  }
0x3a: {  	[tilespmem:s6+$0x14040] =	vst v1;
	v1 =	vadd.s32 v0, v3  }
0x3b: {  	[tilespmem:s6+$0x14050] =	vst v1;
	v1 =	vadd.s32 v0, v5  }
0x3c: {  	[tilespmem:s6+$0x14060] =	vst v1;
	v1 =	vadd.s32 v0, v63  }
0x3d: {  	[tilespmem:s6+$0x14070] =	vst v1  }
0x3e: {  	[tilespmem:s18], [sflag:$0x1] =	stream.indirect.gather [hbm4b:s4+s17], $0x80, s15, s17, $0xb8;
	[tilespmem:$0x1E800] =	vst v63  }
0x3f: {  	_ = 	snop  }
0x40: {  	[tilespmem:s20], [sflag:$0x3] =	stream.indirect.gather [hbm4b:s4+s17], $0x80, s19, s17, $0xb8;
	[tilespmem:$0x1E800] =	vst v63  }
0x41: {  	_ = 	snop  }
0x42: {  	[tilespmem:s22], [sflag:$0x2] =	stream.indirect.gather [hbm4b:s4+s17], $0x80, s21, s17, $0xb8;
	[tilespmem:$0x1E800] =	vst v63  }
0x43: {  	_ = 	snop  }
0x44: {  	[tilespmem:s24], [sflag:$0x4] =	stream.indirect.gather [hbm4b:s4+s17], $0x80, s23, s17, $0xb8;
	[tilespmem:$0x1E800] =	vst v63  }
0x45: {  	_ =	strace $0x8000004D  }
0x46: {  	_ =	swait.ge [sflag:s25], $0x2000  }
0x47: {  	[sflag:s25] =	ssyncset.done $0x0  }
0x48: {  	[sflag:s25] =	ssyncadd.s32 $0xFFFFE000  }
0x49: {  	_ =	swait.ge [sflag:s26], $0x2000  }
0x4a: {  	[sflag:s26] =	ssyncset.done $0x0  }
0x4b: {  	s8 =	simm.s32 $0x15400;
	[sflag:s26] =	ssyncadd.s32 $0xFFFFE000  }
0x4c: {  	[spmem:s2] =	stream.indirect.scatter.add.f32 [tilespmem:s18], [sflag:$0x5], $0x80, s8, s28, $0x2000b8;
	[tilespmem:$0x1E800] =	vst v63  }
0x4d: {  	_ =	swait.ge [sflag:s29], $0x4000  }
0x4e: {  	[sflag:s29] =	ssyncset.done $0x0  }
0x4f: {  	s7 =	simm.s32 $0x14100;
	[sflag:s29] =	ssyncadd.s32 $0xFFFFC000  }
0x50: {  	[tilespmem:s18], [sflag:$0x1] =	stream.indirect.gather [hbm4b:s4+s17], $0x80, s7, s17, $0x2000b8;
	[tilespmem:$0x1E800] =	vst v63  }
0x51: {  	s8 =	simm.s32 $0x14140  }
0x52: {  	[tilespmem:s20], [sflag:$0x3] =	stream.indirect.gather [hbm4b:s4+s17], $0x80, s8, s17, $0x2000b8;
	[tilespmem:$0x1E800] =	vst v63  }
0x53: {  	_ =	swait.ge [sflag:s30], $0x2000  }
0x54: {  	[sflag:s30] =	ssyncset.done $0x0  }
0x55: {  	[sflag:s30] =	ssyncadd.s32 $0xFFFFE000  }
0x56: {  	_ =	swait.ge [sflag:s31], $0x2000  }
0x57: {  	[sflag:s31] =	ssyncset.done $0x0  }
0x58: {  	s7 =	simm.s32 $0x15480;
	[sflag:s31] =	ssyncadd.s32 $0xFFFFE000  }
0x59: {  	[spmem:s2] =	stream.indirect.scatter.add.f32 [tilespmem:s22], [sflag:$0x5], $0x80, s7, s28, $0x2000b8;
	[tilespmem:$0x1E800] =	vst v63  }
0x5a: {  	_ =	swait.ge [sflag:s29], $0x4000  }
0x5b: {  	s6 =	simm.s32 $0x400;
	[sflag:s29] =	ssyncset.done $0x0  }
0x5c: {  	s8 =	simm.s32 $0x14180;
	s7 =	simm.s32 $0x141C0;
	[sflag:s29] =	ssyncadd.s32 $0xFFFFC000  }
0x5d: {  	[tilespmem:s22], [sflag:$0x2] =	stream.indirect.gather [hbm4b:s4+s17], $0x80, s8, s17, $0x2000b8;
	[tilespmem:$0x1E800] =	vst v63  }
.LBB2_4:
0x5e: {  	[tilespmem:s24], [sflag:$0x4] =	stream.indirect.gather [hbm4b:s4+s17], $0x80, s7, s17, $0x2000b8;
	[tilespmem:$0x1E800] =	vst v63  }
0x5f: {  	s7 =	smov.u32 s6  }
0x60: {  	p0 =	sne.s32 s6, $0x4800;
	s6 =	sadd.s32 $0x400, s6;
	_ =	swait.ge [sflag:s25], $0x2000  }
0x61: {  	[sflag:s25] =	ssyncset.done $0x0  }
0x62: {  	[sflag:s25] =	ssyncadd.s32 $0xFFFFE000  }
0x63: {  	_ =	swait.ge [sflag:s26], $0x2000  }
0x64: {  	s7 =	sshra.s32 s7, $0x2;
	[sflag:s26] =	ssyncset.done $0x0  }
0x65: {  	s8 =	sadd.s32 $0x15400, s7;
	[sflag:s26] =	ssyncadd.s32 $0xFFFFE000  }
0x66: {  	[spmem:s2] =	stream.indirect.scatter.add.f32 [tilespmem:s18], [sflag:$0x5], $0x80, s8, s28, $0x2000b8;
	[tilespmem:$0x1E800] =	vst v63  }
0x67: {  	_ =	swait.ge [sflag:s29], $0x4000  }
0x68: {  	[sflag:s29] =	ssyncset.done $0x0  }
0x69: {  	s8 =	sadd.s32 $0x14100, s7;
	[sflag:s29] =	ssyncadd.s32 $0xFFFFC000  }
0x6a: {  	[tilespmem:s18], [sflag:$0x1] =	stream.indirect.gather [hbm4b:s4+s17], $0x80, s8, s17, $0x2000b8;
	[tilespmem:$0x1E800] =	vst v63  }
0x6b: {  	s8 =	sadd.s32 $0x14140, s7  }
0x6c: {  	[tilespmem:s20], [sflag:$0x3] =	stream.indirect.gather [hbm4b:s4+s17], $0x80, s8, s17, $0x2000b8;
	[tilespmem:$0x1E800] =	vst v63  }
0x6d: {  	_ =	swait.ge [sflag:s30], $0x2000  }
0x6e: {  	[sflag:s30] =	ssyncset.done $0x0  }
0x6f: {  	[sflag:s30] =	ssyncadd.s32 $0xFFFFE000  }
0x70: {  	_ =	swait.ge [sflag:s31], $0x2000  }
0x71: {  	[sflag:s31] =	ssyncset.done $0x0  }
0x72: {  	s8 =	sadd.s32 $0x15480, s7;
	[sflag:s31] =	ssyncadd.s32 $0xFFFFE000  }
0x73: {  	[spmem:s2] =	stream.indirect.scatter.add.f32 [tilespmem:s22], [sflag:$0x5], $0x80, s8, s28, $0x2000b8;
	[tilespmem:$0x1E800] =	vst v63  }
.Ltmp1:
0x74: {  	_ =	swait.ge [sflag:s29], $0x4000;
	(pc) =	sbr.rel @p0 .LBB2_4-.Ltmp1, $4  }
0x75: {  	[sflag:s29] =	ssyncset.done $0x0  }
0x76: {  	s8 =	sadd.s32 $0x14180, s7;
	[sflag:s29] =	ssyncadd.s32 $0xFFFFC000  }
0x77: {  	[tilespmem:s22], [sflag:$0x2] =	stream.indirect.gather [hbm4b:s4+s17], $0x80, s8, s17, $0x2000b8;
	[tilespmem:$0x1E800] =	vst v63  }
0x78: {  	s7 =	sadd.s32 $0x141C0, s7  }
0x79: {  	[tilespmem:s24], [sflag:$0x4] =	stream.indirect.gather [hbm4b:s4+s17], $0x80, s7, s17, $0x2000b8;
	[tilespmem:$0x1E800] =	vst v63  }
0x7a: {  	_ =	swait.ge [sflag:s25], $0x2000  }
0x7b: {  	[sflag:s25] =	ssyncset.done $0x0  }
0x7c: {  	[sflag:s25] =	ssyncadd.s32 $0xFFFFE000  }
0x7d: {  	_ =	swait.ge [sflag:s26], $0x2000  }
0x7e: {  	[sflag:s26] =	ssyncset.done $0x0  }
0x7f: {  	[sflag:s26] =	ssyncadd.s32 $0xFFFFE000  }
0x80: {  	[spmem:s2] =	stream.indirect.scatter.add.f32 [tilespmem:s18], [sflag:$0x5], $0x80, s0, s28, $0x2000b8;
	[tilespmem:$0x1E800] =	vst v63  }
0x81: {  	_ =	swait.ge [sflag:s29], $0x4000  }
0x82: {  	[sflag:s29] =	ssyncset.done $0x0  }
0x83: {  	[sflag:s29] =	ssyncadd.s32 $0xFFFFC000  }
0x84: {  	_ =	swait.ge [sflag:s30], $0x2000  }
0x85: {  	[sflag:s30] =	ssyncset.done $0x0  }
0x86: {  	[sflag:s30] =	ssyncadd.s32 $0xFFFFE000  }
0x87: {  	_ =	swait.ge [sflag:s31], $0x2000  }
0x88: {  	[sflag:s31] =	ssyncset.done $0x0  }
0x89: {  	[sflag:s31] =	ssyncadd.s32 $0xFFFFE000  }
0x8a: {  	[spmem:s2] =	stream.indirect.scatter.add.f32 [tilespmem:s22], [sflag:$0x5], $0x80, s1, s28, $0x2000b8;
	[tilespmem:$0x1E800] =	vst v63  }
0x8b: {  	_ =	swait.ge [sflag:s29], $0x4000  }
0x8c: {  	[sflag:s29] =	ssyncset.done $0x0  }
0x8d: {  	[sflag:s29] =	ssyncadd.s32 $0xFFFFC000  }
0x8e: {  	_ =	strace $0x9000004D  }
0x8f: {  	_ =	strace $0x8000004E  }
0x90: {  	s6 =	simm.s32 $0x0;
	s8 =	rddreg [dreg:$0x6]  }
0x91: {  	[tilespmem:s15], [sflag:$0x6] =	stream.linear.gather [hbm4b:s8+s6], $0x1400, $0x200038;
	[tilespmem:$0x1E800] =	vst v63  }
0x92: {  	_ =	swait.ge [sflag:s14], $0x1400  }
0x93: {  	[sflag:s14] =	ssyncset.done $0x0  }
0x94: {  	[sflag:s14] =	ssyncadd.s32 $0xFFFFEC00  }
0x95: {  	[tilespmem:s16], [sflag:$0x6] =	stream.linear.gather [hbm4b:s9+s6], $0x1400, $0x200038;
	[tilespmem:$0x1E800] =	vst v63  }
0x96: {  	_ =	swait.ge [sflag:s14], $0x1400  }
0x97: {  	[sflag:s14] =	ssyncset.done $0x0  }
0x98: {  	[sflag:s14] =	ssyncadd.s32 $0xFFFFEC00  }
0x99: {  	s6 =	simm.s32 $0x0;
	_ =	strace $0x9000004E  }
0x9a: {  	v3 =	vld [tilespmem:s6+$0x14000]  }
0x9b: {  	v5 =	vld [tilespmem:s6+$0x14010]  }
0x9c: {  	v4 =	vld [tilespmem:s6+$0x14020]  }
0x9d: {  	v2 =	vld [tilespmem:s6+$0x14030]  }
0x9e: {  	v1 =	vld [tilespmem:s6+$0x14040]  }
0x9f: {  	v6 =	vadd.s32 v0, v3;
	v3 =	vld [tilespmem:s6+$0x14050]  }
0xa0: {  	s7 =	simm.s32 $0x200;
	[tilespmem:s6+$0x14000] =	vst v6;
	v6 =	vadd.s32 v0, v5;
	v5 =	vld [tilespmem:s6+$0x14060]  }
.LBB2_6:
0xa1: {  	s8 =	sshra.s32 s7, $0x2;
	p0 =	sne.s32 s7, $0x4E00;
	[tilespmem:s6+$0x14010] =	vst v6;
	v4 =	vadd.s32 v0, v4;
	v6 =	vld [tilespmem:s6+$0x14070]  }
0xa2: {  	v7 =	vld [tilespmem:s8+$0x14000];
	[tilespmem:s6+$0x14020] =	vst v4;
	v2 =	vadd.s32 v0, v2  }
0xa3: {  	v8 =	vld [tilespmem:s8+$0x14010];
	[tilespmem:s6+$0x14030] =	vst v2;
	v1 =	vadd.s32 v0, v1  }
.Ltmp2:
0xa4: {  	v4 =	vld [tilespmem:s8+$0x14020];
	[tilespmem:s6+$0x14040] =	vst v1;
	v1 =	vadd.s32 v0, v3;
	(pc) =	sbr.rel @p0 .LBB2_6-.Ltmp2, $4  }
0xa5: {  	v2 =	vld [tilespmem:s8+$0x14030];
	[tilespmem:s6+$0x14050] =	vst v1;
	v3 =	vadd.s32 v0, v5  }
0xa6: {  	v1 =	vld [tilespmem:s8+$0x14040];
	[tilespmem:s6+$0x14060] =	vst v3;
	v5 =	vadd.s32 v0, v6  }
0xa7: {  	v6 =	vadd.s32 v0, v7;
	v3 =	vld [tilespmem:s8+$0x14050];
	[tilespmem:s6+$0x14070] =	vst v5;
	s6 =	smov.u32 s8  }
0xa8: {  	s7 =	sadd.s32 $0x200, s7;
	[tilespmem:s6+$0x14000] =	vst v6;
	v6 =	vadd.s32 v0, v8;
	v5 =	vld [tilespmem:s6+$0x14060]  }
0xa9: {  	[tilespmem:s6+$0x14010] =	vst v6;
	v4 =	vadd.s32 v0, v4;
	v63 =	vld [tilespmem:s6+$0x14070]  }
0xaa: {  	[tilespmem:s6+$0x14020] =	vst v4;
	v2 =	vadd.s32 v0, v2  }
0xab: {  	[tilespmem:s6+$0x14030] =	vst v2;
	v1 =	vadd.s32 v0, v1  }
0xac: {  	[tilespmem:s6+$0x14040] =	vst v1;
	v1 =	vadd.s32 v0, v3  }
0xad: {  	[tilespmem:s6+$0x14050] =	vst v1;
	v1 =	vadd.s32 v0, v5  }
0xae: {  	[tilespmem:s6+$0x14060] =	vst v1;
	v1 =	vadd.s32 v0, v63  }
0xaf: {  	[tilespmem:s6+$0x14070] =	vst v1  }
0xb0: {  	[tilespmem:s18], [sflag:$0x1] =	stream.indirect.gather [hbm4b:s4+s17], $0x80, s15, s17, $0xb8;
	[tilespmem:$0x1E800] =	vst v63  }
0xb1: {  	_ = 	snop  }
0xb2: {  	[tilespmem:s20], [sflag:$0x3] =	stream.indirect.gather [hbm4b:s4+s17], $0x80, s19, s17, $0xb8;
	[tilespmem:$0x1E800] =	vst v63  }
0xb3: {  	_ = 	snop  }
0xb4: {  	[tilespmem:s22], [sflag:$0x2] =	stream.indirect.gather [hbm4b:s4+s17], $0x80, s21, s17, $0xb8;
	[tilespmem:$0x1E800] =	vst v63  }
0xb5: {  	_ = 	snop  }
0xb6: {  	[tilespmem:s24], [sflag:$0x4] =	stream.indirect.gather [hbm4b:s4+s17], $0x80, s23, s17, $0xb8;
	[tilespmem:$0x1E800] =	vst v63  }
0xb7: {  	_ =	strace $0x8000004F  }
0xb8: {  	_ =	swait.ge [sflag:s25], $0x2000  }
0xb9: {  	[sflag:s25] =	ssyncset.done $0x0  }
0xba: {  	[sflag:s25] =	ssyncadd.s32 $0xFFFFE000  }
0xbb: {  	_ =	swait.ge [sflag:s26], $0x2000  }
0xbc: {  	[sflag:s26] =	ssyncset.done $0x0  }
0xbd: {  	s8 =	simm.s32 $0x15400;
	[sflag:s26] =	ssyncadd.s32 $0xFFFFE000  }
0xbe: {  	[spmem:s2] =	stream.indirect.scatter.add.f32 [tilespmem:s18], [sflag:$0x5], $0x80, s8, s28, $0x2000b8;
	[tilespmem:$0x1E800] =	vst v63  }
0xbf: {  	_ =	swait.ge [sflag:s29], $0x4000  }
0xc0: {  	[sflag:s29] =	ssyncset.done $0x0  }
0xc1: {  	s7 =	simm.s32 $0x14100;
	[sflag:s29] =	ssyncadd.s32 $0xFFFFC000  }
0xc2: {  	[tilespmem:s18], [sflag:$0x1] =	stream.indirect.gather [hbm4b:s4+s17], $0x80, s7, s17, $0x2000b8;
	[tilespmem:$0x1E800] =	vst v63  }
0xc3: {  	s8 =	simm.s32 $0x14140  }
0xc4: {  	[tilespmem:s20], [sflag:$0x3] =	stream.indirect.gather [hbm4b:s4+s17], $0x80, s8, s17, $0x2000b8;
	[tilespmem:$0x1E800] =	vst v63  }
0xc5: {  	_ =	swait.ge [sflag:s30], $0x2000  }
0xc6: {  	[sflag:s30] =	ssyncset.done $0x0  }
0xc7: {  	[sflag:s30] =	ssyncadd.s32 $0xFFFFE000  }
0xc8: {  	_ =	swait.ge [sflag:s31], $0x2000  }
0xc9: {  	[sflag:s31] =	ssyncset.done $0x0  }
0xca: {  	s7 =	simm.s32 $0x15480;
	[sflag:s31] =	ssyncadd.s32 $0xFFFFE000  }
0xcb: {  	[spmem:s2] =	stream.indirect.scatter.add.f32 [tilespmem:s22], [sflag:$0x5], $0x80, s7, s28, $0x2000b8;
	[tilespmem:$0x1E800] =	vst v63  }
0xcc: {  	_ =	swait.ge [sflag:s29], $0x4000  }
0xcd: {  	s6 =	simm.s32 $0x400;
	[sflag:s29] =	ssyncset.done $0x0  }
0xce: {  	s8 =	simm.s32 $0x14180;
	s7 =	simm.s32 $0x141C0;
	[sflag:s29] =	ssyncadd.s32 $0xFFFFC000  }
0xcf: {  	[tilespmem:s22], [sflag:$0x2] =	stream.indirect.gather [hbm4b:s4+s17], $0x80, s8, s17, $0x2000b8;
	[tilespmem:$0x1E800] =	vst v63  }
.LBB2_8:
0xd0: {  	[tilespmem:s24], [sflag:$0x4] =	stream.indirect.gather [hbm4b:s4+s17], $0x80, s7, s17, $0x2000b8;
	[tilespmem:$0x1E800] =	vst v63  }
0xd1: {  	s7 =	smov.u32 s6  }
0xd2: {  	p0 =	sne.s32 s6, $0x4800;
	s6 =	sadd.s32 $0x400, s6;
	_ =	swait.ge [sflag:s25], $0x2000  }
0xd3: {  	[sflag:s25] =	ssyncset.done $0x0  }
0xd4: {  	[sflag:s25] =	ssyncadd.s32 $0xFFFFE000  }
0xd5: {  	_ =	swait.ge [sflag:s26], $0x2000  }
0xd6: {  	s7 =	sshra.s32 s7, $0x2;
	[sflag:s26] =	ssyncset.done $0x0  }
0xd7: {  	s8 =	sadd.s32 $0x15400, s7;
	[sflag:s26] =	ssyncadd.s32 $0xFFFFE000  }
0xd8: {  	[spmem:s2] =	stream.indirect.scatter.add.f32 [tilespmem:s18], [sflag:$0x5], $0x80, s8, s28, $0x2000b8;
	[tilespmem:$0x1E800] =	vst v63  }
0xd9: {  	_ =	swait.ge [sflag:s29], $0x4000  }
0xda: {  	[sflag:s29] =	ssyncset.done $0x0  }
0xdb: {  	s8 =	sadd.s32 $0x14100, s7;
	[sflag:s29] =	ssyncadd.s32 $0xFFFFC000  }
0xdc: {  	[tilespmem:s18], [sflag:$0x1] =	stream.indirect.gather [hbm4b:s4+s17], $0x80, s8, s17, $0x2000b8;
	[tilespmem:$0x1E800] =	vst v63  }
0xdd: {  	s8 =	sadd.s32 $0x14140, s7  }
0xde: {  	[tilespmem:s20], [sflag:$0x3] =	stream.indirect.gather [hbm4b:s4+s17], $0x80, s8, s17, $0x2000b8;
	[tilespmem:$0x1E800] =	vst v63  }
0xdf: {  	_ =	swait.ge [sflag:s30], $0x2000  }
0xe0: {  	[sflag:s30] =	ssyncset.done $0x0  }
0xe1: {  	[sflag:s30] =	ssyncadd.s32 $0xFFFFE000  }
0xe2: {  	_ =	swait.ge [sflag:s31], $0x2000  }
0xe3: {  	[sflag:s31] =	ssyncset.done $0x0  }
0xe4: {  	s8 =	sadd.s32 $0x15480, s7;
	[sflag:s31] =	ssyncadd.s32 $0xFFFFE000  }
0xe5: {  	[spmem:s2] =	stream.indirect.scatter.add.f32 [tilespmem:s22], [sflag:$0x5], $0x80, s8, s28, $0x2000b8;
	[tilespmem:$0x1E800] =	vst v63  }
.Ltmp3:
0xe6: {  	_ =	swait.ge [sflag:s29], $0x4000;
	(pc) =	sbr.rel @p0 .LBB2_8-.Ltmp3, $4  }
0xe7: {  	[sflag:s29] =	ssyncset.done $0x0  }
0xe8: {  	s8 =	sadd.s32 $0x14180, s7;
	[sflag:s29] =	ssyncadd.s32 $0xFFFFC000  }
0xe9: {  	[tilespmem:s22], [sflag:$0x2] =	stream.indirect.gather [hbm4b:s4+s17], $0x80, s8, s17, $0x2000b8;
	[tilespmem:$0x1E800] =	vst v63  }
0xea: {  	s7 =	sadd.s32 $0x141C0, s7  }
0xeb: {  	[tilespmem:s24], [sflag:$0x4] =	stream.indirect.gather [hbm4b:s4+s17], $0x80, s7, s17, $0x2000b8;
	[tilespmem:$0x1E800] =	vst v63  }
0xec: {  	_ =	swait.ge [sflag:s25], $0x2000  }
0xed: {  	[sflag:s25] =	ssyncset.done $0x0  }
0xee: {  	[sflag:s25] =	ssyncadd.s32 $0xFFFFE000  }
0xef: {  	_ =	swait.ge [sflag:s26], $0x2000  }
0xf0: {  	[sflag:s26] =	ssyncset.done $0x0  }
0xf1: {  	[sflag:s26] =	ssyncadd.s32 $0xFFFFE000  }
0xf2: {  	[spmem:s2] =	stream.indirect.scatter.add.f32 [tilespmem:s18], [sflag:$0x5], $0x80, s0, s28, $0x2000b8;
	[tilespmem:$0x1E800] =	vst v63  }
0xf3: {  	_ =	swait.ge [sflag:s29], $0x4000  }
0xf4: {  	[sflag:s29] =	ssyncset.done $0x0  }
0xf5: {  	[sflag:s29] =	ssyncadd.s32 $0xFFFFC000  }
0xf6: {  	_ =	swait.ge [sflag:s30], $0x2000  }
0xf7: {  	[sflag:s30] =	ssyncset.done $0x0  }
0xf8: {  	[sflag:s30] =	ssyncadd.s32 $0xFFFFE000  }
0xf9: {  	_ =	swait.ge [sflag:s31], $0x2000  }
0xfa: {  	[sflag:s31] =	ssyncset.done $0x0  }
0xfb: {  	[sflag:s31] =	ssyncadd.s32 $0xFFFFE000  }
0xfc: {  	[spmem:s2] =	stream.indirect.scatter.add.f32 [tilespmem:s22], [sflag:$0x5], $0x80, s1, s28, $0x2000b8;
	[tilespmem:$0x1E800] =	vst v63  }
0xfd: {  	_ =	swait.ge [sflag:s29], $0x4000  }
0xfe: {  	[sflag:s29] =	ssyncset.done $0x0  }
0xff: {  	[sflag:s29] =	ssyncadd.s32 $0xFFFFC000  }
0x100: {  	_ =	strace $0x9000004F  }
0x101: {  	s3 =	sadd.s32 $0x1, s3;
	_ =	strace $0x80000050  }
0x102: {  	p0 =	sne.s32 s3, s11;
	[bflag:$0x0] =	sbarrier.arrive $0xFFFF  }
0x103: {  	[hbm:s10], [sflag:s12] =	dma.local [spmem:s13], $0x2800  }
.Ltmp4:
0x104: {  	_ = 	snop;
	(pc) =	sbr.rel @p0 .LBB2_1-.Ltmp4, $4  }
0x105: {  	_ =	swait.ge [sflag:s14], $0x2800  }
0x106: {  	[sflag:s14] =	ssyncset.done $0x0  }
0x107: {  	[sflag:s14] =	ssyncadd.s32 $0xFFFFD800  }
0x108: {  	_ =	strace $0x90000050  }
0x109: {  	_ =	sfence.sel $0x180000  }
0x10a: {  	[bflag:$0x0] =	sbarrier.arrive $0xFFFF  }
0x10b: {  	_ =	strace $0x9000004A  }
0x10c: {  	s0 =	stileid.u32;
	[bflag:$0x2] =	sbarrier.arrive $0xFFFF  }
0x10d: {  	p0 =	sne.s32 s0, $0x0;
	s0 =	rddreg [dreg:$0x3]  }
0x10e: {  	s0 =	sadd.s32 @!p0 $0x100000, s0  }
0x10f: {  	[sflag:s0] =	ssyncadd.tile.s32 @!p0 $0x1;
	_ =	shalt  }
.Lfunc_end2:
_tile_overlayer_lowered:
.L_overlay_start_2:
0x110: {  	(tag) =	ssettag $0x2  }
0x111: {  	s0 =	rddreg [dreg:$0x0];
	s2 =	stileid.u32  }
0x112: {  	s1 =	rddreg [dreg:$0x1];
	p0 =	sne.s32 s2, $0x0  }
0x113: {  	s3 =	rddreg [dreg:$0x2];
	[bflag:$0x3] =	sbarrier.arrive $0xFFFF;
	s2 =	simm.s32 @!p0 $0x1C06  }
0x114: {  	[timem:s3], [sflag:s2] =	dma.local @!p0 [hbm:s0], s1  }
0x115: {  	s0 =	simm.s32 @!p0 $0x6  }
0x116: {  	_ =	swait.ge @!p0 [sflag:s0], s1  }
0x117: {  	s1 =	ssub.s32 @!p0 $0x0, s1;
	[sflag:s0] =	ssyncset.done @!p0 $0x0  }
0x118: {  	[sflag:s0] =	ssyncadd.s32 @!p0 s1  }
0x119: {  	[bflag:$0x3] =	sbarrier.arrive $0xFFFF  }
0x11a: {  	_ =	shalt  }

// kernel: kernel.14.cloned.1.call-start
scs
__scs_entry_jumppad:
0x0: {  	(pc) =	sbr.rel $0x88, $3  }
0x1: {  	(tag) =	ssettag $0x0;
	lr =	simm.s32 $0x1  }
0x2: {  	[smem:$0x3F9B] =	sst lr;
	_ =	strace $0xD0000000  }
0x3: {  	_ = 	snop  }
0x4: {  	_ = 	snop  }
0x5: {  	_ = 	snop  }
0x6: {  	_ = 	snop  }
0x7: {  	_ = 	snop  }
__scs_overlays_trampoline_lowered:
0x8: {  	[smem:$0x3FAA] =	sst s0  }
0x9: {  	[smem:$0x3FAB] =	sst s1  }
0xa: {  	[smem:$0x3FAC] =	sst s2  }
0xb: {  	[smem:$0x3FAD] =	sst s3  }
0xc: {  	[smem:$0x3FAE] =	sst s4  }
0xd: {  	[smem:$0x3FAF] =	sst s5  }
0xe: {  	[smem:$0x3FB0] =	sst s6  }
0xf: {  	[smem:$0x3FB1] =	sst s7  }
0x10: {  	[smem:$0x3FB2] =	sst s8  }
0x11: {  	[smem:$0x3FB3] =	sst s9;
	s0 =	simm.s32 @!p0 $0x0  }
0x12: {  	s1 =	sld [smem:$0x3F99];
	s0 =	simm.s32 @p0 $0x1  }
0x13: {  	[smem:$0x3FB4] =	sst s0;
	s0 =	simm.s32 @!p1 $0x0  }
0x14: {  	s2 =	sld [smem:$0x3F98];
	s0 =	simm.s32 @p1 $0x1  }
0x15: {  	[smem:$0x3FB5] =	sst s0;
	s0 =	simm.s32 @!p2 $0x0  }
0x16: {  	s3 =	sld [smem:$0x3FDB];
	s0 =	simm.s32 @p2 $0x1  }
0x17: {  	s4 =	simm.s32 $0x1BF5;
	[smem:$0x3FB7] =	sst s0  }
0x18: {  	s0 =	sld [smem:$0x3F9A];
	_ =	swait.ge [sflag:s4], $0x0  }
0x19: {  	s7 =	sld [smem:$0x3F9B]  }
0x1a: {  	s8 =	sadd.s32 $0xFFFFE003, lr  }
0x1b: {  	s9 =	sadd.s32 $0xFFFFFEF7, lr;
	s5 =	simm.s32 $0xFFFFFFFF;
	p2 =	slt.u32 s8, $0xFFFFF086  }
0x1c: {  	p1 =	slt.u32 s9, $0xF7A;
	s5 =	simm.s32 @!p2 $0x0  }
0x1d: {  	s5 =	simm.s32 @p1 $0x1;
	p0 =	seq.s32 s7, s2  }
0x1e: {  	s7 =	smul.u32 @!p0 $0xF7A, s2;
	p2 =	seq.s32 @!p0 s5, $0x0  }
0x1f: {  	s9 =	smul.u32 $0xF7A, s1;
	s8 =	simm.s32 @!p0 $0x1BF5;
	p2 =	por !p2, p0  }
0x20: {  	[sflag:s8] =	ssyncset.s32 @!p0 $0xFFFFF086;
	s6 =	sadd.s32 @!p0 s3, s7;
	s7 =	simm.s32 @!p0 $0x108  }
0x21: {  	s3 =	sadd.s32 s3, s9;
	s6 =	sadd.s32 @!p0 $0x88, s6;
	s7 =	simm.s32 @p2 $0x1082  }
0x22: {  	[simem:s7], [sflag:s8] =	dma.local @!p0 [hbm:s6], $0xF7A  }
0x23: {  	s9 =	sor.u32 $0xD0000000, s2;
	s6 =	simm.s32 $0x108;
	_ =	swait.ge @!p0 [sflag:s8], $0x0  }
0x24: {  	s3 =	sadd.s32 $0x88, s3;
	s6 =	simm.s32 @!p1 $0x1082;
	[sflag:s4] =	ssyncset.s32 $0xFFFFF086  }
0x25: {  	[simem:s6], [sflag:s4] =	dma.local [hbm:s3], $0xF7A  }
0x26: {  	[smem:$0x3F9B] =	sst s1;
	(tag) =	ssettag s2;
	_ =	strace s9  }
0x27: {  	s1 =	sld [smem:$0x3FAB]  }
0x28: {  	s2 =	sld [smem:$0x3FAC]  }
0x29: {  	s4 =	sld [smem:$0x3FAE]  }
0x2a: {  	p0 =	seq.s32 s5, $0x0;
	s5 =	sld [smem:$0x3FAF]  }
0x2b: {  	s6 =	sld [smem:$0x3FB0]  }
0x2c: {  	s7 =	sld [smem:$0x3FB1]  }
0x2d: {  	s3 =	simm.s32 $0x108;
	s8 =	sld [smem:$0x3FB2]  }
0x2e: {  	s3 =	simm.s32 @!p0 $0x1082;
	s9 =	sld [smem:$0x3FB3]  }
0x2f: {  	lr =	sadd.s32 s0, s3;
	s0 =	sld [smem:$0x3FAA]  }
0x30: {  	s3 =	sld [smem:$0x3FAD]  }
0x31: {  	[smem:$0x3FB6] =	sst s10  }
0x32: {  	s10 =	sld [smem:$0x3FB4];
	_ =	sdelay $0x3  }
0x33: {  	p0 =	seq.s32 s10, $0x1;
	s10 =	sld [smem:$0x3FB6];
	_ =	sdelay $0x3  }
0x34: {  	[smem:$0x3FB6] =	sst s10  }
0x35: {  	s10 =	sld [smem:$0x3FB5];
	_ =	sdelay $0x3  }
0x36: {  	p1 =	seq.s32 s10, $0x1;
	s10 =	sld [smem:$0x3FB6];
	_ =	sdelay $0x3  }
0x37: {  	[smem:$0x3FB6] =	sst s10  }
0x38: {  	s10 =	sld [smem:$0x3FB7]  }
0x39: {  	_ = 	snop;
	(pc) =	sbr.ind lr, $3  }
0x3a: {  	_ = 	snop  }
0x3b: {  	_ = 	snop  }
0x3c: {  	p2 =	seq.s32 s10, $0x1;
	s10 =	sld [smem:$0x3FB6]  }
0x3d: {  	_ =	shalt  }
0x3e: {  	_ =	shalt  }
0x3f: {  	_ =	shalt  }
0x40: {  	_ =	shalt  }
0x41: {  	_ =	shalt  }
0x42: {  	_ =	shalt  }
0x43: {  	_ =	shalt  }
0x44: {  	_ =	shalt  }
0x45: {  	_ =	shalt  }
0x46: {  	_ =	shalt  }
0x47: {  	_ =	shalt  }
0x48: {  	_ =	shalt  }
0x49: {  	_ =	shalt  }
0x4a: {  	_ =	shalt  }
0x4b: {  	_ =	shalt  }
0x4c: {  	_ =	shalt  }
0x4d: {  	_ =	shalt  }
0x4e: {  	_ =	shalt  }
0x4f: {  	_ =	shalt  }
0x50: {  	_ =	shalt  }
0x51: {  	_ =	shalt  }
0x52: {  	_ =	shalt  }
0x53: {  	_ =	shalt  }
0x54: {  	_ =	shalt  }
0x55: {  	_ =	shalt  }
0x56: {  	_ =	shalt  }
0x57: {  	_ =	shalt  }
0x58: {  	_ =	shalt  }
0x59: {  	_ =	shalt  }
0x5a: {  	_ =	shalt  }
0x5b: {  	_ =	shalt  }
0x5c: {  	_ =	shalt  }
0x5d: {  	_ =	shalt  }
0x5e: {  	_ =	shalt  }
0x5f: {  	_ =	shalt  }
0x60: {  	_ =	shalt  }
0x61: {  	_ =	shalt  }
0x62: {  	_ =	shalt  }
0x63: {  	_ =	shalt  }
0x64: {  	_ =	shalt  }
0x65: {  	_ =	shalt  }
0x66: {  	_ =	shalt  }
0x67: {  	_ =	shalt  }
0x68: {  	_ =	shalt  }
0x69: {  	_ =	shalt  }
0x6a: {  	_ =	shalt  }
0x6b: {  	_ =	shalt  }
0x6c: {  	_ =	shalt  }
0x6d: {  	_ =	shalt  }
0x6e: {  	_ =	shalt  }
0x6f: {  	_ =	shalt  }
0x70: {  	_ =	shalt  }
0x71: {  	_ =	shalt  }
0x72: {  	_ =	shalt  }
0x73: {  	_ =	shalt  }
0x74: {  	_ =	shalt  }
0x75: {  	_ =	shalt  }
0x76: {  	_ =	shalt  }
0x77: {  	_ =	shalt  }
0x78: {  	_ =	shalt  }
0x79: {  	_ =	shalt  }
0x7a: {  	_ =	shalt  }
0x7b: {  	_ =	shalt  }
0x7c: {  	_ =	shalt  }
0x7d: {  	_ =	shalt  }
0x7e: {  	_ =	shalt  }
0x7f: {  	_ =	shalt  }
0x80: {  	_ =	shalt  }
0x81: {  	_ =	shalt  }
0x82: {  	_ =	shalt  }
0x83: {  	_ =	shalt  }
0x84: {  	_ =	shalt  }
0x85: {  	_ =	shalt  }
0x86: {  	_ =	shalt  }
0x87: {  	_ =	shalt  }
.Lfunc_end0:
.L_simem_size_0:
called_computation.2_lowered:
.L_overlay_start_0:
0x88: {  	s2 =	sld [smem:$0x3FD9]  }
0x89: {  	s3 =	sld [smem:$0x3FFE];
	_ =	sdelay $0x1  }
0x8a: {  	s1 =	srdreg.scid  }
0x8b: {  	s0 =	sand.u32 $0x1, s1  }
0x8c: {  	s17 =	sshll.u32 s0, $0xA;
	s2 =	sadd.s32 s3, s2  }
0x8d: {  	s2 =	sadd.s32 s2, s17  }
0x8e: {  	[smem:$0x3FC2] =	sst s2  }
0x8f: {  	_ = 	snop  }
0x90: {  	s2 =	sld [smem:$0x3FD0];
	(tm) =	ssettm $0x1  }
0x91: {  	s18 =	sld [smem:$0x3FFB];
	_ =	sdelay $0x3  }
0x92: {  	_ =	strace s18  }
0x93: {  	s3 =	sld [smem:$0x3FFC];
	_ =	sdelay $0x3  }
0x94: {  	_ =	strace s3  }
0x95: {  	s3 =	sld [smem:$0x3FFD];
	_ =	sdelay $0x3  }
0x96: {  	_ =	strace s3  }
0x97: {  	_ =	strace $0x8FFFFFFF  }
0x98: {  	s19 =	sld [smem:$0x3FDB];
	_ =	sdelay $0x1  }
0x99: {  	s4 =	simm.s32 $_scs_section_size  }
0x9a: {  	s5 =	simm.s32 $_size__tile_overlayer_lowered;
	s6 =	simm.s32 $_tile_overlayer_lowered  }
0x9b: {  	s22 =	simm.s32 $0x1BFF;
	s21 =	sshll.u32 s6, $0x1;
	s3 =	sadd.s32 s4, s19  }
0x9c: {  	s7 =	simm.s32 $0x0;
	s20 =	sshll.u32 s5, $0x1;
	s5 =	sadd.s32 s21, s3  }
0x9d: {  	[timem:s7], [sflag:s22] =	dma.local [hbm:s5], s20  }
0x9e: {  	_ =	swait.ge [sflag:s22], s20  }
0x9f: {  	s4 =	ssub.s32 $0x0, s20;
	[sflag:s22] =	ssyncset.done $0x0  }
0xa0: {  	[sflag:s22] =	ssyncadd.s32 s4;
	_ =	sdelay $0x1  }
0xa1: {  	s23 =	simm.s32 $0x1B8B  }
0xa2: {  	_ =	swait.ge [sflag:s23], $0x1  }
0xa3: {  	[sflag:s23] =	ssyncset.done $0x0  }
0xa4: {  	s25 =	simm.s32 $0x1B8E;
	s24 =	sld [smem:$0x3FFE];
	[sflag:s23] =	ssyncadd.s32 $0xFFFFFFFF  }
0xa5: {  	s26 =	simm.s32 $execute0_lowered;
	[smem:$0x3FD2] =	sst s25  }
0xa6: {  	s5 =	sshll.u32 s26, $0x1;
	_ =	strace $0x80000052;
	[dreg:$0x1] =	wrdreg $0xFFFFFFFF  }
0xa7: {  	s28 =	simm.s32 $_size_execute0_lowered;
	s3 =	sadd.s32 s3, s5;
	[dreg:$0x0] =	wrdreg $0x0  }
0xa8: {  	s5 =	sshll.u32 s28, $0x1;
	[dreg:$0x2] =	wrdreg s3  }
0xa9: {  	[dreg:$0x3] =	wrdreg s5  }
0xaa: {  	[dreg:$0x4] =	wrdreg $0xC0  }
0xab: {  	_ =	task [dreg:s7], $0x5FFFF  }
0xac: {  	[dreg:$0x1] =	wrdreg $0xFFFFFFFF  }
0xad: {  	[dreg:$0x0] =	wrdreg $0x60  }
0xae: {  	[dreg:$0x2] =	wrdreg s24  }
0xaf: {  	[dreg:$0x3] =	wrdreg s2  }
0xb0: {  	[dreg:$0x4] =	wrdreg $0x0  }
0xb1: {  	[dreg:$0x5] =	wrdreg $0x9  }
0xb2: {  	_ =	task.clear_ibuf [dreg:s7], $0x6FFFF;
	_ =	strace $0x90000052  }
0xb3: {  	s29 =	simm.s32 $0x9;
	_ =	strace $0x80000058  }
0xb4: {  	_ =	swait.ge [sflag:s29], $0x1  }
0xb5: {  	[sflag:s29] =	ssyncadd.s32 $0xFFFFFFFF  }
0xb6: {  	_ =	strace $0x90000058  }
0xb7: {  	_ =	sfence  }
0xb8: {  	s30 =	sld [smem:$0x0];
	_ =	sdelay $0x2  }
0xb9: {  	s31 =	sshll.u32 s1, $0xD;
	s1 =	sshrl.u32 s1, $0x2  }
0xba: {  	s3 =	sand.u32 $0x4000, s31;
	s1 =	sadd.s32 s1, s30  }
0xbb: {  	s0 =	sor.u32 s3, s0;
	s1 =	sshll.u32 s1, $0x11  }
0xbc: {  	s0 =	sor.u32 s1, s0  }
0xbd: {  	s0 =	sadd.s32 $0x8F2B, s0  }
0xbe: {  	[sflag:s0] =	ssyncadd.remote.s32 $0x1  }
0xbf: {  	_ =	sfence.sel $0xFFFF  }
0xc0: {  	[dreg:$0x0] =	wrdreg $0xFFFFFFFF;
	(pc) =	sbr.abs _section_cstart, $3  }
0xc1: {  	[dreg:$0x1] =	wrdreg $0xFFFFFFFF  }
0xc2: {  	_ =	task.clear_ibuf [dreg:s7], $0x2FFFF;
	_ =	strace $0x9FFFFFFF  }
0xc3: {  	(tm) =	ssettm $0x7FFFFFFF  }
tec
execute0_lowered:
.L_overlay_start_1:
0x0: {  	(tag) =	ssettag $0x1  }
0x1: {  	s0 =	rddreg [dreg:$0x0]  }
0x2: {  	s1 =	rddreg [dreg:$0x1]  }
0x3: {  	s2 =	rddreg [dreg:$0x2]  }
0x4: {  	s12 =	stileid.u32;
	s4 =	srdreg.scid  }
0x5: {  	s3 =	simm.s32 $0x0;
	s13 =	simm.s32 $0x14000;
	s15 =	simm.s32 $0x40  }
0x6: {  	s16 =	simm.s32 $0x16800;
	s18 =	simm.s32 $0x18800;
	s19 =	simm.s32 $0x14080  }
0x7: {  	s20 =	simm.s32 $0x1A800;
	s21 =	simm.s32 $0x140C0;
	s22 =	simm.s32 $0x1C800  }
0x8: {  	s23 =	simm.s32 $0x1;
	s28 =	simm.s32 $0x2;
	s29 =	simm.s32 $0x4  }
0x9: {  	s30 =	simm.s32 $0x16700;
	s31 =	simm.s32 $0x16780;
	s24 =	smul.u32 $0x280, s12  }
0xa: {  	s5 =	sand.u32 $0x1, s4;
	[smem:$0x7FF] =	sst s3;
	s6 =	smul.u32 $0x2800, s12  }
0xb: {  	s9 =	smul.u32 $0x50000, s12;
	s4 =	sadd.s32 $0x29E00, s0;
	s26 =	sshll.u32 s12, $0x6  }
0xc: {  	s14 =	smul.u32 $0x2800, s5;
	_ =	strace $0x80000053;
	s7 =	sshll.u32 s5, $0x4  }
0xd: {  	s5 =	ssub.s32 $0x2, s5;
	s7 =	sor.u32 s12, s7;
	s6 =	sadd.s32 s6, s0  }
0xe: {  	s25 =	sshrl.u32 s5, $0x1;
	s9 =	sshrl.u32 s9, $0x2;
	s12 =	simm.s32 $0x6  }
0xf: {  	s8 =	sadd.s32 s24, s14;
	s7 =	smul.u32 $0x1400, s7;
	s10 =	ssub.s32 s5, s25  }
0x10: {  	s11 =	sadd.s32 s9, s2;
	s6 =	sadd.s32 $0x1E00, s6;
	s24 =	simm.s32 $0x3  }
0x11: {  	s25 =	simm.s32 $0x80;
	s8 =	sshll.u32 s8, $0x4;
	s9 =	smax.u32 s10, $0x1  }
0x12: {  	s10 =	sor.u32 $0x1C06, s26;
	s11 =	sshrl.u32 s11, $0x3;
	s7 =	sshrl.u32 s7, $0x3  }
0x13: {  	s26 =	simm.s32 $0x5;
	s0 =	sadd.s32 s8, s0;
	s5 =	sadd.s32 s1, s7  }
0x14: {  	v0 =	vmov s14;
	s8 =	sadd.s32 $0x79E00, s0;
	s0 =	simm.s32 $0x0;
	s7 =	sadd.s32 $0x5000, s5  }
.LBB2_1:
0x15: {  	_ =	strace $0x80000054  }
0x16: {  	[spmem:s11], [sflag:s10] =	dma.local [hbm:s6], $0x2800  }
0x17: {  	_ =	swait.ge [sflag:s12], $0x2800  }
0x18: {  	[sflag:s12] =	ssyncset.done $0x0  }
0x19: {  	[sflag:s12] =	ssyncadd.s32 $0xFFFFD800  }
0x1a: {  	[bflag:$0x0] =	sbarrier.arrive $0xFFFF  }
0x1b: {  	_ =	strace $0x90000054  }
0x1c: {  	_ =	strace $0x80000055  }
0x1d: {  	[tilespmem:s13], [sflag:$0x6] =	stream.linear.gather [hbm4b:s5+s3], $0x1400, $0x200038;
	[tilespmem:$0x1E800] =	vst v63  }
0x1e: {  	_ =	swait.ge [sflag:s12], $0x1400  }
0x1f: {  	[sflag:s12] =	ssyncset.done $0x0  }
0x20: {  	s1 =	simm.s32 $0x15400;
	[sflag:s12] =	ssyncadd.s32 $0xFFFFEC00  }
0x21: {  	[tilespmem:s1], [sflag:$0x6] =	stream.linear.gather [hbm4b:s7+s3], $0x1400, $0x200038;
	[tilespmem:$0x1E800] =	vst v63  }
0x22: {  	_ =	swait.ge [sflag:s12], $0x1400  }
0x23: {  	[sflag:s12] =	ssyncset.done $0x0  }
0x24: {  	[sflag:s12] =	ssyncadd.s32 $0xFFFFEC00  }
0x25: {  	s1 =	simm.s32 $0x0;
	_ =	strace $0x90000055  }
0x26: {  	v3 =	vld [tilespmem:s1+$0x14000]  }
0x27: {  	v5 =	vld [tilespmem:s1+$0x14010]  }
0x28: {  	v4 =	vld [tilespmem:s1+$0x14020]  }
0x29: {  	v2 =	vld [tilespmem:s1+$0x14030]  }
0x2a: {  	v1 =	vld [tilespmem:s1+$0x14040]  }
0x2b: {  	v6 =	vadd.s32 v0, v3;
	v3 =	vld [tilespmem:s1+$0x14050]  }
0x2c: {  	s14 =	simm.s32 $0x200;
	[tilespmem:s1+$0x14000] =	vst v6;
	v6 =	vadd.s32 v0, v5;
	v5 =	vld [tilespmem:s1+$0x14060]  }
.LBB2_2:
0x2d: {  	s17 =	sshra.s32 s14, $0x2;
	p0 =	sne.s32 s14, $0x4E00;
	[tilespmem:s1+$0x14010] =	vst v6;
	v4 =	vadd.s32 v0, v4;
	v6 =	vld [tilespmem:s1+$0x14070]  }
0x2e: {  	v7 =	vld [tilespmem:s17+$0x14000];
	[tilespmem:s1+$0x14020] =	vst v4;
	v2 =	vadd.s32 v0, v2  }
0x2f: {  	v8 =	vld [tilespmem:s17+$0x14010];
	[tilespmem:s1+$0x14030] =	vst v2;
	v1 =	vadd.s32 v0, v1  }
.Ltmp0:
0x30: {  	v4 =	vld [tilespmem:s17+$0x14020];
	[tilespmem:s1+$0x14040] =	vst v1;
	v1 =	vadd.s32 v0, v3;
	(pc) =	sbr.rel @p0 .LBB2_2-.Ltmp0, $4  }
0x31: {  	v2 =	vld [tilespmem:s17+$0x14030];
	[tilespmem:s1+$0x14050] =	vst v1;
	v3 =	vadd.s32 v0, v5  }
0x32: {  	v1 =	vld [tilespmem:s17+$0x14040];
	[tilespmem:s1+$0x14060] =	vst v3;
	v5 =	vadd.s32 v0, v6  }
0x33: {  	v6 =	vadd.s32 v0, v7;
	v3 =	vld [tilespmem:s17+$0x14050];
	[tilespmem:s1+$0x14070] =	vst v5;
	s1 =	smov.u32 s17  }
0x34: {  	s14 =	sadd.s32 $0x200, s14;
	[tilespmem:s1+$0x14000] =	vst v6;
	v6 =	vadd.s32 v0, v8;
	v5 =	vld [tilespmem:s1+$0x14060]  }
0x35: {  	[tilespmem:s1+$0x14010] =	vst v6;
	v4 =	vadd.s32 v0, v4;
	v63 =	vld [tilespmem:s1+$0x14070]  }
0x36: {  	[tilespmem:s1+$0x14020] =	vst v4;
	v2 =	vadd.s32 v0, v2  }
0x37: {  	[tilespmem:s1+$0x14030] =	vst v2;
	v1 =	vadd.s32 v0, v1  }
0x38: {  	[tilespmem:s1+$0x14040] =	vst v1;
	v1 =	vadd.s32 v0, v3  }
0x39: {  	[tilespmem:s1+$0x14050] =	vst v1;
	v1 =	vadd.s32 v0, v5  }
0x3a: {  	[tilespmem:s1+$0x14060] =	vst v1;
	v1 =	vadd.s32 v0, v63  }
0x3b: {  	[tilespmem:s1+$0x14070] =	vst v1  }
0x3c: {  	[tilespmem:s16], [sflag:$0x1] =	stream.indirect.gather [hbm4b:s4+s15], $0x80, s13, s15, $0xb8;
	[tilespmem:$0x1E800] =	vst v63  }
0x3d: {  	s14 =	simm.s32 $0x14040  }
0x3e: {  	[tilespmem:s18], [sflag:$0x3] =	stream.indirect.gather [hbm4b:s4+s15], $0x80, s14, s15, $0xb8;
	[tilespmem:$0x1E800] =	vst v63  }
0x3f: {  	_ = 	snop  }
0x40: {  	[tilespmem:s20], [sflag:$0x2] =	stream.indirect.gather [hbm4b:s4+s15], $0x80, s19, s15, $0xb8;
	[tilespmem:$0x1E800] =	vst v63  }
0x41: {  	_ = 	snop  }
0x42: {  	[tilespmem:s22], [sflag:$0x4] =	stream.indirect.gather [hbm4b:s4+s15], $0x80, s21, s15, $0xb8;
	[tilespmem:$0x1E800] =	vst v63  }
0x43: {  	_ =	strace $0x80000056  }
0x44: {  	_ =	swait.ge [sflag:s23], $0x2000  }
0x45: {  	[sflag:s23] =	ssyncset.done $0x0  }
0x46: {  	[sflag:s23] =	ssyncadd.s32 $0xFFFFE000  }
0x47: {  	_ =	swait.ge [sflag:s24], $0x2000  }
0x48: {  	[sflag:s24] =	ssyncset.done $0x0  }
0x49: {  	s17 =	simm.s32 $0x15400;
	[sflag:s24] =	ssyncadd.s32 $0xFFFFE000  }
0x4a: {  	[spmem:s2] =	stream.indirect.scatter.add.f32 [tilespmem:s16], [sflag:$0x5], $0x80, s17, s25, $0x2000b8;
	[tilespmem:$0x1E800] =	vst v63  }
0x4b: {  	_ =	swait.ge [sflag:s26], $0x4000  }
0x4c: {  	[sflag:s26] =	ssyncset.done $0x0  }
0x4d: {  	s14 =	simm.s32 $0x14100;
	[sflag:s26] =	ssyncadd.s32 $0xFFFFC000  }
0x4e: {  	[tilespmem:s16], [sflag:$0x1] =	stream.indirect.gather [hbm4b:s4+s15], $0x80, s14, s15, $0x2000b8;
	[tilespmem:$0x1E800] =	vst v63  }
0x4f: {  	s17 =	simm.s32 $0x14140  }
0x50: {  	[tilespmem:s18], [sflag:$0x3] =	stream.indirect.gather [hbm4b:s4+s15], $0x80, s17, s15, $0x2000b8;
	[tilespmem:$0x1E800] =	vst v63  }
0x51: {  	_ =	swait.ge [sflag:s28], $0x2000  }
0x52: {  	[sflag:s28] =	ssyncset.done $0x0  }
0x53: {  	[sflag:s28] =	ssyncadd.s32 $0xFFFFE000  }
0x54: {  	_ =	swait.ge [sflag:s29], $0x2000  }
0x55: {  	[sflag:s29] =	ssyncset.done $0x0  }
0x56: {  	s14 =	simm.s32 $0x15480;
	[sflag:s29] =	ssyncadd.s32 $0xFFFFE000  }
0x57: {  	[spmem:s2] =	stream.indirect.scatter.add.f32 [tilespmem:s20], [sflag:$0x5], $0x80, s14, s25, $0x2000b8;
	[tilespmem:$0x1E800] =	vst v63  }
0x58: {  	_ =	swait.ge [sflag:s26], $0x4000  }
0x59: {  	s1 =	simm.s32 $0x400;
	[sflag:s26] =	ssyncset.done $0x0  }
0x5a: {  	s17 =	simm.s32 $0x14180;
	s14 =	simm.s32 $0x141C0;
	[sflag:s26] =	ssyncadd.s32 $0xFFFFC000  }
0x5b: {  	[tilespmem:s20], [sflag:$0x2] =	stream.indirect.gather [hbm4b:s4+s15], $0x80, s17, s15, $0x2000b8;
	[tilespmem:$0x1E800] =	vst v63  }
.LBB2_4:
0x5c: {  	[tilespmem:s22], [sflag:$0x4] =	stream.indirect.gather [hbm4b:s4+s15], $0x80, s14, s15, $0x2000b8;
	[tilespmem:$0x1E800] =	vst v63  }
0x5d: {  	s14 =	smov.u32 s1  }
0x5e: {  	p0 =	sne.s32 s1, $0x4800;
	s1 =	sadd.s32 $0x400, s1;
	_ =	swait.ge [sflag:s23], $0x2000  }
0x5f: {  	[sflag:s23] =	ssyncset.done $0x0  }
0x60: {  	[sflag:s23] =	ssyncadd.s32 $0xFFFFE000  }
0x61: {  	_ =	swait.ge [sflag:s24], $0x2000  }
0x62: {  	s14 =	sshra.s32 s14, $0x2;
	[sflag:s24] =	ssyncset.done $0x0  }
0x63: {  	s17 =	sadd.s32 $0x15400, s14;
	[sflag:s24] =	ssyncadd.s32 $0xFFFFE000  }
0x64: {  	[spmem:s2] =	stream.indirect.scatter.add.f32 [tilespmem:s16], [sflag:$0x5], $0x80, s17, s25, $0x2000b8;
	[tilespmem:$0x1E800] =	vst v63  }
0x65: {  	_ =	swait.ge [sflag:s26], $0x4000  }
0x66: {  	[sflag:s26] =	ssyncset.done $0x0  }
0x67: {  	s17 =	sadd.s32 $0x14100, s14;
	[sflag:s26] =	ssyncadd.s32 $0xFFFFC000  }
0x68: {  	[tilespmem:s16], [sflag:$0x1] =	stream.indirect.gather [hbm4b:s4+s15], $0x80, s17, s15, $0x2000b8;
	[tilespmem:$0x1E800] =	vst v63  }
0x69: {  	s17 =	sadd.s32 $0x14140, s14  }
0x6a: {  	[tilespmem:s18], [sflag:$0x3] =	stream.indirect.gather [hbm4b:s4+s15], $0x80, s17, s15, $0x2000b8;
	[tilespmem:$0x1E800] =	vst v63  }
0x6b: {  	_ =	swait.ge [sflag:s28], $0x2000  }
0x6c: {  	[sflag:s28] =	ssyncset.done $0x0  }
0x6d: {  	[sflag:s28] =	ssyncadd.s32 $0xFFFFE000  }
0x6e: {  	_ =	swait.ge [sflag:s29], $0x2000  }
0x6f: {  	[sflag:s29] =	ssyncset.done $0x0  }
0x70: {  	s17 =	sadd.s32 $0x15480, s14;
	[sflag:s29] =	ssyncadd.s32 $0xFFFFE000  }
0x71: {  	[spmem:s2] =	stream.indirect.scatter.add.f32 [tilespmem:s20], [sflag:$0x5], $0x80, s17, s25, $0x2000b8;
	[tilespmem:$0x1E800] =	vst v63  }
.Ltmp1:
0x72: {  	_ =	swait.ge [sflag:s26], $0x4000;
	(pc) =	sbr.rel @p0 .LBB2_4-.Ltmp1, $4  }
0x73: {  	[sflag:s26] =	ssyncset.done $0x0  }
0x74: {  	s17 =	sadd.s32 $0x14180, s14;
	[sflag:s26] =	ssyncadd.s32 $0xFFFFC000  }
0x75: {  	[tilespmem:s20], [sflag:$0x2] =	stream.indirect.gather [hbm4b:s4+s15], $0x80, s17, s15, $0x2000b8;
	[tilespmem:$0x1E800] =	vst v63  }
0x76: {  	s14 =	sadd.s32 $0x141C0, s14  }
0x77: {  	[tilespmem:s22], [sflag:$0x4] =	stream.indirect.gather [hbm4b:s4+s15], $0x80, s14, s15, $0x2000b8;
	[tilespmem:$0x1E800] =	vst v63  }
0x78: {  	_ =	swait.ge [sflag:s23], $0x2000  }
0x79: {  	[sflag:s23] =	ssyncset.done $0x0  }
0x7a: {  	[sflag:s23] =	ssyncadd.s32 $0xFFFFE000  }
0x7b: {  	_ =	swait.ge [sflag:s24], $0x2000  }
0x7c: {  	[sflag:s24] =	ssyncset.done $0x0  }
0x7d: {  	[sflag:s24] =	ssyncadd.s32 $0xFFFFE000  }
0x7e: {  	[spmem:s2] =	stream.indirect.scatter.add.f32 [tilespmem:s16], [sflag:$0x5], $0x80, s30, s25, $0x2000b8;
	[tilespmem:$0x1E800] =	vst v63  }
0x7f: {  	_ =	swait.ge [sflag:s26], $0x4000  }
0x80: {  	[sflag:s26] =	ssyncset.done $0x0  }
0x81: {  	[sflag:s26] =	ssyncadd.s32 $0xFFFFC000  }
0x82: {  	_ =	swait.ge [sflag:s28], $0x2000  }
0x83: {  	[sflag:s28] =	ssyncset.done $0x0  }
0x84: {  	[sflag:s28] =	ssyncadd.s32 $0xFFFFE000  }
0x85: {  	_ =	swait.ge [sflag:s29], $0x2000  }
0x86: {  	[sflag:s29] =	ssyncset.done $0x0  }
0x87: {  	[sflag:s29] =	ssyncadd.s32 $0xFFFFE000  }
0x88: {  	[spmem:s2] =	stream.indirect.scatter.add.f32 [tilespmem:s20], [sflag:$0x5], $0x80, s31, s25, $0x2000b8;
	[tilespmem:$0x1E800] =	vst v63  }
0x89: {  	_ =	swait.ge [sflag:s26], $0x4000  }
0x8a: {  	[sflag:s26] =	ssyncset.done $0x0  }
0x8b: {  	[sflag:s26] =	ssyncadd.s32 $0xFFFFC000  }
0x8c: {  	_ =	strace $0x90000056  }
0x8d: {  	s0 =	sadd.s32 $0x1, s0;
	_ =	strace $0x80000057  }
0x8e: {  	p0 =	sne.s32 s0, s9;
	[bflag:$0x0] =	sbarrier.arrive $0xFFFF  }
0x8f: {  	[hbm:s8], [sflag:s10] =	dma.local [spmem:s11], $0x2800  }
.Ltmp2:
0x90: {  	_ = 	snop;
	(pc) =	sbr.rel @p0 .LBB2_1-.Ltmp2, $4  }
0x91: {  	_ =	swait.ge [sflag:s12], $0x2800  }
0x92: {  	[sflag:s12] =	ssyncset.done $0x0  }
0x93: {  	[sflag:s12] =	ssyncadd.s32 $0xFFFFD800  }
0x94: {  	_ =	strace $0x90000057  }
0x95: {  	_ =	sfence.sel $0x180000  }
0x96: {  	[bflag:$0x0] =	sbarrier.arrive $0xFFFF  }
0x97: {  	_ =	strace $0x90000053  }
0x98: {  	s0 =	stileid.u32;
	[bflag:$0x2] =	sbarrier.arrive $0xFFFF  }
0x99: {  	p0 =	sne.s32 s0, $0x0;
	s0 =	rddreg [dreg:$0x3]  }
0x9a: {  	s0 =	sadd.s32 @!p0 $0x100000, s0  }
0x9b: {  	[sflag:s0] =	ssyncadd.tile.s32 @!p0 $0x1;
	_ =	shalt  }
.Lfunc_end2:
_tile_overlayer_lowered:
.L_overlay_start_2:
0x9c: {  	(tag) =	ssettag $0x2  }
0x9d: {  	s0 =	rddreg [dreg:$0x0];
	s2 =	stileid.u32  }
0x9e: {  	s1 =	rddreg [dreg:$0x1];
	p0 =	sne.s32 s2, $0x0  }
0x9f: {  	s3 =	rddreg [dreg:$0x2];
	[bflag:$0x3] =	sbarrier.arrive $0xFFFF;
	s2 =	simm.s32 @!p0 $0x1C06  }
0xa0: {  	[timem:s3], [sflag:s2] =	dma.local @!p0 [hbm:s0], s1  }
0xa1: {  	s0 =	simm.s32 @!p0 $0x6  }
0xa2: {  	_ =	swait.ge @!p0 [sflag:s0], s1  }
0xa3: {  	s1 =	ssub.s32 @!p0 $0x0, s1;
	[sflag:s0] =	ssyncset.done @!p0 $0x0  }
0xa4: {  	[sflag:s0] =	ssyncadd.s32 @!p0 s1  }
0xa5: {  	[bflag:$0x3] =	sbarrier.arrive $0xFFFF  }
0xa6: {  	_ =	shalt  }

// kernel: kernel.8.cloned.1.call-start
scs
__scs_entry_jumppad:
0x0: {  	(pc) =	sbr.rel $0x88, $3  }
0x1: {  	(tag) =	ssettag $0x0;
	lr =	simm.s32 $0x1  }
0x2: {  	[smem:$0x3F9B] =	sst lr;
	_ =	strace $0xD0000000  }
0x3: {  	_ = 	snop  }
0x4: {  	_ = 	snop  }
0x5: {  	_ = 	snop  }
0x6: {  	_ = 	snop  }
0x7: {  	_ = 	snop  }
__scs_overlays_trampoline_lowered:
0x8: {  	[smem:$0x3FAA] =	sst s0  }
0x9: {  	[smem:$0x3FAB] =	sst s1  }
0xa: {  	[smem:$0x3FAC] =	sst s2  }
0xb: {  	[smem:$0x3FAD] =	sst s3  }
0xc: {  	[smem:$0x3FAE] =	sst s4  }
0xd: {  	[smem:$0x3FAF] =	sst s5  }
0xe: {  	[smem:$0x3FB0] =	sst s6  }
0xf: {  	[smem:$0x3FB1] =	sst s7  }
0x10: {  	[smem:$0x3FB2] =	sst s8  }
0x11: {  	[smem:$0x3FB3] =	sst s9;
	s0 =	simm.s32 @!p0 $0x0  }
0x12: {  	s1 =	sld [smem:$0x3F99];
	s0 =	simm.s32 @p0 $0x1  }
0x13: {  	[smem:$0x3FB4] =	sst s0;
	s0 =	simm.s32 @!p1 $0x0  }
0x14: {  	s2 =	sld [smem:$0x3F98];
	s0 =	simm.s32 @p1 $0x1  }
0x15: {  	[smem:$0x3FB5] =	sst s0;
	s0 =	simm.s32 @!p2 $0x0  }
0x16: {  	s3 =	sld [smem:$0x3FDB];
	s0 =	simm.s32 @p2 $0x1  }
0x17: {  	s4 =	simm.s32 $0x1BF5;
	[smem:$0x3FB7] =	sst s0  }
0x18: {  	s0 =	sld [smem:$0x3F9A];
	_ =	swait.ge [sflag:s4], $0x0  }
0x19: {  	s7 =	sld [smem:$0x3F9B]  }
0x1a: {  	s8 =	sadd.s32 $0xFFFFE003, lr  }
0x1b: {  	s9 =	sadd.s32 $0xFFFFFEF7, lr;
	s5 =	simm.s32 $0xFFFFFFFF;
	p2 =	slt.u32 s8, $0xFFFFF086  }
0x1c: {  	p1 =	slt.u32 s9, $0xF7A;
	s5 =	simm.s32 @!p2 $0x0  }
0x1d: {  	s5 =	simm.s32 @p1 $0x1;
	p0 =	seq.s32 s7, s2  }
0x1e: {  	s7 =	smul.u32 @!p0 $0xF7A, s2;
	p2 =	seq.s32 @!p0 s5, $0x0  }
0x1f: {  	s9 =	smul.u32 $0xF7A, s1;
	s8 =	simm.s32 @!p0 $0x1BF5;
	p2 =	por !p2, p0  }
0x20: {  	[sflag:s8] =	ssyncset.s32 @!p0 $0xFFFFF086;
	s6 =	sadd.s32 @!p0 s3, s7;
	s7 =	simm.s32 @!p0 $0x108  }
0x21: {  	s3 =	sadd.s32 s3, s9;
	s6 =	sadd.s32 @!p0 $0x88, s6;
	s7 =	simm.s32 @p2 $0x1082  }
0x22: {  	[simem:s7], [sflag:s8] =	dma.local @!p0 [hbm:s6], $0xF7A  }
0x23: {  	s9 =	sor.u32 $0xD0000000, s2;
	s6 =	simm.s32 $0x108;
	_ =	swait.ge @!p0 [sflag:s8], $0x0  }
0x24: {  	s3 =	sadd.s32 $0x88, s3;
	s6 =	simm.s32 @!p1 $0x1082;
	[sflag:s4] =	ssyncset.s32 $0xFFFFF086  }
0x25: {  	[simem:s6], [sflag:s4] =	dma.local [hbm:s3], $0xF7A  }
0x26: {  	[smem:$0x3F9B] =	sst s1;
	(tag) =	ssettag s2;
	_ =	strace s9  }
0x27: {  	s1 =	sld [smem:$0x3FAB]  }
0x28: {  	s2 =	sld [smem:$0x3FAC]  }
0x29: {  	s4 =	sld [smem:$0x3FAE]  }
0x2a: {  	p0 =	seq.s32 s5, $0x0;
	s5 =	sld [smem:$0x3FAF]  }
0x2b: {  	s6 =	sld [smem:$0x3FB0]  }
0x2c: {  	s7 =	sld [smem:$0x3FB1]  }
0x2d: {  	s3 =	simm.s32 $0x108;
	s8 =	sld [smem:$0x3FB2]  }
0x2e: {  	s3 =	simm.s32 @!p0 $0x1082;
	s9 =	sld [smem:$0x3FB3]  }
0x2f: {  	lr =	sadd.s32 s0, s3;
	s0 =	sld [smem:$0x3FAA]  }
0x30: {  	s3 =	sld [smem:$0x3FAD]  }
0x31: {  	[smem:$0x3FB6] =	sst s10  }
0x32: {  	s10 =	sld [smem:$0x3FB4];
	_ =	sdelay $0x3  }
0x33: {  	p0 =	seq.s32 s10, $0x1;
	s10 =	sld [smem:$0x3FB6];
	_ =	sdelay $0x3  }
0x34: {  	[smem:$0x3FB6] =	sst s10  }
0x35: {  	s10 =	sld [smem:$0x3FB5];
	_ =	sdelay $0x3  }
0x36: {  	p1 =	seq.s32 s10, $0x1;
	s10 =	sld [smem:$0x3FB6];
	_ =	sdelay $0x3  }
0x37: {  	[smem:$0x3FB6] =	sst s10  }
0x38: {  	s10 =	sld [smem:$0x3FB7]  }
0x39: {  	_ = 	snop;
	(pc) =	sbr.ind lr, $3  }
0x3a: {  	_ = 	snop  }
0x3b: {  	_ = 	snop  }
0x3c: {  	p2 =	seq.s32 s10, $0x1;
	s10 =	sld [smem:$0x3FB6]  }
0x3d: {  	_ =	shalt  }
0x3e: {  	_ =	shalt  }
0x3f: {  	_ =	shalt  }
0x40: {  	_ =	shalt  }
0x41: {  	_ =	shalt  }
0x42: {  	_ =	shalt  }
0x43: {  	_ =	shalt  }
0x44: {  	_ =	shalt  }
0x45: {  	_ =	shalt  }
0x46: {  	_ =	shalt  }
0x47: {  	_ =	shalt  }
0x48: {  	_ =	shalt  }
0x49: {  	_ =	shalt  }
0x4a: {  	_ =	shalt  }
0x4b: {  	_ =	shalt  }
0x4c: {  	_ =	shalt  }
0x4d: {  	_ =	shalt  }
0x4e: {  	_ =	shalt  }
0x4f: {  	_ =	shalt  }
0x50: {  	_ =	shalt  }
0x51: {  	_ =	shalt  }
0x52: {  	_ =	shalt  }
0x53: {  	_ =	shalt  }
0x54: {  	_ =	shalt  }
0x55: {  	_ =	shalt  }
0x56: {  	_ =	shalt  }
0x57: {  	_ =	shalt  }
0x58: {  	_ =	shalt  }
0x59: {  	_ =	shalt  }
0x5a: {  	_ =	shalt  }
0x5b: {  	_ =	shalt  }
0x5c: {  	_ =	shalt  }
0x5d: {  	_ =	shalt  }
0x5e: {  	_ =	shalt  }
0x5f: {  	_ =	shalt  }
0x60: {  	_ =	shalt  }
0x61: {  	_ =	shalt  }
0x62: {  	_ =	shalt  }
0x63: {  	_ =	shalt  }
0x64: {  	_ =	shalt  }
0x65: {  	_ =	shalt  }
0x66: {  	_ =	shalt  }
0x67: {  	_ =	shalt  }
0x68: {  	_ =	shalt  }
0x69: {  	_ =	shalt  }
0x6a: {  	_ =	shalt  }
0x6b: {  	_ =	shalt  }
0x6c: {  	_ =	shalt  }
0x6d: {  	_ =	shalt  }
0x6e: {  	_ =	shalt  }
0x6f: {  	_ =	shalt  }
0x70: {  	_ =	shalt  }
0x71: {  	_ =	shalt  }
0x72: {  	_ =	shalt  }
0x73: {  	_ =	shalt  }
0x74: {  	_ =	shalt  }
0x75: {  	_ =	shalt  }
0x76: {  	_ =	shalt  }
0x77: {  	_ =	shalt  }
0x78: {  	_ =	shalt  }
0x79: {  	_ =	shalt  }
0x7a: {  	_ =	shalt  }
0x7b: {  	_ =	shalt  }
0x7c: {  	_ =	shalt  }
0x7d: {  	_ =	shalt  }
0x7e: {  	_ =	shalt  }
0x7f: {  	_ =	shalt  }
0x80: {  	_ =	shalt  }
0x81: {  	_ =	shalt  }
0x82: {  	_ =	shalt  }
0x83: {  	_ =	shalt  }
0x84: {  	_ =	shalt  }
0x85: {  	_ =	shalt  }
0x86: {  	_ =	shalt  }
0x87: {  	_ =	shalt  }
.Lfunc_end0:
.L_simem_size_0:
called_computation_lowered:
.L_overlay_start_0:
0x88: {  	s2 =	sld [smem:$0x3FD9]  }
0x89: {  	s3 =	sld [smem:$0x3FFE];
	_ =	sdelay $0x1  }
0x8a: {  	s1 =	srdreg.scid  }
0x8b: {  	s0 =	sand.u32 $0x1, s1  }
0x8c: {  	s17 =	sshll.u32 s0, $0xA;
	s2 =	sadd.s32 s3, s2  }
0x8d: {  	s2 =	sadd.s32 s2, s17  }
0x8e: {  	[smem:$0x3FC2] =	sst s2  }
0x8f: {  	_ = 	snop  }
0x90: {  	s2 =	sld [smem:$0x3FD0];
	(tm) =	ssettm $0x1  }
0x91: {  	s18 =	sld [smem:$0x3FFB];
	_ =	sdelay $0x3  }
0x92: {  	_ =	strace s18  }
0x93: {  	s3 =	sld [smem:$0x3FFC];
	_ =	sdelay $0x3  }
0x94: {  	_ =	strace s3  }
0x95: {  	s3 =	sld [smem:$0x3FFD];
	_ =	sdelay $0x3  }
0x96: {  	_ =	strace s3  }
0x97: {  	_ =	strace $0x8FFFFFFF  }
0x98: {  	s19 =	sld [smem:$0x3FDB];
	_ =	sdelay $0x1  }
0x99: {  	s4 =	simm.s32 $_scs_section_size  }
0x9a: {  	s5 =	simm.s32 $_size__tile_overlayer_lowered;
	s6 =	simm.s32 $_tile_overlayer_lowered  }
0x9b: {  	s22 =	simm.s32 $0x1BFF;
	s21 =	sshll.u32 s6, $0x1;
	s3 =	sadd.s32 s4, s19  }
0x9c: {  	s7 =	simm.s32 $0x0;
	s20 =	sshll.u32 s5, $0x1;
	s5 =	sadd.s32 s21, s3  }
0x9d: {  	[timem:s7], [sflag:s22] =	dma.local [hbm:s5], s20  }
0x9e: {  	_ =	swait.ge [sflag:s22], s20  }
0x9f: {  	s4 =	ssub.s32 $0x0, s20;
	[sflag:s22] =	ssyncset.done $0x0  }
0xa0: {  	[sflag:s22] =	ssyncadd.s32 s4;
	_ =	sdelay $0x1  }
0xa1: {  	s23 =	simm.s32 $0x1B8B  }
0xa2: {  	_ =	swait.ge [sflag:s23], $0x1  }
0xa3: {  	[sflag:s23] =	ssyncset.done $0x0  }
0xa4: {  	s25 =	simm.s32 $0x1B8E;
	s24 =	sld [smem:$0x3FFE];
	[sflag:s23] =	ssyncadd.s32 $0xFFFFFFFF  }
0xa5: {  	s26 =	simm.s32 $execute0_lowered;
	[smem:$0x3FD2] =	sst s25  }
0xa6: {  	s5 =	sshll.u32 s26, $0x1;
	_ =	strace $0x80000046;
	[dreg:$0x1] =	wrdreg $0xFFFFFFFF  }
0xa7: {  	s28 =	simm.s32 $_size_execute0_lowered;
	s3 =	sadd.s32 s3, s5;
	[dreg:$0x0] =	wrdreg $0x0  }
0xa8: {  	s5 =	sshll.u32 s28, $0x1;
	[dreg:$0x2] =	wrdreg s3  }
0xa9: {  	[dreg:$0x3] =	wrdreg s5  }
0xaa: {  	[dreg:$0x4] =	wrdreg $0xC0  }
0xab: {  	_ =	task [dreg:s7], $0x5FFFF  }
0xac: {  	[dreg:$0x1] =	wrdreg $0xFFFFFFFF  }
0xad: {  	[dreg:$0x0] =	wrdreg $0x60  }
0xae: {  	[dreg:$0x2] =	wrdreg s2  }
0xaf: {  	[dreg:$0x3] =	wrdreg s24  }
0xb0: {  	[dreg:$0x4] =	wrdreg $0x0  }
0xb1: {  	[dreg:$0x5] =	wrdreg $0x2800  }
0xb2: {  	[dreg:$0x6] =	wrdreg $0x9  }
0xb3: {  	_ =	task.clear_ibuf [dreg:s7], $0x7FFFF;
	_ =	strace $0x90000046  }
0xb4: {  	s29 =	simm.s32 $0x9;
	_ =	strace $0x80000048  }
0xb5: {  	_ =	swait.ge [sflag:s29], $0x1  }
0xb6: {  	[sflag:s29] =	ssyncadd.s32 $0xFFFFFFFF  }
0xb7: {  	_ =	strace $0x90000048  }
0xb8: {  	_ =	sfence  }
0xb9: {  	s30 =	sld [smem:$0x0];
	_ =	sdelay $0x2  }
0xba: {  	s31 =	sshll.u32 s1, $0xD;
	s1 =	sshrl.u32 s1, $0x2  }
0xbb: {  	s3 =	sand.u32 $0x4000, s31;
	s1 =	sadd.s32 s1, s30  }
0xbc: {  	s0 =	sor.u32 s3, s0;
	s1 =	sshll.u32 s1, $0x11  }
0xbd: {  	s0 =	sor.u32 s1, s0  }
0xbe: {  	s0 =	sadd.s32 $0x8F2B, s0  }
0xbf: {  	[sflag:s0] =	ssyncadd.remote.s32 $0x1  }
0xc0: {  	_ =	sfence.sel $0xFFFF  }
0xc1: {  	[dreg:$0x0] =	wrdreg $0xFFFFFFFF;
	(pc) =	sbr.abs _section_cstart, $3  }
0xc2: {  	[dreg:$0x1] =	wrdreg $0xFFFFFFFF  }
0xc3: {  	_ =	task.clear_ibuf [dreg:s7], $0x2FFFF;
	_ =	strace $0x9FFFFFFF  }
0xc4: {  	(tm) =	ssettm $0x7FFFFFFF  }
0xc5: {  	_ =	shalt  }
tec
execute0_lowered:
.L_overlay_start_1:
0x0: {  	(tag) =	ssettag $0x1  }
0x1: {  	s11 =	rddreg [dreg:$0x0]  }
0x2: {  	s6 =	rddreg [dreg:$0x1]  }
0x3: {  	s2 =	rddreg [dreg:$0x2]  }
0x4: {  	s3 =	rddreg [dreg:$0x3]  }
0x5: {  	s0 =	rddreg [dreg:$0x4];
	s1 =	stileid.u32  }
0x6: {  	s5 =	srdreg.scid;
	s8 =	smul.u32 $0x280, s1  }
0x7: {  	s4 =	simm.s32 $0x0;
	s18 =	simm.s32 $0x0;
	s29 =	smul.u32 $0x2800, s1  }
0x8: {  	s9 =	sand.u32 $0x1, s5;
	[smem:$0x7FF] =	sst s4;
	s16 =	smul.u32 $0x500, s1  }
0x9: {  	s5 =	sadd.s32 $0x2400, s6;
	s30 =	sshll.u32 s1, $0x6;
	s7 =	smul.u32 $0x5000, s9  }
0xa: {  	_ =	strace $0x80000047;
	s12 =	ssub.s32 $0x2, s9;
	p0 =	seq.s32 s9, $0x1  }
0xb: {  	s10 =	sshrl.u32 s8, $0x3;
	s13 =	sshrl.u32 s12, $0x1;
	s15 =	sadd.s32 s8, s2  }
0xc: {  	s31 =	sshrl.u32 s29, $0x3;
	s17 =	sadd.s32 s8, s3;
	s7 =	sadd.s32 s8, s7  }
0xd: {  	s10 =	sadd.s32 s10, s6;
	s12 =	ssub.s32 s12, s13;
	s7 =	sshrl.u32 s7, $0x3  }
0xe: {  	s13 =	simm.s32 $0x1;
	s14 =	sadd.s32 s7, s6;
	s6 =	sadd.s32 $0x1E00, s10  }
0xf: {  	s7 =	sor.u32 $0x1C01, s30;
	s10 =	sadd.s32 $0x5000, s31;
	s8 =	sadd.s32 $0x2600, s14  }
0x10: {  	s9 =	sadd.s32 $0x2B00, s14;
	s16 =	smov.u32 @p0 s10;
	s10 =	smax.u32 s12, $0x1  }
0x11: {  	s12 =	sshrl.u32 s15, $0x3;
	s14 =	sshrl.u32 s17, $0x3;
	s15 =	simm.s32 $0x500  }
0x12: {  	s17 =	simm.s32 $0x80;
	s11 =	sadd.s32 s11, s16;
	s16 =	simm.s32 $0x580  }
.LBB2_1:
0x13: {  	[spmem:s12], [sflag:s7] =	dma.local [hbm:s6], $0x50  }
0x14: {  	_ =	swait.ge [sflag:s13], $0x50  }
0x15: {  	[sflag:s13] =	ssyncset.done $0x0  }
0x16: {  	[sflag:s13] =	ssyncadd.s32 $0xFFFFFFB0  }
0x17: {  	[spmem:s14], [sflag:s7] =	dma.local [hbm:s6], $0x50  }
0x18: {  	_ =	swait.ge [sflag:s13], $0x50  }
0x19: {  	[sflag:s13] =	ssyncset.done $0x0  }
0x1a: {  	[sflag:s13] =	ssyncadd.s32 $0xFFFFFFB0  }
0x1b: {  	[tilespmem:s15], [sflag:$0x1] =	stream.linear.gather [hbm4b:s5+s4], $0x80, $0x38;
	[tilespmem:$0x2D80] =	vst v63  }
0x1c: {  	_ =	swait.ge [sflag:s13], $0x80  }
0x1d: {  	[sflag:s13] =	ssyncset.done $0x0  }
0x1e: {  	[sflag:s13] =	ssyncadd.s32 $0xFFFFFF80  }
0x1f: {  	[tilespmem:s16], [sflag:$0x1] =	stream.linear.gather [hbm4b:s11+s4], $0x2800, $0x38;
	[tilespmem:$0x2D80] =	vst v63  }
0x20: {  	_ =	swait.ge [sflag:s13], $0x2800  }
0x21: {  	[sflag:s13] =	ssyncset.done $0x0  }
0x22: {  	[sflag:s13] =	ssyncadd.s32 $0xFFFFD800  }
0x23: {  	s19 =	simm.s32 $0x580;
	[bflag:$0x0] =	sbarrier.arrive $0xFFFF  }
0x24: {  	[spmem:s2] =	stream.indirect.scatter.add.f32 [tilespmem:s15], [sflag:$0x1], $0x1, s19, s17, $0xb8;
	[tilespmem:$0x2D80] =	vst v63  }
0x25: {  	_ =	swait.ge [sflag:s13], $0x80  }
0x26: {  	[sflag:s13] =	ssyncset.done $0x0  }
0x27: {  	s31 =	simm.s32 $0x600;
	[sflag:s13] =	ssyncadd.s32 $0xFFFFFF80  }
0x28: {  	[spmem:s3] =	stream.indirect.scatter.add.f32 [tilespmem:s15], [sflag:$0x1], $0x1, s31, s17, $0xb8;
	[tilespmem:$0x2D80] =	vst v63  }
0x29: {  	_ =	swait.ge [sflag:s13], $0x80  }
0x2a: {  	s20 =	simm.s32 $0x800;
	s19 =	simm.s32 $0x100;
	[sflag:s13] =	ssyncset.done $0x0  }
.LBB2_2:
0x2b: {  	s21 =	sadd.s32 $0x580, s19  }
0x2c: {  	[sflag:s13] =	ssyncadd.s32 $0xFFFFFF80;
	s22 =	smov.u32 s20;
	s23 =	sadd.s32 $0x400, s20  }
0x2d: {  	[spmem:s2] =	stream.indirect.scatter.add.f32 [tilespmem:s15], [sflag:$0x1], $0x1, s21, s17, $0xb8;
	[tilespmem:$0x2D80] =	vst v63  }
0x2e: {  	p0 =	sne.s32 s20, $0x9C00;
	_ =	swait.ge [sflag:s13], $0x80  }
.Ltmp0:
0x2f: {  	[sflag:s13] =	ssyncset.done $0x0;
	(pc) =	sbr.rel @p0 .LBB2_2-.Ltmp0, $4  }
0x30: {  	s19 =	sadd.s32 $0x600, s19;
	[sflag:s13] =	ssyncadd.s32 $0xFFFFFF80  }
0x31: {  	[spmem:s3] =	stream.indirect.scatter.add.f32 [tilespmem:s15], [sflag:$0x1], $0x1, s19, s17, $0xb8;
	[tilespmem:$0x2D80] =	vst v63  }
0x32: {  	_ =	swait.ge [sflag:s13], $0x80  }
0x33: {  	s20 =	smov.u32 s23;
	s19 =	sshra.s32 s22, $0x2;
	[sflag:s13] =	ssyncset.done $0x0  }
0x34: {  	s20 =	sadd.s32 $0x580, s19;
	[sflag:s13] =	ssyncadd.s32 $0xFFFFFF80  }
0x35: {  	[spmem:s2] =	stream.indirect.scatter.add.f32 [tilespmem:s15], [sflag:$0x1], $0x1, s20, s17, $0xb8;
	[tilespmem:$0x2D80] =	vst v63  }
0x36: {  	_ =	swait.ge [sflag:s13], $0x80  }
0x37: {  	[sflag:s13] =	ssyncset.done $0x0  }
0x38: {  	s31 =	sadd.s32 $0x600, s19;
	[sflag:s13] =	ssyncadd.s32 $0xFFFFFF80  }
0x39: {  	[spmem:s3] =	stream.indirect.scatter.add.f32 [tilespmem:s15], [sflag:$0x1], $0x1, s31, s17, $0xb8;
	[tilespmem:$0x2D80] =	vst v63  }
0x3a: {  	_ =	swait.ge [sflag:s13], $0x80  }
0x3b: {  	[sflag:s13] =	ssyncset.done $0x0  }
0x3c: {  	[sflag:s13] =	ssyncadd.s32 $0xFFFFFF80  }
0x3d: {  	[bflag:$0x0] =	sbarrier.arrive $0xFFFF  }
0x3e: {  	[hbm:s8], [sflag:s7] =	dma.local [spmem:s12], $0x50  }
0x3f: {  	s18 =	sadd.s32 $0x1, s18;
	_ =	swait.ge [sflag:s13], $0x50  }
0x40: {  	p0 =	sne.s32 s18, s10;
	[sflag:s13] =	ssyncset.done $0x0  }
.Ltmp1:
0x41: {  	[sflag:s13] =	ssyncadd.s32 $0xFFFFFFB0;
	(pc) =	sbr.rel @p0 .LBB2_1-.Ltmp1, $4  }
0x42: {  	[hbm:s9], [sflag:s7] =	dma.local [spmem:s14], $0x50  }
0x43: {  	_ =	swait.ge [sflag:s13], $0x50  }
0x44: {  	[sflag:s13] =	ssyncset.done $0x0  }
0x45: {  	[sflag:s13] =	ssyncadd.s32 $0xFFFFFFB0  }
0x46: {  	_ =	sfence.sel $0x180000  }
0x47: {  	[bflag:$0x0] =	sbarrier.arrive $0xFFFF  }
0x48: {  	p0 =	sne.s32 s1, $0x0;
	_ =	strace $0x90000047  }
0x49: {  	s0 =	sadd.s32 @!p0 $0x100000, s0;
	[bflag:$0x2] =	sbarrier.arrive $0xFFFF  }
0x4a: {  	[sflag:s0] =	ssyncadd.tile.s32 @!p0 $0x1;
	_ =	shalt  }
.Lfunc_end2:
_tile_overlayer_lowered:
.L_overlay_start_2:
0x4b: {  	(tag) =	ssettag $0x2  }
0x4c: {  	s0 =	rddreg [dreg:$0x0];
	s2 =	stileid.u32  }
0x4d: {  	s1 =	rddreg [dreg:$0x1];
	p0 =	sne.s32 s2, $0x0  }
0x4e: {  	s3 =	rddreg [dreg:$0x2];
	[bflag:$0x3] =	sbarrier.arrive $0xFFFF;
	s2 =	simm.s32 @!p0 $0x1C01  }
0x4f: {  	[timem:s3], [sflag:s2] =	dma.local @!p0 [hbm:s0], s1  }
0x50: {  	s0 =	simm.s32 @!p0 $0x1  }
0x51: {  	_ =	swait.ge @!p0 [sflag:s0], s1  }
0x52: {  	s1 =	ssub.s32 @!p0 $0x0, s1;
	[sflag:s0] =	ssyncset.done @!p0 $0x0  }
0x53: {  	[sflag:s0] =	ssyncadd.s32 @!p0 s1  }
0x54: {  	[bflag:$0x3] =	sbarrier.arrive $0xFFFF  }
0x55: {  	_ =	shalt  }

</sc_bundles>
